<compile_context>
chip_gen: v7x
topology: tpu7x:2x2x1
jax: 0.10.2.dev20260603
libtpu: 0.0.44.dev20260713+nightly
codegen_flags: <defaults>
</compile_context>

<pallas_src>
import dataclasses
import functools

import jax
import jax.numpy as jnp
from jax.experimental import pallas as pl
from jax.experimental.pallas import tpu as pltpu
from jax.experimental.pallas import tpu_sc as plsc

B, T, D = 16, 4096, 128
H1, H2 = 512, 32
TT = 8192


def _mlp_body(x_ref, w1_ref, b1_ref, w2_ref, b2_ref, w3_ref, b3_ref, o_ref):
    x = x_ref[...].astype(jnp.bfloat16)
    w1 = w1_ref[...].astype(jnp.bfloat16)
    h = jax.lax.dot_general(x, w1, (((1,), (0,)), ((), ())),
                            preferred_element_type=jnp.float32)
    h = jnp.maximum(h + b1_ref[...], 0.0).astype(jnp.bfloat16)
    w2 = w2_ref[...].astype(jnp.bfloat16)
    h2 = jax.lax.dot_general(h, w2, (((1,), (0,)), ((), ())),
                             preferred_element_type=jnp.float32)
    h2 = h2 + b2_ref[...]
    h3 = jnp.sum(h2 * w3_ref[...], axis=1) + b3_ref[0, 0]
    o_ref[...] = jax.nn.sigmoid(h3).reshape(TT // 128, 128)


_LANES = 16


def _sc_select_body(lgf_hbm, sl_hbm, o_hbm, fbuf, svbuf, obuf, sem, sem2):
    c = jax.lax.axis_index("c")
    s = jax.lax.axis_index("s")

    @pl.when(c == 0)
    def _():
        bag = s
        cp_sl = pltpu.async_copy(sl_hbm, svbuf, sem2)
        pltpu.async_copy(lgf_hbm.at[bag], fbuf.at[pl.ds(0, T)], sem).wait()
        cp_sl.wait()

        lane = jax.lax.iota(jnp.int32, _LANES)
        sv = svbuf[...]
        bag_vec = jnp.full((_LANES,), bag, jnp.int32)
        L = jax.lax.reduce_max(jnp.where(lane == bag_vec, sv, 0), (0,))
        k = L // 16 + 1
        nc = (L + _LANES - 1) // _LANES

        neg1f = jnp.full((_LANES,), -1.0, jnp.float32)
        base = (nc - 1) * _LANES
        bm = base + lane < jnp.full((_LANES,), L, jnp.int32)
        fbuf[pl.ds(base, _LANES)] = jnp.where(bm, fbuf[pl.ds(base, _LANES)],
                                              neg1f)
        for g in range(1, 8):
            fbuf[pl.ds((nc - 1 + g) * _LANES, _LANES)] = neg1f

        k_vec = jnp.full((_LANES,), k, jnp.int32)
        one = jnp.full((_LANES,), 1, jnp.int32)
        zero = jnp.full((_LANES,), 0, jnp.int32)

        t = zero
        for sh in range(28, -1, -2):
            c1 = plsc.bitcast(t | jnp.full((_LANES,), 1 << sh, jnp.int32),
                              jnp.float32)
            c2 = plsc.bitcast(t | jnp.full((_LANES,), 2 << sh, jnp.int32),
                              jnp.float32)
            c3 = plsc.bitcast(t | jnp.full((_LANES,), 3 << sh, jnp.int32),
                              jnp.float32)

            def cnt_body(i, accs, c1=c1, c2=c2, c3=c3):
                a1, a2, a3, b1_, b2_, b3_ = accs
                b0 = i * (2 * _LANES)
                x = fbuf[pl.ds(b0, _LANES)]
                y = fbuf[pl.ds(b0 + _LANES, _LANES)]
                return (a1 + jnp.where(x >= c1, one, zero),
                        a2 + jnp.where(x >= c2, one, zero),
                        a3 + jnp.where(x >= c3, one, zero),
                        b1_ + jnp.where(y >= c1, one, zero),
                        b2_ + jnp.where(y >= c2, one, zero),
                        b3_ + jnp.where(y >= c3, one, zero))

            a1, a2, a3, b1_, b2_, b3_ = jax.lax.fori_loop(
                0, (nc + 1) // 2, cnt_body, (zero,) * 6)
            t1 = jnp.full((_LANES,), jax.lax.reduce_sum(a1 + b1_, (0,)),
                          jnp.int32)
            t2 = jnp.full((_LANES,), jax.lax.reduce_sum(a2 + b2_, (0,)),
                          jnp.int32)
            t3 = jnp.full((_LANES,), jax.lax.reduce_sum(a3 + b3_, (0,)),
                          jnp.int32)
            t = jnp.where(t3 >= k_vec, plsc.bitcast(c3, jnp.int32),
                          jnp.where(t2 >= k_vec, plsc.bitcast(c2, jnp.int32),
                                    jnp.where(t1 >= k_vec,
                                              plsc.bitcast(c1, jnp.int32), t)))

        tf = plsc.bitcast(t, jnp.float32)
        fz = jnp.full((_LANES,), 0.0, jnp.float32)

        def ex_body(i, accs):
            b0 = i * (8 * _LANES)
            xs = [fbuf[pl.ds(b0 + u * _LANES, _LANES)] for u in range(8)]
            return tuple(a + jnp.where(x > tf, x - tf, fz)
                         for a, x in zip(accs, xs))

        eaccs = jax.lax.fori_loop(0, (nc + 7) // 8, ex_body, (fz,) * 8)
        ex = jax.lax.reduce_sum(functools.reduce(jnp.add, eaccs), (0,))
        kf_vec = k_vec.astype(jnp.float32)
        ex_vec = jnp.full((_LANES,), ex, jnp.float32)
        obuf[...] = (kf_vec * tf + ex_vec) / kf_vec
        pltpu.async_copy(obuf, o_hbm.at[bag], sem).wait()


def _sc_select(logits, seq_len):
    mesh = plsc.VectorSubcoreMesh(core_axis_name="c", subcore_axis_name="s")
    cp = pltpu.CompilerParams()
    if "needs_layout_passes" in pltpu.CompilerParams.__dataclass_fields__:
        cp = dataclasses.replace(cp, needs_layout_passes=False)
    run = pl.kernel(
        _sc_select_body,
        out_type=jax.ShapeDtypeStruct((B, _LANES), jnp.float32),
        mesh=mesh,
        compiler_params=cp,
        scratch_types=[
            pltpu.VMEM((T + 128,), jnp.float32),
            pltpu.VMEM((_LANES,), jnp.int32),
            pltpu.VMEM((_LANES,), jnp.float32),
            pltpu.SemaphoreType.DMA,
            pltpu.SemaphoreType.DMA,
        ],
    )
    return run(logits, seq_len)[:, 0]


def kernel(avf_out, seq_len, W1, b1, W2, b2, W3, b3):
    x2d = avf_out.reshape(B * T, D)
    logits = pl.pallas_call(
        _mlp_body,
        grid=(B * T // TT,),
        in_specs=[
            pl.BlockSpec((TT, D), lambda i: (i, 0)),
            pl.BlockSpec((D, H1), lambda i: (0, 0)),
            pl.BlockSpec((1, H1), lambda i: (0, 0)),
            pl.BlockSpec((H1, H2), lambda i: (0, 0)),
            pl.BlockSpec((1, H2), lambda i: (0, 0)),
            pl.BlockSpec((1, H2), lambda i: (0, 0)),
            pl.BlockSpec((1, 1), lambda i: (0, 0)),
        ],
        out_specs=pl.BlockSpec((TT // 128, 128), lambda i: (i, 0)),
        out_shape=jax.ShapeDtypeStruct((B * T // 128, 128), jnp.float32),
    )(x2d, W1, b1.reshape(1, H1), W2, b2.reshape(1, H2),
      W3.reshape(1, H2), b3.reshape(1, 1))

    return _sc_select(logits.reshape(B, T), seq_len)

# --- scband reference (transcript-rebuilt; emitter-appended) ---
"""Pipeline reference for scband-mil-17051020165232 (READ-ONLY COPY).

The authoritative reference and input builder live on the scoring server;
editing this copy changes nothing except your own understanding.
"""

import jax, jax.numpy as jnp
import numpy as np

B, T, D = 16, 4096, 128

def _linear_init(key, fan_in, fan_out):
    k1, k2 = jax.random.split(key)
    bound = 1.0 / np.sqrt(fan_in)
    W = jax.random.uniform(k1, (fan_in, fan_out), minval=-bound, maxval=bound, dtype=jnp.float32)
    b = jax.random.uniform(k2, (fan_out,), minval=-bound, maxval=bound, dtype=jnp.float32)
    return W, b

def setup_inputs(seed: int = 0) -> dict:
    key = jax.random.key(seed)
    ks = jax.random.split(key, 5)
    avf_out = jax.random.normal(ks[0], (B, T, D), dtype=jnp.float32)
    # seq_len in [1, T] so every bag has at least one valid instance
    seq_len = jax.random.randint(ks[1], (B,), 1, T + 1, dtype=jnp.int32)
    W1, b1 = _linear_init(ks[2], D, 512)
    W2, b2 = _linear_init(ks[3], 512, 32)
    W3, b3 = _linear_init(ks[4], 32, 1)
    return {"avf_out": avf_out, "seq_len": seq_len, "W1": W1, "b1": b1, "W2": W2, "b2": b2, "W3": W3, "b3": b3}

def reference(avf_out, seq_len, W1, b1, W2, b2, W3, b3):
    # regressor (eval mode: dropout = identity)
    h = jax.nn.relu(jnp.dot(avf_out, W1) + b1)
    h = jnp.dot(h, W2) + b2
    logits = jax.nn.sigmoid(jnp.dot(h, W3) + b3)[..., 0]  # squeeze -> [B, T]
    # MIL filter: per-bag top-(L//16+1) over the valid prefix, then mean
    T_len = logits.shape[1]
    k_max = T_len // 16 + 1
    pos = jnp.arange(T_len)
    kpos = jnp.arange(k_max)
    outs = []
    for i in range(logits.shape[0]):
        L = seq_len[i]
        k = L // 16 + 1
        masked = jnp.where(pos < L, logits[i], -jnp.inf)
        vals, _ = jax.lax.top_k(masked, k_max)
        total = jnp.sum(jnp.where(kpos < k, vals, 0.0))
        outs.append(total / k)
    return jnp.stack(outs)  # [B]

if __name__ == "__main__":
    import jax
    _d = setup_inputs()
    print(jax.jit(kernel)(*tuple(_d.values())))

</pallas_src>

<mosaic_0001>
#map = affine_map<(d0, d1) -> (0, 0)>
#map1 = affine_map<(d0, d1) -> (0)>
module attributes {stable_mosaic.version = 14 : i64} {
  func.func @_sc_select_body(%arg0: i32, %arg1: i32, %arg2: memref<16x4096xf32, #tpu.memory_space<hbm>>, %arg3: memref<16xi32, #tpu.memory_space<hbm>>, %arg4: memref<16x16xf32, #tpu.memory_space<hbm>>, %arg5: memref<4224xf32, #tpu.memory_space<vmem>>, %arg6: memref<16xi32, #tpu.memory_space<vmem>>, %arg7: memref<16xf32, #tpu.memory_space<vmem>>, %arg8: memref<!tpu.dma_semaphore, #tpu.memory_space<semaphore_mem>>, %arg9: memref<!tpu.dma_semaphore, #tpu.memory_space<semaphore_mem>>) attributes {dimension_semantics = [#tpu.dimension_semantics<core_parallel>, #tpu.dimension_semantics<subcore_parallel>], iteration_bounds = array<i64: 2, 16>, scalar_prefetch = 0 : i64, scratch_operands = 5 : i64, tpu.core_type = #tpu.core_type<sc_vector_subcore>, window_params = [{transform_indices = #map}, {transform_indices = #map1}, {transform_indices = #map}]} {
    %eq3A = arith.constant 0 : i32
    %eq3A_0 = arith.cmpi eq, %arg0, %eq3A : i32
    %convert_element_type3A = arith.extui %eq3A_0 : i1 to i32
    %cond3A = arith.constant 0 : i32
    %cond3A_1 = arith.cmpi ne, %convert_element_type3A, %cond3A : i32
    scf.if %cond3A_1 {
      tpu.enqueue_dma source(%arg3 : memref<16xi32, #tpu.memory_space<hbm>>) target(%arg6 : memref<16xi32, #tpu.memory_space<vmem>>) target_semaphore(%arg9 : memref<!tpu.dma_semaphore, #tpu.memory_space<semaphore_mem>>)
      %dma_start3A = arith.constant 0 : i32
      %dma_start3A_2 = tpu.memref_slice %arg5[%dma_start3A] : memref<4224xf32, #tpu.memory_space<vmem>> -> memref<4096xf32, #tpu.memory_space<vmem>>
      %dma_start3A_3 = arith.constant 0 : i32
      %dma_start3A_4 = tpu.memref_slice %arg2[%arg1, %dma_start3A_3] : memref<16x4096xf32, #tpu.memory_space<hbm>> -> memref<1x4096xf32, #tpu.memory_space<hbm>>
      %dma_start3A_5 = tpu.memref_squeeze %dma_start3A_4 : memref<1x4096xf32, #tpu.memory_space<hbm>> -> memref<4096xf32, #tpu.memory_space<hbm>>
      %dma_start3A_6 = arith.constant 0 : i32
      %dma_start3A_7 = tpu.memref_slice %arg5[%dma_start3A_6] : memref<4224xf32, #tpu.memory_space<vmem>> -> memref<4096xf32, #tpu.memory_space<vmem>>
      %dma_start3A_8 = arith.constant 0 : i32
      %dma_start3A_9 = tpu.memref_slice %arg2[%arg1, %dma_start3A_8] : memref<16x4096xf32, #tpu.memory_space<hbm>> -> memref<1x4096xf32, #tpu.memory_space<hbm>>
      %dma_start3A_10 = tpu.memref_squeeze %dma_start3A_9 : memref<1x4096xf32, #tpu.memory_space<hbm>> -> memref<4096xf32, #tpu.memory_space<hbm>>
      tpu.enqueue_dma source(%dma_start3A_10 : memref<4096xf32, #tpu.memory_space<hbm>>) target(%dma_start3A_7 : memref<4096xf32, #tpu.memory_space<vmem>>) target_semaphore(%arg8 : memref<!tpu.dma_semaphore, #tpu.memory_space<semaphore_mem>>)
      %dma_wait3A = arith.constant 0 : i32
      %dma_wait3A_11 = tpu.memref_slice %arg5[%dma_wait3A] : memref<4224xf32, #tpu.memory_space<vmem>> -> memref<4096xf32, #tpu.memory_space<vmem>>
      %dma_wait3A_12 = arith.constant 0 : i32
      %dma_wait3A_13 = tpu.memref_slice %arg2[%arg1, %dma_wait3A_12] : memref<16x4096xf32, #tpu.memory_space<hbm>> -> memref<1x4096xf32, #tpu.memory_space<hbm>>
      %dma_wait3A_14 = tpu.memref_squeeze %dma_wait3A_13 : memref<1x4096xf32, #tpu.memory_space<hbm>> -> memref<4096xf32, #tpu.memory_space<hbm>>
      %dma_wait3A_15 = arith.constant 0 : i32
      %dma_wait3A_16 = tpu.memref_slice %arg5[%dma_wait3A_15] : memref<4224xf32, #tpu.memory_space<vmem>> -> memref<4096xf32, #tpu.memory_space<vmem>>
      %dma_wait3A_17 = arith.constant 0 : i32
      %dma_wait3A_18 = tpu.memref_slice %arg2[%arg1, %dma_wait3A_17] : memref<16x4096xf32, #tpu.memory_space<hbm>> -> memref<1x4096xf32, #tpu.memory_space<hbm>>
      %dma_wait3A_19 = tpu.memref_squeeze %dma_wait3A_18 : memref<1x4096xf32, #tpu.memory_space<hbm>> -> memref<4096xf32, #tpu.memory_space<hbm>>
      tpu.wait_dma2 semaphore(%arg8 : memref<!tpu.dma_semaphore, #tpu.memory_space<semaphore_mem>>) src(%dma_wait3A_19 : memref<4096xf32, #tpu.memory_space<hbm>>) dst(%dma_wait3A_16 : memref<4096xf32, #tpu.memory_space<vmem>>)
      tpu.wait_dma2 semaphore(%arg9 : memref<!tpu.dma_semaphore, #tpu.memory_space<semaphore_mem>>) src(%arg3 : memref<16xi32, #tpu.memory_space<hbm>>) dst(%arg6 : memref<16xi32, #tpu.memory_space<vmem>>)
      %iota3A = tpu.iota {dimensions = array<i32: 0>} : vector<16xi32>
      %get3A = arith.constant 0 : index
      %get3A_20 = tpu.vector_load %arg6[%get3A] {strides = array<i32>} : memref<16xi32, #tpu.memory_space<vmem>>, vector<16xi32>,
      %broadcast_in_dim3A = vector.broadcast %arg1 : i32 to vector<16xi32>
      %eq3A_21 = arith.cmpi eq, %iota3A, %broadcast_in_dim3A : vector<16xi32>
      %jit3A = arith.constant 0 : i32
      %broadcast_in_dim3A_22 = vector.broadcast %jit3A : i32 to vector<16xi32>
      %select_n3A = arith.select %eq3A_21, %get3A_20, %broadcast_in_dim3A_22 : vector<16xi1>, vector<16xi32>
      %reduce_max3A = arith.constant true
      %reduce_max3A_23 = vector.broadcast %reduce_max3A : i1 to vector<16xi1>
      %reduce_max3A_24 = arith.constant -2147483648 : i32
      %reduce_max3A_25 = vector.broadcast %reduce_max3A_24 : i32 to vector<16xi32>
      %reduce_max3A_26 = arith.xori %select_n3A, %reduce_max3A_25 : vector<16xi32>
      %reduce_max3A_27 = tpu.scan <max>, %reduce_max3A_26 masked %reduce_max3A_23 : vector<16xi32>, vector<16xi1> -> vector<16xi32>
      %reduce_max3A_28 = arith.xori %reduce_max3A_27, %reduce_max3A_25 : vector<16xi32>
      %reduce_max3A_29 = vector.extract %reduce_max3A_28[15] : i32 from vector<16xi32>
      %jit3A_30 = arith.constant 16 : i32
      %div3A = arith.divsi %reduce_max3A_29, %jit3A_30 : i32
      %sign3A = arith.constant 0 : i32
      %sign3A_31 = arith.cmpi sgt, %reduce_max3A_29, %sign3A : i32
      %sign3A_32 = arith.extui %sign3A_31 : i1 to i32
      %sign3A_33 = arith.constant 0 : i32
      %sign3A_34 = arith.cmpi slt, %reduce_max3A_29, %sign3A_33 : i32
      %sign3A_35 = arith.extui %sign3A_34 : i1 to i32
      %sign3A_36 = arith.subi %sign3A_32, %sign3A_35 : i32
      %sign3A_37 = arith.constant 0 : i32
      %sign3A_38 = arith.cmpi sgt, %jit3A_30, %sign3A_37 : i32
      %sign3A_39 = arith.extui %sign3A_38 : i1 to i32
      %sign3A_40 = arith.constant 0 : i32
      %sign3A_41 = arith.cmpi slt, %jit3A_30, %sign3A_40 : i32
      %sign3A_42 = arith.extui %sign3A_41 : i1 to i32
      %sign3A_43 = arith.subi %sign3A_39, %sign3A_42 : i32
      %ne3A = arith.cmpi ne, %sign3A_36, %sign3A_43 : i32
      %rem3A = arith.remsi %reduce_max3A_29, %jit3A_30 : i32
      %ne3A_44 = arith.constant 0 : i32
      %ne3A_45 = arith.cmpi ne, %rem3A, %ne3A_44 : i32
      %and3A = arith.andi %ne3A, %ne3A_45 : i1
      %sub3A = arith.constant 1 : i32
      %sub3A_46 = arith.subi %div3A, %sub3A : i32
      %select_n3A_47 = arith.select %and3A, %sub3A_46, %div3A : i32
      %add3A = arith.constant 1 : i32
      %add3A_48 = arith.addi %select_n3A_47, %add3A : i32
      %add3A_49 = arith.constant 16 : i32
      %add3A_50 = arith.addi %reduce_max3A_29, %add3A_49 : i32
      %sub3A_51 = arith.constant 1 : i32
      %sub3A_52 = arith.subi %add3A_50, %sub3A_51 : i32
      %jit3A_53 = arith.constant 16 : i32
      %div3A_54 = arith.divsi %sub3A_52, %jit3A_53 : i32
      %sign3A_55 = arith.constant 0 : i32
      %sign3A_56 = arith.cmpi sgt, %sub3A_52, %sign3A_55 : i32
      %sign3A_57 = arith.extui %sign3A_56 : i1 to i32
      %sign3A_58 = arith.constant 0 : i32
      %sign3A_59 = arith.cmpi slt, %sub3A_52, %sign3A_58 : i32
      %sign3A_60 = arith.extui %sign3A_59 : i1 to i32
      %sign3A_61 = arith.subi %sign3A_57, %sign3A_60 : i32
      %sign3A_62 = arith.constant 0 : i32
      %sign3A_63 = arith.cmpi sgt, %jit3A_53, %sign3A_62 : i32
      %sign3A_64 = arith.extui %sign3A_63 : i1 to i32
      %sign3A_65 = arith.constant 0 : i32
      %sign3A_66 = arith.cmpi slt, %jit3A_53, %sign3A_65 : i32
      %sign3A_67 = arith.extui %sign3A_66 : i1 to i32
      %sign3A_68 = arith.subi %sign3A_64, %sign3A_67 : i32
      %ne3A_69 = arith.cmpi ne, %sign3A_61, %sign3A_68 : i32
      %rem3A_70 = arith.remsi %sub3A_52, %jit3A_53 : i32
      %ne3A_71 = arith.constant 0 : i32
      %ne3A_72 = arith.cmpi ne, %rem3A_70, %ne3A_71 : i32
      %and3A_73 = arith.andi %ne3A_69, %ne3A_72 : i1
      %sub3A_74 = arith.constant 1 : i32
      %sub3A_75 = arith.subi %div3A_54, %sub3A_74 : i32
      %select_n3A_76 = arith.select %and3A_73, %sub3A_75, %div3A_54 : i32
      %broadcast_in_dim3A_77 = arith.constant -1.000000e+00 : f32
      %broadcast_in_dim3A_78 = vector.broadcast %broadcast_in_dim3A_77 : f32 to vector<16xf32>
      %sub3A_79 = arith.constant 1 : i32
      %sub3A_80 = arith.subi %select_n3A_76, %sub3A_79 : i32
      %mul3A = arith.constant 16 : i32
      %mul3A_81 = arith.muli %sub3A_80, %mul3A : i32
      %add3A_82 = vector.broadcast %mul3A_81 : i32 to vector<16xi32>
      %add3A_83 = arith.addi %add3A_82, %iota3A : vector<16xi32>
      %broadcast_in_dim3A_84 = vector.broadcast %reduce_max3A_29 : i32 to vector<16xi32>
      %lt3A = arith.cmpi slt, %add3A_83, %broadcast_in_dim3A_84 : vector<16xi32>
      %get3A_85 = arith.index_cast %mul3A_81 : i32 to index
      %get3A_86 = tpu.vector_load %arg5[%get3A_85] {strides = array<i32>} : memref<4224xf32, #tpu.memory_space<vmem>>, vector<16xf32>,
      %select_n3A_87 = arith.select %lt3A, %get3A_86, %broadcast_in_dim3A_78 : vector<16xi1>, vector<16xf32>
      %swap3A = arith.index_cast %mul3A_81 : i32 to index
      %swap3A_88 = tpu.vector_load %arg5[%swap3A] {strides = array<i32>} : memref<4224xf32, #tpu.memory_space<vmem>>, vector<16xf32>,
      tpu.vector_store %arg5[%swap3A], %select_n3A_87 {strides = array<i32>} : memref<4224xf32, #tpu.memory_space<vmem>>, vector<16xf32>,
      %sub3A_89 = arith.constant 1 : i32
      %sub3A_90 = arith.subi %select_n3A_76, %sub3A_89 : i32
      %add3A_91 = arith.constant 1 : i32
      %add3A_92 = arith.addi %sub3A_90, %add3A_91 : i32
      %mul3A_93 = arith.constant 16 : i32
      %mul3A_94 = arith.muli %add3A_92, %mul3A_93 : i32
      %swap3A_95 = arith.index_cast %mul3A_94 : i32 to index
      %swap3A_96 = tpu.vector_load %arg5[%swap3A_95] {strides = array<i32>} : memref<4224xf32, #tpu.memory_space<vmem>>, vector<16xf32>,
      tpu.vector_store %arg5[%swap3A_95], %broadcast_in_dim3A_78 {strides = array<i32>} : memref<4224xf32, #tpu.memory_space<vmem>>, vector<16xf32>,
      %sub3A_97 = arith.constant 1 : i32
      %sub3A_98 = arith.subi %select_n3A_76, %sub3A_97 : i32
      %add3A_99 = arith.constant 2 : i32
      %add3A_100 = arith.addi %sub3A_98, %add3A_99 : i32
      %mul3A_101 = arith.constant 16 : i32
      %mul3A_102 = arith.muli %add3A_100, %mul3A_101 : i32
      %swap3A_103 = arith.index_cast %mul3A_102 : i32 to index
      %swap3A_104 = tpu.vector_load %arg5[%swap3A_103] {strides = array<i32>} : memref<4224xf32, #tpu.memory_space<vmem>>, vector<16xf32>,
      tpu.vector_store %arg5[%swap3A_103], %broadcast_in_dim3A_78 {strides = array<i32>} : memref<4224xf32, #tpu.memory_space<vmem>>, vector<16xf32>,
      %sub3A_105 = arith.constant 1 : i32
      %sub3A_106 = arith.subi %select_n3A_76, %sub3A_105 : i32
      %add3A_107 = arith.constant 3 : i32
      %add3A_108 = arith.addi %sub3A_106, %add3A_107 : i32
      %mul3A_109 = arith.constant 16 : i32
      %mul3A_110 = arith.muli %add3A_108, %mul3A_109 : i32
      %swap3A_111 = arith.index_cast %mul3A_110 : i32 to index
      %swap3A_112 = tpu.vector_load %arg5[%swap3A_111] {strides = array<i32>} : memref<4224xf32, #tpu.memory_space<vmem>>, vector<16xf32>,
      tpu.vector_store %arg5[%swap3A_111], %broadcast_in_dim3A_78 {strides = array<i32>} : memref<4224xf32, #tpu.memory_space<vmem>>, vector<16xf32>,
      %sub3A_113 = arith.constant 1 : i32
      %sub3A_114 = arith.subi %select_n3A_76, %sub3A_113 : i32
      %add3A_115 = arith.constant 4 : i32
      %add3A_116 = arith.addi %sub3A_114, %add3A_115 : i32
      %mul3A_117 = arith.constant 16 : i32
      %mul3A_118 = arith.muli %add3A_116, %mul3A_117 : i32
      %swap3A_119 = arith.index_cast %mul3A_118 : i32 to index
      %swap3A_120 = tpu.vector_load %arg5[%swap3A_119] {strides = array<i32>} : memref<4224xf32, #tpu.memory_space<vmem>>, vector<16xf32>,
      tpu.vector_store %arg5[%swap3A_119], %broadcast_in_dim3A_78 {strides = array<i32>} : memref<4224xf32, #tpu.memory_space<vmem>>, vector<16xf32>,
      %sub3A_121 = arith.constant 1 : i32
      %sub3A_122 = arith.subi %select_n3A_76, %sub3A_121 : i32
      %add3A_123 = arith.constant 5 : i32
      %add3A_124 = arith.addi %sub3A_122, %add3A_123 : i32
      %mul3A_125 = arith.constant 16 : i32
      %mul3A_126 = arith.muli %add3A_124, %mul3A_125 : i32
      %swap3A_127 = arith.index_cast %mul3A_126 : i32 to index
      %swap3A_128 = tpu.vector_load %arg5[%swap3A_127] {strides = array<i32>} : memref<4224xf32, #tpu.memory_space<vmem>>, vector<16xf32>,
      tpu.vector_store %arg5[%swap3A_127], %broadcast_in_dim3A_78 {strides = array<i32>} : memref<4224xf32, #tpu.memory_space<vmem>>, vector<16xf32>,
      %sub3A_129 = arith.constant 1 : i32
      %sub3A_130 = arith.subi %select_n3A_76, %sub3A_129 : i32
      %add3A_131 = arith.constant 6 : i32
      %add3A_132 = arith.addi %sub3A_130, %add3A_131 : i32
      %mul3A_133 = arith.constant 16 : i32
      %mul3A_134 = arith.muli %add3A_132, %mul3A_133 : i32
      %swap3A_135 = arith.index_cast %mul3A_134 : i32 to index
      %swap3A_136 = tpu.vector_load %arg5[%swap3A_135] {strides = array<i32>} : memref<4224xf32, #tpu.memory_space<vmem>>, vector<16xf32>,
      tpu.vector_store %arg5[%swap3A_135], %broadcast_in_dim3A_78 {strides = array<i32>} : memref<4224xf32, #tpu.memory_space<vmem>>, vector<16xf32>,
      %sub3A_137 = arith.constant 1 : i32
      %sub3A_138 = arith.subi %select_n3A_76, %sub3A_137 : i32
      %add3A_139 = arith.constant 7 : i32
      %add3A_140 = arith.addi %sub3A_138, %add3A_139 : i32
      %mul3A_141 = arith.constant 16 : i32
      %mul3A_142 = arith.muli %add3A_140, %mul3A_141 : i32
      %swap3A_143 = arith.index_cast %mul3A_142 : i32 to index
      %swap3A_144 = tpu.vector_load %arg5[%swap3A_143] {strides = array<i32>} : memref<4224xf32, #tpu.memory_space<vmem>>, vector<16xf32>,
      tpu.vector_store %arg5[%swap3A_143], %broadcast_in_dim3A_78 {strides = array<i32>} : memref<4224xf32, #tpu.memory_space<vmem>>, vector<16xf32>,
      %broadcast_in_dim3A_145 = vector.broadcast %add3A_48 : i32 to vector<16xi32>
      %broadcast_in_dim3A_146 = arith.constant 1 : i32
      %broadcast_in_dim3A_147 = vector.broadcast %broadcast_in_dim3A_146 : i32 to vector<16xi32>
      %broadcast_in_dim3A_148 = arith.constant 0 : i32
      %broadcast_in_dim3A_149 = vector.broadcast %broadcast_in_dim3A_148 : i32 to vector<16xi32>
      %broadcast_in_dim3A_150 = arith.constant 268435456 : i32
      %broadcast_in_dim3A_151 = vector.broadcast %broadcast_in_dim3A_150 : i32 to vector<16xi32>
      %or3A = arith.ori %broadcast_in_dim3A_149, %broadcast_in_dim3A_151 : vector<16xi32>
      %bitcast3A = vector.bitcast %or3A : vector<16xi32> to vector<16xf32>
      %broadcast_in_dim3A_152 = arith.constant 536870912 : i32
      %broadcast_in_dim3A_153 = vector.broadcast %broadcast_in_dim3A_152 : i32 to vector<16xi32>
      %or3A_154 = arith.ori %broadcast_in_dim3A_149, %broadcast_in_dim3A_153 : vector<16xi32>
      %bitcast3A_155 = vector.bitcast %or3A_154 : vector<16xi32> to vector<16xf32>
      %broadcast_in_dim3A_156 = arith.constant 805306368 : i32
      %broadcast_in_dim3A_157 = vector.broadcast %broadcast_in_dim3A_156 : i32 to vector<16xi32>
      %or3A_158 = arith.ori %broadcast_in_dim3A_149, %broadcast_in_dim3A_157 : vector<16xi32>
      %bitcast3A_159 = vector.bitcast %or3A_158 : vector<16xi32> to vector<16xf32>
      %add3A_160 = arith.constant 1 : i32
      %add3A_161 = arith.addi %select_n3A_76, %add3A_160 : i32
      %jit3A_162 = arith.constant 2 : i32
      %div3A_163 = arith.divsi %add3A_161, %jit3A_162 : i32
      %sign3A_164 = arith.constant 0 : i32
      %sign3A_165 = arith.cmpi sgt, %add3A_161, %sign3A_164 : i32
      %sign3A_166 = arith.extui %sign3A_165 : i1 to i32
      %sign3A_167 = arith.constant 0 : i32
      %sign3A_168 = arith.cmpi slt, %add3A_161, %sign3A_167 : i32
      %sign3A_169 = arith.extui %sign3A_168 : i1 to i32
      %sign3A_170 = arith.subi %sign3A_166, %sign3A_169 : i32
      %sign3A_171 = arith.constant 0 : i32
      %sign3A_172 = arith.cmpi sgt, %jit3A_162, %sign3A_171 : i32
      %sign3A_173 = arith.extui %sign3A_172 : i1 to i32
      %sign3A_174 = arith.constant 0 : i32
      %sign3A_175 = arith.cmpi slt, %jit3A_162, %sign3A_174 : i32
      %sign3A_176 = arith.extui %sign3A_175 : i1 to i32
      %sign3A_177 = arith.subi %sign3A_173, %sign3A_176 : i32
      %ne3A_178 = arith.cmpi ne, %sign3A_170, %sign3A_177 : i32
      %rem3A_179 = arith.remsi %add3A_161, %jit3A_162 : i32
      %ne3A_180 = arith.constant 0 : i32
      %ne3A_181 = arith.cmpi ne, %rem3A_179, %ne3A_180 : i32
      %and3A_182 = arith.andi %ne3A_178, %ne3A_181 : i1
      %sub3A_183 = arith.constant 1 : i32
      %sub3A_184 = arith.subi %div3A_163, %sub3A_183 : i32
      %select_n3A_185 = arith.select %and3A_182, %sub3A_184, %div3A_163 : i32
      %while3A = arith.constant 0 : i32
      %while3A_186 = arith.subi %select_n3A_185, %while3A : i32
      %while3A_187 = arith.addi %while3A, %while3A_186 : i32
      %while3A_188 = arith.constant 1 : i32
      %while3A_189 = arith.divsi %while3A_186, %while3A_188 : i32
      %while3A_190 = arith.muli %while3A_189, %while3A_188 : i32
      %while3A_191 = arith.addi %while3A, %while3A_190 : i32
      %while3A_192 = arith.constant 1 : i32
      %while3A_193:6 = scf.for %while3A_1355 = %while3A to %while3A_191 step %while3A_192 iter_args(%while3A_1356 = %broadcast_in_dim3A_149, %while3A_1357 = %broadcast_in_dim3A_149, %while3A_1358 = %broadcast_in_dim3A_149, %while3A_1359 = %broadcast_in_dim3A_149, %while3A_1360 = %broadcast_in_dim3A_149, %while3A_1361 = %broadcast_in_dim3A_149) -> (vector<16xi32>, vector<16xi32>, vector<16xi32>, vector<16xi32>, vector<16xi32>, vector<16xi32>)  : i32 {
        %mul3A_1362 = arith.constant 32 : i32
        %mul3A_1363 = arith.muli %while3A_1355, %mul3A_1362 : i32
        %get3A_1364 = arith.index_cast %mul3A_1363 : i32 to index
        %get3A_1365 = tpu.vector_load %arg5[%get3A_1364] {strides = array<i32>} : memref<4224xf32, #tpu.memory_space<vmem>>, vector<16xf32>,
        %add3A_1366 = arith.constant 16 : i32
        %add3A_1367 = arith.addi %mul3A_1363, %add3A_1366 : i32
        %get3A_1368 = arith.index_cast %add3A_1367 : i32 to index
        %get3A_1369 = tpu.vector_load %arg5[%get3A_1368] {strides = array<i32>} : memref<4224xf32, #tpu.memory_space<vmem>>, vector<16xf32>,
        %ge3A_1370 = arith.cmpf oge, %get3A_1365, %bitcast3A : vector<16xf32>
        %select_n3A_1371 = arith.select %ge3A_1370, %broadcast_in_dim3A_147, %broadcast_in_dim3A_149 : vector<16xi1>, vector<16xi32>
        %add3A_1372 = arith.addi %while3A_1356, %select_n3A_1371 : vector<16xi32>
        %ge3A_1373 = arith.cmpf oge, %get3A_1365, %bitcast3A_155 : vector<16xf32>
        %select_n3A_1374 = arith.select %ge3A_1373, %broadcast_in_dim3A_147, %broadcast_in_dim3A_149 : vector<16xi1>, vector<16xi32>
        %add3A_1375 = arith.addi %while3A_1357, %select_n3A_1374 : vector<16xi32>
        %ge3A_1376 = arith.cmpf oge, %get3A_1365, %bitcast3A_159 : vector<16xf32>
        %select_n3A_1377 = arith.select %ge3A_1376, %broadcast_in_dim3A_147, %broadcast_in_dim3A_149 : vector<16xi1>, vector<16xi32>
        %add3A_1378 = arith.addi %while3A_1358, %select_n3A_1377 : vector<16xi32>
        %ge3A_1379 = arith.cmpf oge, %get3A_1369, %bitcast3A : vector<16xf32>
        %select_n3A_1380 = arith.select %ge3A_1379, %broadcast_in_dim3A_147, %broadcast_in_dim3A_149 : vector<16xi1>, vector<16xi32>
        %add3A_1381 = arith.addi %while3A_1359, %select_n3A_1380 : vector<16xi32>
        %ge3A_1382 = arith.cmpf oge, %get3A_1369, %bitcast3A_155 : vector<16xf32>
        %select_n3A_1383 = arith.select %ge3A_1382, %broadcast_in_dim3A_147, %broadcast_in_dim3A_149 : vector<16xi1>, vector<16xi32>
        %add3A_1384 = arith.addi %while3A_1360, %select_n3A_1383 : vector<16xi32>
        %ge3A_1385 = arith.cmpf oge, %get3A_1369, %bitcast3A_159 : vector<16xf32>
        %select_n3A_1386 = arith.select %ge3A_1385, %broadcast_in_dim3A_147, %broadcast_in_dim3A_149 : vector<16xi1>, vector<16xi32>
        %add3A_1387 = arith.addi %while3A_1361, %select_n3A_1386 : vector<16xi32>
        scf.yield %add3A_1372, %add3A_1375, %add3A_1378, %add3A_1381, %add3A_1384, %add3A_1387 : vector<16xi32>, vector<16xi32>, vector<16xi32>, vector<16xi32>, vector<16xi32>, vector<16xi32>
      }
      %while3A_194 = arith.constant 1 : i32
      %while3A_195:6 = scf.for %while3A_1355 = %while3A_191 to %while3A_187 step %while3A_194 iter_args(%while3A_1356 = %while3A_193#0, %while3A_1357 = %while3A_193#1, %while3A_1358 = %while3A_193#2, %while3A_1359 = %while3A_193#3, %while3A_1360 = %while3A_193#4, %while3A_1361 = %while3A_193#5) -> (vector<16xi32>, vector<16xi32>, vector<16xi32>, vector<16xi32>, vector<16xi32>, vector<16xi32>)  : i32 {
        %mul3A_1362 = arith.constant 32 : i32
        %mul3A_1363 = arith.muli %while3A_1355, %mul3A_1362 : i32
        %get3A_1364 = arith.index_cast %mul3A_1363 : i32 to index
        %get3A_1365 = tpu.vector_load %arg5[%get3A_1364] {strides = array<i32>} : memref<4224xf32, #tpu.memory_space<vmem>>, vector<16xf32>,
        %add3A_1366 = arith.constant 16 : i32
        %add3A_1367 = arith.addi %mul3A_1363, %add3A_1366 : i32
        %get3A_1368 = arith.index_cast %add3A_1367 : i32 to index
        %get3A_1369 = tpu.vector_load %arg5[%get3A_1368] {strides = array<i32>} : memref<4224xf32, #tpu.memory_space<vmem>>, vector<16xf32>,
        %ge3A_1370 = arith.cmpf oge, %get3A_1365, %bitcast3A : vector<16xf32>
        %select_n3A_1371 = arith.select %ge3A_1370, %broadcast_in_dim3A_147, %broadcast_in_dim3A_149 : vector<16xi1>, vector<16xi32>
        %add3A_1372 = arith.addi %while3A_1356, %select_n3A_1371 : vector<16xi32>
        %ge3A_1373 = arith.cmpf oge, %get3A_1365, %bitcast3A_155 : vector<16xf32>
        %select_n3A_1374 = arith.select %ge3A_1373, %broadcast_in_dim3A_147, %broadcast_in_dim3A_149 : vector<16xi1>, vector<16xi32>
        %add3A_1375 = arith.addi %while3A_1357, %select_n3A_1374 : vector<16xi32>
        %ge3A_1376 = arith.cmpf oge, %get3A_1365, %bitcast3A_159 : vector<16xf32>
        %select_n3A_1377 = arith.select %ge3A_1376, %broadcast_in_dim3A_147, %broadcast_in_dim3A_149 : vector<16xi1>, vector<16xi32>
        %add3A_1378 = arith.addi %while3A_1358, %select_n3A_1377 : vector<16xi32>
        %ge3A_1379 = arith.cmpf oge, %get3A_1369, %bitcast3A : vector<16xf32>
        %select_n3A_1380 = arith.select %ge3A_1379, %broadcast_in_dim3A_147, %broadcast_in_dim3A_149 : vector<16xi1>, vector<16xi32>
        %add3A_1381 = arith.addi %while3A_1359, %select_n3A_1380 : vector<16xi32>
        %ge3A_1382 = arith.cmpf oge, %get3A_1369, %bitcast3A_155 : vector<16xf32>
        %select_n3A_1383 = arith.select %ge3A_1382, %broadcast_in_dim3A_147, %broadcast_in_dim3A_149 : vector<16xi1>, vector<16xi32>
        %add3A_1384 = arith.addi %while3A_1360, %select_n3A_1383 : vector<16xi32>
        %ge3A_1385 = arith.cmpf oge, %get3A_1369, %bitcast3A_159 : vector<16xf32>
        %select_n3A_1386 = arith.select %ge3A_1385, %broadcast_in_dim3A_147, %broadcast_in_dim3A_149 : vector<16xi1>, vector<16xi32>
        %add3A_1387 = arith.addi %while3A_1361, %select_n3A_1386 : vector<16xi32>
        scf.yield %add3A_1372, %add3A_1375, %add3A_1378, %add3A_1381, %add3A_1384, %add3A_1387 : vector<16xi32>, vector<16xi32>, vector<16xi32>, vector<16xi32>, vector<16xi32>, vector<16xi32>
      }
      %add3A_196 = arith.addi %while3A_195#0, %while3A_195#3 : vector<16xi32>
      %reduce_sum3A = arith.constant true
      %reduce_sum3A_197 = vector.broadcast %reduce_sum3A : i1 to vector<16xi1>
      %reduce_sum3A_198 = tpu.scan <sum>, %add3A_196 masked %reduce_sum3A_197 : vector<16xi32>, vector<16xi1> -> vector<16xi32>
      %reduce_sum3A_199 = vector.extract %reduce_sum3A_198[15] : i32 from vector<16xi32>
      %broadcast_in_dim3A_200 = vector.broadcast %reduce_sum3A_199 : i32 to vector<16xi32>
      %add3A_201 = arith.addi %while3A_195#1, %while3A_195#4 : vector<16xi32>
      %reduce_sum3A_202 = arith.constant true
      %reduce_sum3A_203 = vector.broadcast %reduce_sum3A_202 : i1 to vector<16xi1>
      %reduce_sum3A_204 = tpu.scan <sum>, %add3A_201 masked %reduce_sum3A_203 : vector<16xi32>, vector<16xi1> -> vector<16xi32>
      %reduce_sum3A_205 = vector.extract %reduce_sum3A_204[15] : i32 from vector<16xi32>
      %broadcast_in_dim3A_206 = vector.broadcast %reduce_sum3A_205 : i32 to vector<16xi32>
      %add3A_207 = arith.addi %while3A_195#2, %while3A_195#5 : vector<16xi32>
      %reduce_sum3A_208 = arith.constant true
      %reduce_sum3A_209 = vector.broadcast %reduce_sum3A_208 : i1 to vector<16xi1>
      %reduce_sum3A_210 = tpu.scan <sum>, %add3A_207 masked %reduce_sum3A_209 : vector<16xi32>, vector<16xi1> -> vector<16xi32>
      %reduce_sum3A_211 = vector.extract %reduce_sum3A_210[15] : i32 from vector<16xi32>
      %broadcast_in_dim3A_212 = vector.broadcast %reduce_sum3A_211 : i32 to vector<16xi32>
      %ge3A = arith.cmpi sge, %broadcast_in_dim3A_212, %broadcast_in_dim3A_145 : vector<16xi32>
      %bitcast3A_213 = vector.bitcast %bitcast3A_159 : vector<16xf32> to vector<16xi32>
      %ge3A_214 = arith.cmpi sge, %broadcast_in_dim3A_206, %broadcast_in_dim3A_145 : vector<16xi32>
      %bitcast3A_215 = vector.bitcast %bitcast3A_155 : vector<16xf32> to vector<16xi32>
      %ge3A_216 = arith.cmpi sge, %broadcast_in_dim3A_200, %broadcast_in_dim3A_145 : vector<16xi32>
      %bitcast3A_217 = vector.bitcast %bitcast3A : vector<16xf32> to vector<16xi32>
      %select_n3A_218 = arith.select %ge3A_216, %bitcast3A_217, %broadcast_in_dim3A_149 : vector<16xi1>, vector<16xi32>
      %select_n3A_219 = arith.select %ge3A_214, %bitcast3A_215, %select_n3A_218 : vector<16xi1>, vector<16xi32>
      %select_n3A_220 = arith.select %ge3A, %bitcast3A_213, %select_n3A_219 : vector<16xi1>, vector<16xi32>
      %broadcast_in_dim3A_221 = arith.constant 67108864 : i32
      %broadcast_in_dim3A_222 = vector.broadcast %broadcast_in_dim3A_221 : i32 to vector<16xi32>
      %or3A_223 = arith.ori %select_n3A_220, %broadcast_in_dim3A_222 : vector<16xi32>
      %bitcast3A_224 = vector.bitcast %or3A_223 : vector<16xi32> to vector<16xf32>
      %broadcast_in_dim3A_225 = arith.constant 134217728 : i32
      %broadcast_in_dim3A_226 = vector.broadcast %broadcast_in_dim3A_225 : i32 to vector<16xi32>
      %or3A_227 = arith.ori %select_n3A_220, %broadcast_in_dim3A_226 : vector<16xi32>
      %bitcast3A_228 = vector.bitcast %or3A_227 : vector<16xi32> to vector<16xf32>
      %broadcast_in_dim3A_229 = arith.constant 201326592 : i32
      %broadcast_in_dim3A_230 = vector.broadcast %broadcast_in_dim3A_229 : i32 to vector<16xi32>
      %or3A_231 = arith.ori %select_n3A_220, %broadcast_in_dim3A_230 : vector<16xi32>
      %bitcast3A_232 = vector.bitcast %or3A_231 : vector<16xi32> to vector<16xf32>
      %add3A_233 = arith.constant 1 : i32
      %add3A_234 = arith.addi %select_n3A_76, %add3A_233 : i32
      %jit3A_235 = arith.constant 2 : i32
      %div3A_236 = arith.divsi %add3A_234, %jit3A_235 : i32
      %sign3A_237 = arith.constant 0 : i32
      %sign3A_238 = arith.cmpi sgt, %add3A_234, %sign3A_237 : i32
      %sign3A_239 = arith.extui %sign3A_238 : i1 to i32
      %sign3A_240 = arith.constant 0 : i32
      %sign3A_241 = arith.cmpi slt, %add3A_234, %sign3A_240 : i32
      %sign3A_242 = arith.extui %sign3A_241 : i1 to i32
      %sign3A_243 = arith.subi %sign3A_239, %sign3A_242 : i32
      %sign3A_244 = arith.constant 0 : i32
      %sign3A_245 = arith.cmpi sgt, %jit3A_235, %sign3A_244 : i32
      %sign3A_246 = arith.extui %sign3A_245 : i1 to i32
      %sign3A_247 = arith.constant 0 : i32
      %sign3A_248 = arith.cmpi slt, %jit3A_235, %sign3A_247 : i32
      %sign3A_249 = arith.extui %sign3A_248 : i1 to i32
      %sign3A_250 = arith.subi %sign3A_246, %sign3A_249 : i32
      %ne3A_251 = arith.cmpi ne, %sign3A_243, %sign3A_250 : i32
      %rem3A_252 = arith.remsi %add3A_234, %jit3A_235 : i32
      %ne3A_253 = arith.constant 0 : i32
      %ne3A_254 = arith.cmpi ne, %rem3A_252, %ne3A_253 : i32
      %and3A_255 = arith.andi %ne3A_251, %ne3A_254 : i1
      %sub3A_256 = arith.constant 1 : i32
      %sub3A_257 = arith.subi %div3A_236, %sub3A_256 : i32
      %select_n3A_258 = arith.select %and3A_255, %sub3A_257, %div3A_236 : i32
      %while3A_259 = arith.constant 0 : i32
      %while3A_260 = arith.subi %select_n3A_258, %while3A_259 : i32
      %while3A_261 = arith.addi %while3A_259, %while3A_260 : i32
      %while3A_262 = arith.constant 1 : i32
      %while3A_263 = arith.divsi %while3A_260, %while3A_262 : i32
      %while3A_264 = arith.muli %while3A_263, %while3A_262 : i32
      %while3A_265 = arith.addi %while3A_259, %while3A_264 : i32
      %while3A_266 = arith.constant 1 : i32
      %while3A_267:6 = scf.for %while3A_1355 = %while3A_259 to %while3A_265 step %while3A_266 iter_args(%while3A_1356 = %broadcast_in_dim3A_149, %while3A_1357 = %broadcast_in_dim3A_149, %while3A_1358 = %broadcast_in_dim3A_149, %while3A_1359 = %broadcast_in_dim3A_149, %while3A_1360 = %broadcast_in_dim3A_149, %while3A_1361 = %broadcast_in_dim3A_149) -> (vector<16xi32>, vector<16xi32>, vector<16xi32>, vector<16xi32>, vector<16xi32>, vector<16xi32>)  : i32 {
        %mul3A_1362 = arith.constant 32 : i32
        %mul3A_1363 = arith.muli %while3A_1355, %mul3A_1362 : i32
        %get3A_1364 = arith.index_cast %mul3A_1363 : i32 to index
        %get3A_1365 = tpu.vector_load %arg5[%get3A_1364] {strides = array<i32>} : memref<4224xf32, #tpu.memory_space<vmem>>, vector<16xf32>,
        %add3A_1366 = arith.constant 16 : i32
        %add3A_1367 = arith.addi %mul3A_1363, %add3A_1366 : i32
        %get3A_1368 = arith.index_cast %add3A_1367 : i32 to index
        %get3A_1369 = tpu.vector_load %arg5[%get3A_1368] {strides = array<i32>} : memref<4224xf32, #tpu.memory_space<vmem>>, vector<16xf32>,
        %ge3A_1370 = arith.cmpf oge, %get3A_1365, %bitcast3A_224 : vector<16xf32>
        %select_n3A_1371 = arith.select %ge3A_1370, %broadcast_in_dim3A_147, %broadcast_in_dim3A_149 : vector<16xi1>, vector<16xi32>
        %add3A_1372 = arith.addi %while3A_1356, %select_n3A_1371 : vector<16xi32>
        %ge3A_1373 = arith.cmpf oge, %get3A_1365, %bitcast3A_228 : vector<16xf32>
        %select_n3A_1374 = arith.select %ge3A_1373, %broadcast_in_dim3A_147, %broadcast_in_dim3A_149 : vector<16xi1>, vector<16xi32>
        %add3A_1375 = arith.addi %while3A_1357, %select_n3A_1374 : vector<16xi32>
        %ge3A_1376 = arith.cmpf oge, %get3A_1365, %bitcast3A_232 : vector<16xf32>
        %select_n3A_1377 = arith.select %ge3A_1376, %broadcast_in_dim3A_147, %broadcast_in_dim3A_149 : vector<16xi1>, vector<16xi32>
        %add3A_1378 = arith.addi %while3A_1358, %select_n3A_1377 : vector<16xi32>
        %ge3A_1379 = arith.cmpf oge, %get3A_1369, %bitcast3A_224 : vector<16xf32>
        %select_n3A_1380 = arith.select %ge3A_1379, %broadcast_in_dim3A_147, %broadcast_in_dim3A_149 : vector<16xi1>, vector<16xi32>
        %add3A_1381 = arith.addi %while3A_1359, %select_n3A_1380 : vector<16xi32>
        %ge3A_1382 = arith.cmpf oge, %get3A_1369, %bitcast3A_228 : vector<16xf32>
        %select_n3A_1383 = arith.select %ge3A_1382, %broadcast_in_dim3A_147, %broadcast_in_dim3A_149 : vector<16xi1>, vector<16xi32>
        %add3A_1384 = arith.addi %while3A_1360, %select_n3A_1383 : vector<16xi32>
        %ge3A_1385 = arith.cmpf oge, %get3A_1369, %bitcast3A_232 : vector<16xf32>
        %select_n3A_1386 = arith.select %ge3A_1385, %broadcast_in_dim3A_147, %broadcast_in_dim3A_149 : vector<16xi1>, vector<16xi32>
        %add3A_1387 = arith.addi %while3A_1361, %select_n3A_1386 : vector<16xi32>
        scf.yield %add3A_1372, %add3A_1375, %add3A_1378, %add3A_1381, %add3A_1384, %add3A_1387 : vector<16xi32>, vector<16xi32>, vector<16xi32>, vector<16xi32>, vector<16xi32>, vector<16xi32>
      }
      %while3A_268 = arith.constant 1 : i32
      %while3A_269:6 = scf.for %while3A_1355 = %while3A_265 to %while3A_261 step %while3A_268 iter_args(%while3A_1356 = %while3A_267#0, %while3A_1357 = %while3A_267#1, %while3A_1358 = %while3A_267#2, %while3A_1359 = %while3A_267#3, %while3A_1360 = %while3A_267#4, %while3A_1361 = %while3A_267#5) -> (vector<16xi32>, vector<16xi32>, vector<16xi32>, vector<16xi32>, vector<16xi32>, vector<16xi32>)  : i32 {
        %mul3A_1362 = arith.constant 32 : i32
        %mul3A_1363 = arith.muli %while3A_1355, %mul3A_1362 : i32
        %get3A_1364 = arith.index_cast %mul3A_1363 : i32 to index
        %get3A_1365 = tpu.vector_load %arg5[%get3A_1364] {strides = array<i32>} : memref<4224xf32, #tpu.memory_space<vmem>>, vector<16xf32>,
        %add3A_1366 = arith.constant 16 : i32
        %add3A_1367 = arith.addi %mul3A_1363, %add3A_1366 : i32
        %get3A_1368 = arith.index_cast %add3A_1367 : i32 to index
        %get3A_1369 = tpu.vector_load %arg5[%get3A_1368] {strides = array<i32>} : memref<4224xf32, #tpu.memory_space<vmem>>, vector<16xf32>,
        %ge3A_1370 = arith.cmpf oge, %get3A_1365, %bitcast3A_224 : vector<16xf32>
        %select_n3A_1371 = arith.select %ge3A_1370, %broadcast_in_dim3A_147, %broadcast_in_dim3A_149 : vector<16xi1>, vector<16xi32>
        %add3A_1372 = arith.addi %while3A_1356, %select_n3A_1371 : vector<16xi32>
        %ge3A_1373 = arith.cmpf oge, %get3A_1365, %bitcast3A_228 : vector<16xf32>
        %select_n3A_1374 = arith.select %ge3A_1373, %broadcast_in_dim3A_147, %broadcast_in_dim3A_149 : vector<16xi1>, vector<16xi32>
        %add3A_1375 = arith.addi %while3A_1357, %select_n3A_1374 : vector<16xi32>
        %ge3A_1376 = arith.cmpf oge, %get3A_1365, %bitcast3A_232 : vector<16xf32>
        %select_n3A_1377 = arith.select %ge3A_1376, %broadcast_in_dim3A_147, %broadcast_in_dim3A_149 : vector<16xi1>, vector<16xi32>
        %add3A_1378 = arith.addi %while3A_1358, %select_n3A_1377 : vector<16xi32>
        %ge3A_1379 = arith.cmpf oge, %get3A_1369, %bitcast3A_224 : vector<16xf32>
        %select_n3A_1380 = arith.select %ge3A_1379, %broadcast_in_dim3A_147, %broadcast_in_dim3A_149 : vector<16xi1>, vector<16xi32>
        %add3A_1381 = arith.addi %while3A_1359, %select_n3A_1380 : vector<16xi32>
        %ge3A_1382 = arith.cmpf oge, %get3A_1369, %bitcast3A_228 : vector<16xf32>
        %select_n3A_1383 = arith.select %ge3A_1382, %broadcast_in_dim3A_147, %broadcast_in_dim3A_149 : vector<16xi1>, vector<16xi32>
        %add3A_1384 = arith.addi %while3A_1360, %select_n3A_1383 : vector<16xi32>
        %ge3A_1385 = arith.cmpf oge, %get3A_1369, %bitcast3A_232 : vector<16xf32>
        %select_n3A_1386 = arith.select %ge3A_1385, %broadcast_in_dim3A_147, %broadcast_in_dim3A_149 : vector<16xi1>, vector<16xi32>
        %add3A_1387 = arith.addi %while3A_1361, %select_n3A_1386 : vector<16xi32>
        scf.yield %add3A_1372, %add3A_1375, %add3A_1378, %add3A_1381, %add3A_1384, %add3A_1387 : vector<16xi32>, vector<16xi32>, vector<16xi32>, vector<16xi32>, vector<16xi32>, vector<16xi32>
      }
      %add3A_270 = arith.addi %while3A_269#0, %while3A_269#3 : vector<16xi32>
      %reduce_sum3A_271 = arith.constant true
      %reduce_sum3A_272 = vector.broadcast %reduce_sum3A_271 : i1 to vector<16xi1>
      %reduce_sum3A_273 = tpu.scan <sum>, %add3A_270 masked %reduce_sum3A_272 : vector<16xi32>, vector<16xi1> -> vector<16xi32>
      %reduce_sum3A_274 = vector.extract %reduce_sum3A_273[15] : i32 from vector<16xi32>
      %broadcast_in_dim3A_275 = vector.broadcast %reduce_sum3A_274 : i32 to vector<16xi32>
      %add3A_276 = arith.addi %while3A_269#1, %while3A_269#4 : vector<16xi32>
      %reduce_sum3A_277 = arith.constant true
      %reduce_sum3A_278 = vector.broadcast %reduce_sum3A_277 : i1 to vector<16xi1>
      %reduce_sum3A_279 = tpu.scan <sum>, %add3A_276 masked %reduce_sum3A_278 : vector<16xi32>, vector<16xi1> -> vector<16xi32>
      %reduce_sum3A_280 = vector.extract %reduce_sum3A_279[15] : i32 from vector<16xi32>
      %broadcast_in_dim3A_281 = vector.broadcast %reduce_sum3A_280 : i32 to vector<16xi32>
      %add3A_282 = arith.addi %while3A_269#2, %while3A_269#5 : vector<16xi32>
      %reduce_sum3A_283 = arith.constant true
      %reduce_sum3A_284 = vector.broadcast %reduce_sum3A_283 : i1 to vector<16xi1>
      %reduce_sum3A_285 = tpu.scan <sum>, %add3A_282 masked %reduce_sum3A_284 : vector<16xi32>, vector<16xi1> -> vector<16xi32>
      %reduce_sum3A_286 = vector.extract %reduce_sum3A_285[15] : i32 from vector<16xi32>
      %broadcast_in_dim3A_287 = vector.broadcast %reduce_sum3A_286 : i32 to vector<16xi32>
      %ge3A_288 = arith.cmpi sge, %broadcast_in_dim3A_287, %broadcast_in_dim3A_145 : vector<16xi32>
      %bitcast3A_289 = vector.bitcast %bitcast3A_232 : vector<16xf32> to vector<16xi32>
      %ge3A_290 = arith.cmpi sge, %broadcast_in_dim3A_281, %broadcast_in_dim3A_145 : vector<16xi32>
      %bitcast3A_291 = vector.bitcast %bitcast3A_228 : vector<16xf32> to vector<16xi32>
      %ge3A_292 = arith.cmpi sge, %broadcast_in_dim3A_275, %broadcast_in_dim3A_145 : vector<16xi32>
      %bitcast3A_293 = vector.bitcast %bitcast3A_224 : vector<16xf32> to vector<16xi32>
      %select_n3A_294 = arith.select %ge3A_292, %bitcast3A_293, %select_n3A_220 : vector<16xi1>, vector<16xi32>
      %select_n3A_295 = arith.select %ge3A_290, %bitcast3A_291, %select_n3A_294 : vector<16xi1>, vector<16xi32>
      %select_n3A_296 = arith.select %ge3A_288, %bitcast3A_289, %select_n3A_295 : vector<16xi1>, vector<16xi32>
      %broadcast_in_dim3A_297 = arith.constant 16777216 : i32
      %broadcast_in_dim3A_298 = vector.broadcast %broadcast_in_dim3A_297 : i32 to vector<16xi32>
      %or3A_299 = arith.ori %select_n3A_296, %broadcast_in_dim3A_298 : vector<16xi32>
      %bitcast3A_300 = vector.bitcast %or3A_299 : vector<16xi32> to vector<16xf32>
      %broadcast_in_dim3A_301 = arith.constant 33554432 : i32
      %broadcast_in_dim3A_302 = vector.broadcast %broadcast_in_dim3A_301 : i32 to vector<16xi32>
      %or3A_303 = arith.ori %select_n3A_296, %broadcast_in_dim3A_302 : vector<16xi32>
      %bitcast3A_304 = vector.bitcast %or3A_303 : vector<16xi32> to vector<16xf32>
      %broadcast_in_dim3A_305 = arith.constant 50331648 : i32
      %broadcast_in_dim3A_306 = vector.broadcast %broadcast_in_dim3A_305 : i32 to vector<16xi32>
      %or3A_307 = arith.ori %select_n3A_296, %broadcast_in_dim3A_306 : vector<16xi32>
      %bitcast3A_308 = vector.bitcast %or3A_307 : vector<16xi32> to vector<16xf32>
      %add3A_309 = arith.constant 1 : i32
      %add3A_310 = arith.addi %select_n3A_76, %add3A_309 : i32
      %jit3A_311 = arith.constant 2 : i32
      %div3A_312 = arith.divsi %add3A_310, %jit3A_311 : i32
      %sign3A_313 = arith.constant 0 : i32
      %sign3A_314 = arith.cmpi sgt, %add3A_310, %sign3A_313 : i32
      %sign3A_315 = arith.extui %sign3A_314 : i1 to i32
      %sign3A_316 = arith.constant 0 : i32
      %sign3A_317 = arith.cmpi slt, %add3A_310, %sign3A_316 : i32
      %sign3A_318 = arith.extui %sign3A_317 : i1 to i32
      %sign3A_319 = arith.subi %sign3A_315, %sign3A_318 : i32
      %sign3A_320 = arith.constant 0 : i32
      %sign3A_321 = arith.cmpi sgt, %jit3A_311, %sign3A_320 : i32
      %sign3A_322 = arith.extui %sign3A_321 : i1 to i32
      %sign3A_323 = arith.constant 0 : i32
      %sign3A_324 = arith.cmpi slt, %jit3A_311, %sign3A_323 : i32
      %sign3A_325 = arith.extui %sign3A_324 : i1 to i32
      %sign3A_326 = arith.subi %sign3A_322, %sign3A_325 : i32
      %ne3A_327 = arith.cmpi ne, %sign3A_319, %sign3A_326 : i32
      %rem3A_328 = arith.remsi %add3A_310, %jit3A_311 : i32
      %ne3A_329 = arith.constant 0 : i32
      %ne3A_330 = arith.cmpi ne, %rem3A_328, %ne3A_329 : i32
      %and3A_331 = arith.andi %ne3A_327, %ne3A_330 : i1
      %sub3A_332 = arith.constant 1 : i32
      %sub3A_333 = arith.subi %div3A_312, %sub3A_332 : i32
      %select_n3A_334 = arith.select %and3A_331, %sub3A_333, %div3A_312 : i32
      %while3A_335 = arith.constant 0 : i32
      %while3A_336 = arith.subi %select_n3A_334, %while3A_335 : i32
      %while3A_337 = arith.addi %while3A_335, %while3A_336 : i32
      %while3A_338 = arith.constant 1 : i32
      %while3A_339 = arith.divsi %while3A_336, %while3A_338 : i32
      %while3A_340 = arith.muli %while3A_339, %while3A_338 : i32
      %while3A_341 = arith.addi %while3A_335, %while3A_340 : i32
      %while3A_342 = arith.constant 1 : i32
      %while3A_343:6 = scf.for %while3A_1355 = %while3A_335 to %while3A_341 step %while3A_342 iter_args(%while3A_1356 = %broadcast_in_dim3A_149, %while3A_1357 = %broadcast_in_dim3A_149, %while3A_1358 = %broadcast_in_dim3A_149, %while3A_1359 = %broadcast_in_dim3A_149, %while3A_1360 = %broadcast_in_dim3A_149, %while3A_1361 = %broadcast_in_dim3A_149) -> (vector<16xi32>, vector<16xi32>, vector<16xi32>, vector<16xi32>, vector<16xi32>, vector<16xi32>)  : i32 {
        %mul3A_1362 = arith.constant 32 : i32
        %mul3A_1363 = arith.muli %while3A_1355, %mul3A_1362 : i32
        %get3A_1364 = arith.index_cast %mul3A_1363 : i32 to index
        %get3A_1365 = tpu.vector_load %arg5[%get3A_1364] {strides = array<i32>} : memref<4224xf32, #tpu.memory_space<vmem>>, vector<16xf32>,
        %add3A_1366 = arith.constant 16 : i32
        %add3A_1367 = arith.addi %mul3A_1363, %add3A_1366 : i32
        %get3A_1368 = arith.index_cast %add3A_1367 : i32 to index
        %get3A_1369 = tpu.vector_load %arg5[%get3A_1368] {strides = array<i32>} : memref<4224xf32, #tpu.memory_space<vmem>>, vector<16xf32>,
        %ge3A_1370 = arith.cmpf oge, %get3A_1365, %bitcast3A_300 : vector<16xf32>
        %select_n3A_1371 = arith.select %ge3A_1370, %broadcast_in_dim3A_147, %broadcast_in_dim3A_149 : vector<16xi1>, vector<16xi32>
        %add3A_1372 = arith.addi %while3A_1356, %select_n3A_1371 : vector<16xi32>
        %ge3A_1373 = arith.cmpf oge, %get3A_1365, %bitcast3A_304 : vector<16xf32>
        %select_n3A_1374 = arith.select %ge3A_1373, %broadcast_in_dim3A_147, %broadcast_in_dim3A_149 : vector<16xi1>, vector<16xi32>
        %add3A_1375 = arith.addi %while3A_1357, %select_n3A_1374 : vector<16xi32>
        %ge3A_1376 = arith.cmpf oge, %get3A_1365, %bitcast3A_308 : vector<16xf32>
        %select_n3A_1377 = arith.select %ge3A_1376, %broadcast_in_dim3A_147, %broadcast_in_dim3A_149 : vector<16xi1>, vector<16xi32>
        %add3A_1378 = arith.addi %while3A_1358, %select_n3A_1377 : vector<16xi32>
        %ge3A_1379 = arith.cmpf oge, %get3A_1369, %bitcast3A_300 : vector<16xf32>
        %select_n3A_1380 = arith.select %ge3A_1379, %broadcast_in_dim3A_147, %broadcast_in_dim3A_149 : vector<16xi1>, vector<16xi32>
        %add3A_1381 = arith.addi %while3A_1359, %select_n3A_1380 : vector<16xi32>
        %ge3A_1382 = arith.cmpf oge, %get3A_1369, %bitcast3A_304 : vector<16xf32>
        %select_n3A_1383 = arith.select %ge3A_1382, %broadcast_in_dim3A_147, %broadcast_in_dim3A_149 : vector<16xi1>, vector<16xi32>
        %add3A_1384 = arith.addi %while3A_1360, %select_n3A_1383 : vector<16xi32>
        %ge3A_1385 = arith.cmpf oge, %get3A_1369, %bitcast3A_308 : vector<16xf32>
        %select_n3A_1386 = arith.select %ge3A_1385, %broadcast_in_dim3A_147, %broadcast_in_dim3A_149 : vector<16xi1>, vector<16xi32>
        %add3A_1387 = arith.addi %while3A_1361, %select_n3A_1386 : vector<16xi32>
        scf.yield %add3A_1372, %add3A_1375, %add3A_1378, %add3A_1381, %add3A_1384, %add3A_1387 : vector<16xi32>, vector<16xi32>, vector<16xi32>, vector<16xi32>, vector<16xi32>, vector<16xi32>
      }
      %while3A_344 = arith.constant 1 : i32
      %while3A_345:6 = scf.for %while3A_1355 = %while3A_341 to %while3A_337 step %while3A_344 iter_args(%while3A_1356 = %while3A_343#0, %while3A_1357 = %while3A_343#1, %while3A_1358 = %while3A_343#2, %while3A_1359 = %while3A_343#3, %while3A_1360 = %while3A_343#4, %while3A_1361 = %while3A_343#5) -> (vector<16xi32>, vector<16xi32>, vector<16xi32>, vector<16xi32>, vector<16xi32>, vector<16xi32>)  : i32 {
        %mul3A_1362 = arith.constant 32 : i32
        %mul3A_1363 = arith.muli %while3A_1355, %mul3A_1362 : i32
        %get3A_1364 = arith.index_cast %mul3A_1363 : i32 to index
        %get3A_1365 = tpu.vector_load %arg5[%get3A_1364] {strides = array<i32>} : memref<4224xf32, #tpu.memory_space<vmem>>, vector<16xf32>,
        %add3A_1366 = arith.constant 16 : i32
        %add3A_1367 = arith.addi %mul3A_1363, %add3A_1366 : i32
        %get3A_1368 = arith.index_cast %add3A_1367 : i32 to index
        %get3A_1369 = tpu.vector_load %arg5[%get3A_1368] {strides = array<i32>} : memref<4224xf32, #tpu.memory_space<vmem>>, vector<16xf32>,
        %ge3A_1370 = arith.cmpf oge, %get3A_1365, %bitcast3A_300 : vector<16xf32>
        %select_n3A_1371 = arith.select %ge3A_1370, %broadcast_in_dim3A_147, %broadcast_in_dim3A_149 : vector<16xi1>, vector<16xi32>
        %add3A_1372 = arith.addi %while3A_1356, %select_n3A_1371 : vector<16xi32>
        %ge3A_1373 = arith.cmpf oge, %get3A_1365, %bitcast3A_304 : vector<16xf32>
        %select_n3A_1374 = arith.select %ge3A_1373, %broadcast_in_dim3A_147, %broadcast_in_dim3A_149 : vector<16xi1>, vector<16xi32>
        %add3A_1375 = arith.addi %while3A_1357, %select_n3A_1374 : vector<16xi32>
        %ge3A_1376 = arith.cmpf oge, %get3A_1365, %bitcast3A_308 : vector<16xf32>
        %select_n3A_1377 = arith.select %ge3A_1376, %broadcast_in_dim3A_147, %broadcast_in_dim3A_149 : vector<16xi1>, vector<16xi32>
        %add3A_1378 = arith.addi %while3A_1358, %select_n3A_1377 : vector<16xi32>
        %ge3A_1379 = arith.cmpf oge, %get3A_1369, %bitcast3A_300 : vector<16xf32>
        %select_n3A_1380 = arith.select %ge3A_1379, %broadcast_in_dim3A_147, %broadcast_in_dim3A_149 : vector<16xi1>, vector<16xi32>
        %add3A_1381 = arith.addi %while3A_1359, %select_n3A_1380 : vector<16xi32>
        %ge3A_1382 = arith.cmpf oge, %get3A_1369, %bitcast3A_304 : vector<16xf32>
        %select_n3A_1383 = arith.select %ge3A_1382, %broadcast_in_dim3A_147, %broadcast_in_dim3A_149 : vector<16xi1>, vector<16xi32>
        %add3A_1384 = arith.addi %while3A_1360, %select_n3A_1383 : vector<16xi32>
        %ge3A_1385 = arith.cmpf oge, %get3A_1369, %bitcast3A_308 : vector<16xf32>
        %select_n3A_1386 = arith.select %ge3A_1385, %broadcast_in_dim3A_147, %broadcast_in_dim3A_149 : vector<16xi1>, vector<16xi32>
        %add3A_1387 = arith.addi %while3A_1361, %select_n3A_1386 : vector<16xi32>
        scf.yield %add3A_1372, %add3A_1375, %add3A_1378, %add3A_1381, %add3A_1384, %add3A_1387 : vector<16xi32>, vector<16xi32>, vector<16xi32>, vector<16xi32>, vector<16xi32>, vector<16xi32>
      }
      %add3A_346 = arith.addi %while3A_345#0, %while3A_345#3 : vector<16xi32>
      %reduce_sum3A_347 = arith.constant true
      %reduce_sum3A_348 = vector.broadcast %reduce_sum3A_347 : i1 to vector<16xi1>
      %reduce_sum3A_349 = tpu.scan <sum>, %add3A_346 masked %reduce_sum3A_348 : vector<16xi32>, vector<16xi1> -> vector<16xi32>
      %reduce_sum3A_350 = vector.extract %reduce_sum3A_349[15] : i32 from vector<16xi32>
      %broadcast_in_dim3A_351 = vector.broadcast %reduce_sum3A_350 : i32 to vector<16xi32>
      %add3A_352 = arith.addi %while3A_345#1, %while3A_345#4 : vector<16xi32>
      %reduce_sum3A_353 = arith.constant true
      %reduce_sum3A_354 = vector.broadcast %reduce_sum3A_353 : i1 to vector<16xi1>
      %reduce_sum3A_355 = tpu.scan <sum>, %add3A_352 masked %reduce_sum3A_354 : vector<16xi32>, vector<16xi1> -> vector<16xi32>
      %reduce_sum3A_356 = vector.extract %reduce_sum3A_355[15] : i32 from vector<16xi32>
      %broadcast_in_dim3A_357 = vector.broadcast %reduce_sum3A_356 : i32 to vector<16xi32>
      %add3A_358 = arith.addi %while3A_345#2, %while3A_345#5 : vector<16xi32>
      %reduce_sum3A_359 = arith.constant true
      %reduce_sum3A_360 = vector.broadcast %reduce_sum3A_359 : i1 to vector<16xi1>
      %reduce_sum3A_361 = tpu.scan <sum>, %add3A_358 masked %reduce_sum3A_360 : vector<16xi32>, vector<16xi1> -> vector<16xi32>
      %reduce_sum3A_362 = vector.extract %reduce_sum3A_361[15] : i32 from vector<16xi32>
      %broadcast_in_dim3A_363 = vector.broadcast %reduce_sum3A_362 : i32 to vector<16xi32>
      %ge3A_364 = arith.cmpi sge, %broadcast_in_dim3A_363, %broadcast_in_dim3A_145 : vector<16xi32>
      %bitcast3A_365 = vector.bitcast %bitcast3A_308 : vector<16xf32> to vector<16xi32>
      %ge3A_366 = arith.cmpi sge, %broadcast_in_dim3A_357, %broadcast_in_dim3A_145 : vector<16xi32>
      %bitcast3A_367 = vector.bitcast %bitcast3A_304 : vector<16xf32> to vector<16xi32>
      %ge3A_368 = arith.cmpi sge, %broadcast_in_dim3A_351, %broadcast_in_dim3A_145 : vector<16xi32>
      %bitcast3A_369 = vector.bitcast %bitcast3A_300 : vector<16xf32> to vector<16xi32>
      %select_n3A_370 = arith.select %ge3A_368, %bitcast3A_369, %select_n3A_296 : vector<16xi1>, vector<16xi32>
      %select_n3A_371 = arith.select %ge3A_366, %bitcast3A_367, %select_n3A_370 : vector<16xi1>, vector<16xi32>
      %select_n3A_372 = arith.select %ge3A_364, %bitcast3A_365, %select_n3A_371 : vector<16xi1>, vector<16xi32>
      %broadcast_in_dim3A_373 = arith.constant 4194304 : i32
      %broadcast_in_dim3A_374 = vector.broadcast %broadcast_in_dim3A_373 : i32 to vector<16xi32>
      %or3A_375 = arith.ori %select_n3A_372, %broadcast_in_dim3A_374 : vector<16xi32>
      %bitcast3A_376 = vector.bitcast %or3A_375 : vector<16xi32> to vector<16xf32>
      %broadcast_in_dim3A_377 = arith.constant 8388608 : i32
      %broadcast_in_dim3A_378 = vector.broadcast %broadcast_in_dim3A_377 : i32 to vector<16xi32>
      %or3A_379 = arith.ori %select_n3A_372, %broadcast_in_dim3A_378 : vector<16xi32>
      %bitcast3A_380 = vector.bitcast %or3A_379 : vector<16xi32> to vector<16xf32>
      %broadcast_in_dim3A_381 = arith.constant 12582912 : i32
      %broadcast_in_dim3A_382 = vector.broadcast %broadcast_in_dim3A_381 : i32 to vector<16xi32>
      %or3A_383 = arith.ori %select_n3A_372, %broadcast_in_dim3A_382 : vector<16xi32>
      %bitcast3A_384 = vector.bitcast %or3A_383 : vector<16xi32> to vector<16xf32>
      %add3A_385 = arith.constant 1 : i32
      %add3A_386 = arith.addi %select_n3A_76, %add3A_385 : i32
      %jit3A_387 = arith.constant 2 : i32
      %div3A_388 = arith.divsi %add3A_386, %jit3A_387 : i32
      %sign3A_389 = arith.constant 0 : i32
      %sign3A_390 = arith.cmpi sgt, %add3A_386, %sign3A_389 : i32
      %sign3A_391 = arith.extui %sign3A_390 : i1 to i32
      %sign3A_392 = arith.constant 0 : i32
      %sign3A_393 = arith.cmpi slt, %add3A_386, %sign3A_392 : i32
      %sign3A_394 = arith.extui %sign3A_393 : i1 to i32
      %sign3A_395 = arith.subi %sign3A_391, %sign3A_394 : i32
      %sign3A_396 = arith.constant 0 : i32
      %sign3A_397 = arith.cmpi sgt, %jit3A_387, %sign3A_396 : i32
      %sign3A_398 = arith.extui %sign3A_397 : i1 to i32
      %sign3A_399 = arith.constant 0 : i32
      %sign3A_400 = arith.cmpi slt, %jit3A_387, %sign3A_399 : i32
      %sign3A_401 = arith.extui %sign3A_400 : i1 to i32
      %sign3A_402 = arith.subi %sign3A_398, %sign3A_401 : i32
      %ne3A_403 = arith.cmpi ne, %sign3A_395, %sign3A_402 : i32
      %rem3A_404 = arith.remsi %add3A_386, %jit3A_387 : i32
      %ne3A_405 = arith.constant 0 : i32
      %ne3A_406 = arith.cmpi ne, %rem3A_404, %ne3A_405 : i32
      %and3A_407 = arith.andi %ne3A_403, %ne3A_406 : i1
      %sub3A_408 = arith.constant 1 : i32
      %sub3A_409 = arith.subi %div3A_388, %sub3A_408 : i32
      %select_n3A_410 = arith.select %and3A_407, %sub3A_409, %div3A_388 : i32
      %while3A_411 = arith.constant 0 : i32
      %while3A_412 = arith.subi %select_n3A_410, %while3A_411 : i32
      %while3A_413 = arith.addi %while3A_411, %while3A_412 : i32
      %while3A_414 = arith.constant 1 : i32
      %while3A_415 = arith.divsi %while3A_412, %while3A_414 : i32
      %while3A_416 = arith.muli %while3A_415, %while3A_414 : i32
      %while3A_417 = arith.addi %while3A_411, %while3A_416 : i32
      %while3A_418 = arith.constant 1 : i32
      %while3A_419:6 = scf.for %while3A_1355 = %while3A_411 to %while3A_417 step %while3A_418 iter_args(%while3A_1356 = %broadcast_in_dim3A_149, %while3A_1357 = %broadcast_in_dim3A_149, %while3A_1358 = %broadcast_in_dim3A_149, %while3A_1359 = %broadcast_in_dim3A_149, %while3A_1360 = %broadcast_in_dim3A_149, %while3A_1361 = %broadcast_in_dim3A_149) -> (vector<16xi32>, vector<16xi32>, vector<16xi32>, vector<16xi32>, vector<16xi32>, vector<16xi32>)  : i32 {
        %mul3A_1362 = arith.constant 32 : i32
        %mul3A_1363 = arith.muli %while3A_1355, %mul3A_1362 : i32
        %get3A_1364 = arith.index_cast %mul3A_1363 : i32 to index
        %get3A_1365 = tpu.vector_load %arg5[%get3A_1364] {strides = array<i32>} : memref<4224xf32, #tpu.memory_space<vmem>>, vector<16xf32>,
        %add3A_1366 = arith.constant 16 : i32
        %add3A_1367 = arith.addi %mul3A_1363, %add3A_1366 : i32
        %get3A_1368 = arith.index_cast %add3A_1367 : i32 to index
        %get3A_1369 = tpu.vector_load %arg5[%get3A_1368] {strides = array<i32>} : memref<4224xf32, #tpu.memory_space<vmem>>, vector<16xf32>,
        %ge3A_1370 = arith.cmpf oge, %get3A_1365, %bitcast3A_376 : vector<16xf32>
        %select_n3A_1371 = arith.select %ge3A_1370, %broadcast_in_dim3A_147, %broadcast_in_dim3A_149 : vector<16xi1>, vector<16xi32>
        %add3A_1372 = arith.addi %while3A_1356, %select_n3A_1371 : vector<16xi32>
        %ge3A_1373 = arith.cmpf oge, %get3A_1365, %bitcast3A_380 : vector<16xf32>
        %select_n3A_1374 = arith.select %ge3A_1373, %broadcast_in_dim3A_147, %broadcast_in_dim3A_149 : vector<16xi1>, vector<16xi32>
        %add3A_1375 = arith.addi %while3A_1357, %select_n3A_1374 : vector<16xi32>
        %ge3A_1376 = arith.cmpf oge, %get3A_1365, %bitcast3A_384 : vector<16xf32>
        %select_n3A_1377 = arith.select %ge3A_1376, %broadcast_in_dim3A_147, %broadcast_in_dim3A_149 : vector<16xi1>, vector<16xi32>
        %add3A_1378 = arith.addi %while3A_1358, %select_n3A_1377 : vector<16xi32>
        %ge3A_1379 = arith.cmpf oge, %get3A_1369, %bitcast3A_376 : vector<16xf32>
        %select_n3A_1380 = arith.select %ge3A_1379, %broadcast_in_dim3A_147, %broadcast_in_dim3A_149 : vector<16xi1>, vector<16xi32>
        %add3A_1381 = arith.addi %while3A_1359, %select_n3A_1380 : vector<16xi32>
        %ge3A_1382 = arith.cmpf oge, %get3A_1369, %bitcast3A_380 : vector<16xf32>
        %select_n3A_1383 = arith.select %ge3A_1382, %broadcast_in_dim3A_147, %broadcast_in_dim3A_149 : vector<16xi1>, vector<16xi32>
        %add3A_1384 = arith.addi %while3A_1360, %select_n3A_1383 : vector<16xi32>
        %ge3A_1385 = arith.cmpf oge, %get3A_1369, %bitcast3A_384 : vector<16xf32>
        %select_n3A_1386 = arith.select %ge3A_1385, %broadcast_in_dim3A_147, %broadcast_in_dim3A_149 : vector<16xi1>, vector<16xi32>
        %add3A_1387 = arith.addi %while3A_1361, %select_n3A_1386 : vector<16xi32>
        scf.yield %add3A_1372, %add3A_1375, %add3A_1378, %add3A_1381, %add3A_1384, %add3A_1387 : vector<16xi32>, vector<16xi32>, vector<16xi32>, vector<16xi32>, vector<16xi32>, vector<16xi32>
      }
      %while3A_420 = arith.constant 1 : i32
      %while3A_421:6 = scf.for %while3A_1355 = %while3A_417 to %while3A_413 step %while3A_420 iter_args(%while3A_1356 = %while3A_419#0, %while3A_1357 = %while3A_419#1, %while3A_1358 = %while3A_419#2, %while3A_1359 = %while3A_419#3, %while3A_1360 = %while3A_419#4, %while3A_1361 = %while3A_419#5) -> (vector<16xi32>, vector<16xi32>, vector<16xi32>, vector<16xi32>, vector<16xi32>, vector<16xi32>)  : i32 {
        %mul3A_1362 = arith.constant 32 : i32
        %mul3A_1363 = arith.muli %while3A_1355, %mul3A_1362 : i32
        %get3A_1364 = arith.index_cast %mul3A_1363 : i32 to index
        %get3A_1365 = tpu.vector_load %arg5[%get3A_1364] {strides = array<i32>} : memref<4224xf32, #tpu.memory_space<vmem>>, vector<16xf32>,
        %add3A_1366 = arith.constant 16 : i32
        %add3A_1367 = arith.addi %mul3A_1363, %add3A_1366 : i32
        %get3A_1368 = arith.index_cast %add3A_1367 : i32 to index
        %get3A_1369 = tpu.vector_load %arg5[%get3A_1368] {strides = array<i32>} : memref<4224xf32, #tpu.memory_space<vmem>>, vector<16xf32>,
        %ge3A_1370 = arith.cmpf oge, %get3A_1365, %bitcast3A_376 : vector<16xf32>
        %select_n3A_1371 = arith.select %ge3A_1370, %broadcast_in_dim3A_147, %broadcast_in_dim3A_149 : vector<16xi1>, vector<16xi32>
        %add3A_1372 = arith.addi %while3A_1356, %select_n3A_1371 : vector<16xi32>
        %ge3A_1373 = arith.cmpf oge, %get3A_1365, %bitcast3A_380 : vector<16xf32>
        %select_n3A_1374 = arith.select %ge3A_1373, %broadcast_in_dim3A_147, %broadcast_in_dim3A_149 : vector<16xi1>, vector<16xi32>
        %add3A_1375 = arith.addi %while3A_1357, %select_n3A_1374 : vector<16xi32>
        %ge3A_1376 = arith.cmpf oge, %get3A_1365, %bitcast3A_384 : vector<16xf32>
        %select_n3A_1377 = arith.select %ge3A_1376, %broadcast_in_dim3A_147, %broadcast_in_dim3A_149 : vector<16xi1>, vector<16xi32>
        %add3A_1378 = arith.addi %while3A_1358, %select_n3A_1377 : vector<16xi32>
        %ge3A_1379 = arith.cmpf oge, %get3A_1369, %bitcast3A_376 : vector<16xf32>
        %select_n3A_1380 = arith.select %ge3A_1379, %broadcast_in_dim3A_147, %broadcast_in_dim3A_149 : vector<16xi1>, vector<16xi32>
        %add3A_1381 = arith.addi %while3A_1359, %select_n3A_1380 : vector<16xi32>
        %ge3A_1382 = arith.cmpf oge, %get3A_1369, %bitcast3A_380 : vector<16xf32>
        %select_n3A_1383 = arith.select %ge3A_1382, %broadcast_in_dim3A_147, %broadcast_in_dim3A_149 : vector<16xi1>, vector<16xi32>
        %add3A_1384 = arith.addi %while3A_1360, %select_n3A_1383 : vector<16xi32>
        %ge3A_1385 = arith.cmpf oge, %get3A_1369, %bitcast3A_384 : vector<16xf32>
        %select_n3A_1386 = arith.select %ge3A_1385, %broadcast_in_dim3A_147, %broadcast_in_dim3A_149 : vector<16xi1>, vector<16xi32>
        %add3A_1387 = arith.addi %while3A_1361, %select_n3A_1386 : vector<16xi32>
        scf.yield %add3A_1372, %add3A_1375, %add3A_1378, %add3A_1381, %add3A_1384, %add3A_1387 : vector<16xi32>, vector<16xi32>, vector<16xi32>, vector<16xi32>, vector<16xi32>, vector<16xi32>
      }
      %add3A_422 = arith.addi %while3A_421#0, %while3A_421#3 : vector<16xi32>
      %reduce_sum3A_423 = arith.constant true
      %reduce_sum3A_424 = vector.broadcast %reduce_sum3A_423 : i1 to vector<16xi1>
      %reduce_sum3A_425 = tpu.scan <sum>, %add3A_422 masked %reduce_sum3A_424 : vector<16xi32>, vector<16xi1> -> vector<16xi32>
      %reduce_sum3A_426 = vector.extract %reduce_sum3A_425[15] : i32 from vector<16xi32>
      %broadcast_in_dim3A_427 = vector.broadcast %reduce_sum3A_426 : i32 to vector<16xi32>
      %add3A_428 = arith.addi %while3A_421#1, %while3A_421#4 : vector<16xi32>
      %reduce_sum3A_429 = arith.constant true
      %reduce_sum3A_430 = vector.broadcast %reduce_sum3A_429 : i1 to vector<16xi1>
      %reduce_sum3A_431 = tpu.scan <sum>, %add3A_428 masked %reduce_sum3A_430 : vector<16xi32>, vector<16xi1> -> vector<16xi32>
      %reduce_sum3A_432 = vector.extract %reduce_sum3A_431[15] : i32 from vector<16xi32>
      %broadcast_in_dim3A_433 = vector.broadcast %reduce_sum3A_432 : i32 to vector<16xi32>
      %add3A_434 = arith.addi %while3A_421#2, %while3A_421#5 : vector<16xi32>
      %reduce_sum3A_435 = arith.constant true
      %reduce_sum3A_436 = vector.broadcast %reduce_sum3A_435 : i1 to vector<16xi1>
      %reduce_sum3A_437 = tpu.scan <sum>, %add3A_434 masked %reduce_sum3A_436 : vector<16xi32>, vector<16xi1> -> vector<16xi32>
      %reduce_sum3A_438 = vector.extract %reduce_sum3A_437[15] : i32 from vector<16xi32>
      %broadcast_in_dim3A_439 = vector.broadcast %reduce_sum3A_438 : i32 to vector<16xi32>
      %ge3A_440 = arith.cmpi sge, %broadcast_in_dim3A_439, %broadcast_in_dim3A_145 : vector<16xi32>
      %bitcast3A_441 = vector.bitcast %bitcast3A_384 : vector<16xf32> to vector<16xi32>
      %ge3A_442 = arith.cmpi sge, %broadcast_in_dim3A_433, %broadcast_in_dim3A_145 : vector<16xi32>
      %bitcast3A_443 = vector.bitcast %bitcast3A_380 : vector<16xf32> to vector<16xi32>
      %ge3A_444 = arith.cmpi sge, %broadcast_in_dim3A_427, %broadcast_in_dim3A_145 : vector<16xi32>
      %bitcast3A_445 = vector.bitcast %bitcast3A_376 : vector<16xf32> to vector<16xi32>
      %select_n3A_446 = arith.select %ge3A_444, %bitcast3A_445, %select_n3A_372 : vector<16xi1>, vector<16xi32>
      %select_n3A_447 = arith.select %ge3A_442, %bitcast3A_443, %select_n3A_446 : vector<16xi1>, vector<16xi32>
      %select_n3A_448 = arith.select %ge3A_440, %bitcast3A_441, %select_n3A_447 : vector<16xi1>, vector<16xi32>
      %broadcast_in_dim3A_449 = arith.constant 1048576 : i32
      %broadcast_in_dim3A_450 = vector.broadcast %broadcast_in_dim3A_449 : i32 to vector<16xi32>
      %or3A_451 = arith.ori %select_n3A_448, %broadcast_in_dim3A_450 : vector<16xi32>
      %bitcast3A_452 = vector.bitcast %or3A_451 : vector<16xi32> to vector<16xf32>
      %broadcast_in_dim3A_453 = arith.constant 2097152 : i32
      %broadcast_in_dim3A_454 = vector.broadcast %broadcast_in_dim3A_453 : i32 to vector<16xi32>
      %or3A_455 = arith.ori %select_n3A_448, %broadcast_in_dim3A_454 : vector<16xi32>
      %bitcast3A_456 = vector.bitcast %or3A_455 : vector<16xi32> to vector<16xf32>
      %broadcast_in_dim3A_457 = arith.constant 3145728 : i32
      %broadcast_in_dim3A_458 = vector.broadcast %broadcast_in_dim3A_457 : i32 to vector<16xi32>
      %or3A_459 = arith.ori %select_n3A_448, %broadcast_in_dim3A_458 : vector<16xi32>
      %bitcast3A_460 = vector.bitcast %or3A_459 : vector<16xi32> to vector<16xf32>
      %add3A_461 = arith.constant 1 : i32
      %add3A_462 = arith.addi %select_n3A_76, %add3A_461 : i32
      %jit3A_463 = arith.constant 2 : i32
      %div3A_464 = arith.divsi %add3A_462, %jit3A_463 : i32
      %sign3A_465 = arith.constant 0 : i32
      %sign3A_466 = arith.cmpi sgt, %add3A_462, %sign3A_465 : i32
      %sign3A_467 = arith.extui %sign3A_466 : i1 to i32
      %sign3A_468 = arith.constant 0 : i32
      %sign3A_469 = arith.cmpi slt, %add3A_462, %sign3A_468 : i32
      %sign3A_470 = arith.extui %sign3A_469 : i1 to i32
      %sign3A_471 = arith.subi %sign3A_467, %sign3A_470 : i32
      %sign3A_472 = arith.constant 0 : i32
      %sign3A_473 = arith.cmpi sgt, %jit3A_463, %sign3A_472 : i32
      %sign3A_474 = arith.extui %sign3A_473 : i1 to i32
      %sign3A_475 = arith.constant 0 : i32
      %sign3A_476 = arith.cmpi slt, %jit3A_463, %sign3A_475 : i32
      %sign3A_477 = arith.extui %sign3A_476 : i1 to i32
      %sign3A_478 = arith.subi %sign3A_474, %sign3A_477 : i32
      %ne3A_479 = arith.cmpi ne, %sign3A_471, %sign3A_478 : i32
      %rem3A_480 = arith.remsi %add3A_462, %jit3A_463 : i32
      %ne3A_481 = arith.constant 0 : i32
      %ne3A_482 = arith.cmpi ne, %rem3A_480, %ne3A_481 : i32
      %and3A_483 = arith.andi %ne3A_479, %ne3A_482 : i1
      %sub3A_484 = arith.constant 1 : i32
      %sub3A_485 = arith.subi %div3A_464, %sub3A_484 : i32
      %select_n3A_486 = arith.select %and3A_483, %sub3A_485, %div3A_464 : i32
      %while3A_487 = arith.constant 0 : i32
      %while3A_488 = arith.subi %select_n3A_486, %while3A_487 : i32
      %while3A_489 = arith.addi %while3A_487, %while3A_488 : i32
      %while3A_490 = arith.constant 1 : i32
      %while3A_491 = arith.divsi %while3A_488, %while3A_490 : i32
      %while3A_492 = arith.muli %while3A_491, %while3A_490 : i32
      %while3A_493 = arith.addi %while3A_487, %while3A_492 : i32
      %while3A_494 = arith.constant 1 : i32
      %while3A_495:6 = scf.for %while3A_1355 = %while3A_487 to %while3A_493 step %while3A_494 iter_args(%while3A_1356 = %broadcast_in_dim3A_149, %while3A_1357 = %broadcast_in_dim3A_149, %while3A_1358 = %broadcast_in_dim3A_149, %while3A_1359 = %broadcast_in_dim3A_149, %while3A_1360 = %broadcast_in_dim3A_149, %while3A_1361 = %broadcast_in_dim3A_149) -> (vector<16xi32>, vector<16xi32>, vector<16xi32>, vector<16xi32>, vector<16xi32>, vector<16xi32>)  : i32 {
        %mul3A_1362 = arith.constant 32 : i32
        %mul3A_1363 = arith.muli %while3A_1355, %mul3A_1362 : i32
        %get3A_1364 = arith.index_cast %mul3A_1363 : i32 to index
        %get3A_1365 = tpu.vector_load %arg5[%get3A_1364] {strides = array<i32>} : memref<4224xf32, #tpu.memory_space<vmem>>, vector<16xf32>,
        %add3A_1366 = arith.constant 16 : i32
        %add3A_1367 = arith.addi %mul3A_1363, %add3A_1366 : i32
        %get3A_1368 = arith.index_cast %add3A_1367 : i32 to index
        %get3A_1369 = tpu.vector_load %arg5[%get3A_1368] {strides = array<i32>} : memref<4224xf32, #tpu.memory_space<vmem>>, vector<16xf32>,
        %ge3A_1370 = arith.cmpf oge, %get3A_1365, %bitcast3A_452 : vector<16xf32>
        %select_n3A_1371 = arith.select %ge3A_1370, %broadcast_in_dim3A_147, %broadcast_in_dim3A_149 : vector<16xi1>, vector<16xi32>
        %add3A_1372 = arith.addi %while3A_1356, %select_n3A_1371 : vector<16xi32>
        %ge3A_1373 = arith.cmpf oge, %get3A_1365, %bitcast3A_456 : vector<16xf32>
        %select_n3A_1374 = arith.select %ge3A_1373, %broadcast_in_dim3A_147, %broadcast_in_dim3A_149 : vector<16xi1>, vector<16xi32>
        %add3A_1375 = arith.addi %while3A_1357, %select_n3A_1374 : vector<16xi32>
        %ge3A_1376 = arith.cmpf oge, %get3A_1365, %bitcast3A_460 : vector<16xf32>
        %select_n3A_1377 = arith.select %ge3A_1376, %broadcast_in_dim3A_147, %broadcast_in_dim3A_149 : vector<16xi1>, vector<16xi32>
        %add3A_1378 = arith.addi %while3A_1358, %select_n3A_1377 : vector<16xi32>
        %ge3A_1379 = arith.cmpf oge, %get3A_1369, %bitcast3A_452 : vector<16xf32>
        %select_n3A_1380 = arith.select %ge3A_1379, %broadcast_in_dim3A_147, %broadcast_in_dim3A_149 : vector<16xi1>, vector<16xi32>
        %add3A_1381 = arith.addi %while3A_1359, %select_n3A_1380 : vector<16xi32>
        %ge3A_1382 = arith.cmpf oge, %get3A_1369, %bitcast3A_456 : vector<16xf32>
        %select_n3A_1383 = arith.select %ge3A_1382, %broadcast_in_dim3A_147, %broadcast_in_dim3A_149 : vector<16xi1>, vector<16xi32>
        %add3A_1384 = arith.addi %while3A_1360, %select_n3A_1383 : vector<16xi32>
        %ge3A_1385 = arith.cmpf oge, %get3A_1369, %bitcast3A_460 : vector<16xf32>
        %select_n3A_1386 = arith.select %ge3A_1385, %broadcast_in_dim3A_147, %broadcast_in_dim3A_149 : vector<16xi1>, vector<16xi32>
        %add3A_1387 = arith.addi %while3A_1361, %select_n3A_1386 : vector<16xi32>
        scf.yield %add3A_1372, %add3A_1375, %add3A_1378, %add3A_1381, %add3A_1384, %add3A_1387 : vector<16xi32>, vector<16xi32>, vector<16xi32>, vector<16xi32>, vector<16xi32>, vector<16xi32>
      }
      %while3A_496 = arith.constant 1 : i32
      %while3A_497:6 = scf.for %while3A_1355 = %while3A_493 to %while3A_489 step %while3A_496 iter_args(%while3A_1356 = %while3A_495#0, %while3A_1357 = %while3A_495#1, %while3A_1358 = %while3A_495#2, %while3A_1359 = %while3A_495#3, %while3A_1360 = %while3A_495#4, %while3A_1361 = %while3A_495#5) -> (vector<16xi32>, vector<16xi32>, vector<16xi32>, vector<16xi32>, vector<16xi32>, vector<16xi32>)  : i32 {
        %mul3A_1362 = arith.constant 32 : i32
        %mul3A_1363 = arith.muli %while3A_1355, %mul3A_1362 : i32
        %get3A_1364 = arith.index_cast %mul3A_1363 : i32 to index
        %get3A_1365 = tpu.vector_load %arg5[%get3A_1364] {strides = array<i32>} : memref<4224xf32, #tpu.memory_space<vmem>>, vector<16xf32>,
        %add3A_1366 = arith.constant 16 : i32
        %add3A_1367 = arith.addi %mul3A_1363, %add3A_1366 : i32
        %get3A_1368 = arith.index_cast %add3A_1367 : i32 to index
        %get3A_1369 = tpu.vector_load %arg5[%get3A_1368] {strides = array<i32>} : memref<4224xf32, #tpu.memory_space<vmem>>, vector<16xf32>,
        %ge3A_1370 = arith.cmpf oge, %get3A_1365, %bitcast3A_452 : vector<16xf32>
        %select_n3A_1371 = arith.select %ge3A_1370, %broadcast_in_dim3A_147, %broadcast_in_dim3A_149 : vector<16xi1>, vector<16xi32>
        %add3A_1372 = arith.addi %while3A_1356, %select_n3A_1371 : vector<16xi32>
        %ge3A_1373 = arith.cmpf oge, %get3A_1365, %bitcast3A_456 : vector<16xf32>
        %select_n3A_1374 = arith.select %ge3A_1373, %broadcast_in_dim3A_147, %broadcast_in_dim3A_149 : vector<16xi1>, vector<16xi32>
        %add3A_1375 = arith.addi %while3A_1357, %select_n3A_1374 : vector<16xi32>
        %ge3A_1376 = arith.cmpf oge, %get3A_1365, %bitcast3A_460 : vector<16xf32>
        %select_n3A_1377 = arith.select %ge3A_1376, %broadcast_in_dim3A_147, %broadcast_in_dim3A_149 : vector<16xi1>, vector<16xi32>
        %add3A_1378 = arith.addi %while3A_1358, %select_n3A_1377 : vector<16xi32>
        %ge3A_1379 = arith.cmpf oge, %get3A_1369, %bitcast3A_452 : vector<16xf32>
        %select_n3A_1380 = arith.select %ge3A_1379, %broadcast_in_dim3A_147, %broadcast_in_dim3A_149 : vector<16xi1>, vector<16xi32>
        %add3A_1381 = arith.addi %while3A_1359, %select_n3A_1380 : vector<16xi32>
        %ge3A_1382 = arith.cmpf oge, %get3A_1369, %bitcast3A_456 : vector<16xf32>
        %select_n3A_1383 = arith.select %ge3A_1382, %broadcast_in_dim3A_147, %broadcast_in_dim3A_149 : vector<16xi1>, vector<16xi32>
        %add3A_1384 = arith.addi %while3A_1360, %select_n3A_1383 : vector<16xi32>
        %ge3A_1385 = arith.cmpf oge, %get3A_1369, %bitcast3A_460 : vector<16xf32>
        %select_n3A_1386 = arith.select %ge3A_1385, %broadcast_in_dim3A_147, %broadcast_in_dim3A_149 : vector<16xi1>, vector<16xi32>
        %add3A_1387 = arith.addi %while3A_1361, %select_n3A_1386 : vector<16xi32>
        scf.yield %add3A_1372, %add3A_1375, %add3A_1378, %add3A_1381, %add3A_1384, %add3A_1387 : vector<16xi32>, vector<16xi32>, vector<16xi32>, vector<16xi32>, vector<16xi32>, vector<16xi32>
      }
      %add3A_498 = arith.addi %while3A_497#0, %while3A_497#3 : vector<16xi32>
      %reduce_sum3A_499 = arith.constant true
      %reduce_sum3A_500 = vector.broadcast %reduce_sum3A_499 : i1 to vector<16xi1>
      %reduce_sum3A_501 = tpu.scan <sum>, %add3A_498 masked %reduce_sum3A_500 : vector<16xi32>, vector<16xi1> -> vector<16xi32>
      %reduce_sum3A_502 = vector.extract %reduce_sum3A_501[15] : i32 from vector<16xi32>
      %broadcast_in_dim3A_503 = vector.broadcast %reduce_sum3A_502 : i32 to vector<16xi32>
      %add3A_504 = arith.addi %while3A_497#1, %while3A_497#4 : vector<16xi32>
      %reduce_sum3A_505 = arith.constant true
      %reduce_sum3A_506 = vector.broadcast %reduce_sum3A_505 : i1 to vector<16xi1>
      %reduce_sum3A_507 = tpu.scan <sum>, %add3A_504 masked %reduce_sum3A_506 : vector<16xi32>, vector<16xi1> -> vector<16xi32>
      %reduce_sum3A_508 = vector.extract %reduce_sum3A_507[15] : i32 from vector<16xi32>
      %broadcast_in_dim3A_509 = vector.broadcast %reduce_sum3A_508 : i32 to vector<16xi32>
      %add3A_510 = arith.addi %while3A_497#2, %while3A_497#5 : vector<16xi32>
      %reduce_sum3A_511 = arith.constant true
      %reduce_sum3A_512 = vector.broadcast %reduce_sum3A_511 : i1 to vector<16xi1>
      %reduce_sum3A_513 = tpu.scan <sum>, %add3A_510 masked %reduce_sum3A_512 : vector<16xi32>, vector<16xi1> -> vector<16xi32>
      %reduce_sum3A_514 = vector.extract %reduce_sum3A_513[15] : i32 from vector<16xi32>
      %broadcast_in_dim3A_515 = vector.broadcast %reduce_sum3A_514 : i32 to vector<16xi32>
      %ge3A_516 = arith.cmpi sge, %broadcast_in_dim3A_515, %broadcast_in_dim3A_145 : vector<16xi32>
      %bitcast3A_517 = vector.bitcast %bitcast3A_460 : vector<16xf32> to vector<16xi32>
      %ge3A_518 = arith.cmpi sge, %broadcast_in_dim3A_509, %broadcast_in_dim3A_145 : vector<16xi32>
      %bitcast3A_519 = vector.bitcast %bitcast3A_456 : vector<16xf32> to vector<16xi32>
      %ge3A_520 = arith.cmpi sge, %broadcast_in_dim3A_503, %broadcast_in_dim3A_145 : vector<16xi32>
      %bitcast3A_521 = vector.bitcast %bitcast3A_452 : vector<16xf32> to vector<16xi32>
      %select_n3A_522 = arith.select %ge3A_520, %bitcast3A_521, %select_n3A_448 : vector<16xi1>, vector<16xi32>
      %select_n3A_523 = arith.select %ge3A_518, %bitcast3A_519, %select_n3A_522 : vector<16xi1>, vector<16xi32>
      %select_n3A_524 = arith.select %ge3A_516, %bitcast3A_517, %select_n3A_523 : vector<16xi1>, vector<16xi32>
      %broadcast_in_dim3A_525 = arith.constant 262144 : i32
      %broadcast_in_dim3A_526 = vector.broadcast %broadcast_in_dim3A_525 : i32 to vector<16xi32>
      %or3A_527 = arith.ori %select_n3A_524, %broadcast_in_dim3A_526 : vector<16xi32>
      %bitcast3A_528 = vector.bitcast %or3A_527 : vector<16xi32> to vector<16xf32>
      %broadcast_in_dim3A_529 = arith.constant 524288 : i32
      %broadcast_in_dim3A_530 = vector.broadcast %broadcast_in_dim3A_529 : i32 to vector<16xi32>
      %or3A_531 = arith.ori %select_n3A_524, %broadcast_in_dim3A_530 : vector<16xi32>
      %bitcast3A_532 = vector.bitcast %or3A_531 : vector<16xi32> to vector<16xf32>
      %broadcast_in_dim3A_533 = arith.constant 786432 : i32
      %broadcast_in_dim3A_534 = vector.broadcast %broadcast_in_dim3A_533 : i32 to vector<16xi32>
      %or3A_535 = arith.ori %select_n3A_524, %broadcast_in_dim3A_534 : vector<16xi32>
      %bitcast3A_536 = vector.bitcast %or3A_535 : vector<16xi32> to vector<16xf32>
      %add3A_537 = arith.constant 1 : i32
      %add3A_538 = arith.addi %select_n3A_76, %add3A_537 : i32
      %jit3A_539 = arith.constant 2 : i32
      %div3A_540 = arith.divsi %add3A_538, %jit3A_539 : i32
      %sign3A_541 = arith.constant 0 : i32
      %sign3A_542 = arith.cmpi sgt, %add3A_538, %sign3A_541 : i32
      %sign3A_543 = arith.extui %sign3A_542 : i1 to i32
      %sign3A_544 = arith.constant 0 : i32
      %sign3A_545 = arith.cmpi slt, %add3A_538, %sign3A_544 : i32
      %sign3A_546 = arith.extui %sign3A_545 : i1 to i32
      %sign3A_547 = arith.subi %sign3A_543, %sign3A_546 : i32
      %sign3A_548 = arith.constant 0 : i32
      %sign3A_549 = arith.cmpi sgt, %jit3A_539, %sign3A_548 : i32
      %sign3A_550 = arith.extui %sign3A_549 : i1 to i32
      %sign3A_551 = arith.constant 0 : i32
      %sign3A_552 = arith.cmpi slt, %jit3A_539, %sign3A_551 : i32
      %sign3A_553 = arith.extui %sign3A_552 : i1 to i32
      %sign3A_554 = arith.subi %sign3A_550, %sign3A_553 : i32
      %ne3A_555 = arith.cmpi ne, %sign3A_547, %sign3A_554 : i32
      %rem3A_556 = arith.remsi %add3A_538, %jit3A_539 : i32
      %ne3A_557 = arith.constant 0 : i32
      %ne3A_558 = arith.cmpi ne, %rem3A_556, %ne3A_557 : i32
      %and3A_559 = arith.andi %ne3A_555, %ne3A_558 : i1
      %sub3A_560 = arith.constant 1 : i32
      %sub3A_561 = arith.subi %div3A_540, %sub3A_560 : i32
      %select_n3A_562 = arith.select %and3A_559, %sub3A_561, %div3A_540 : i32
      %while3A_563 = arith.constant 0 : i32
      %while3A_564 = arith.subi %select_n3A_562, %while3A_563 : i32
      %while3A_565 = arith.addi %while3A_563, %while3A_564 : i32
      %while3A_566 = arith.constant 1 : i32
      %while3A_567 = arith.divsi %while3A_564, %while3A_566 : i32
      %while3A_568 = arith.muli %while3A_567, %while3A_566 : i32
      %while3A_569 = arith.addi %while3A_563, %while3A_568 : i32
      %while3A_570 = arith.constant 1 : i32
      %while3A_571:6 = scf.for %while3A_1355 = %while3A_563 to %while3A_569 step %while3A_570 iter_args(%while3A_1356 = %broadcast_in_dim3A_149, %while3A_1357 = %broadcast_in_dim3A_149, %while3A_1358 = %broadcast_in_dim3A_149, %while3A_1359 = %broadcast_in_dim3A_149, %while3A_1360 = %broadcast_in_dim3A_149, %while3A_1361 = %broadcast_in_dim3A_149) -> (vector<16xi32>, vector<16xi32>, vector<16xi32>, vector<16xi32>, vector<16xi32>, vector<16xi32>)  : i32 {
        %mul3A_1362 = arith.constant 32 : i32
        %mul3A_1363 = arith.muli %while3A_1355, %mul3A_1362 : i32
        %get3A_1364 = arith.index_cast %mul3A_1363 : i32 to index
        %get3A_1365 = tpu.vector_load %arg5[%get3A_1364] {strides = array<i32>} : memref<4224xf32, #tpu.memory_space<vmem>>, vector<16xf32>,
        %add3A_1366 = arith.constant 16 : i32
        %add3A_1367 = arith.addi %mul3A_1363, %add3A_1366 : i32
        %get3A_1368 = arith.index_cast %add3A_1367 : i32 to index
        %get3A_1369 = tpu.vector_load %arg5[%get3A_1368] {strides = array<i32>} : memref<4224xf32, #tpu.memory_space<vmem>>, vector<16xf32>,
        %ge3A_1370 = arith.cmpf oge, %get3A_1365, %bitcast3A_528 : vector<16xf32>
        %select_n3A_1371 = arith.select %ge3A_1370, %broadcast_in_dim3A_147, %broadcast_in_dim3A_149 : vector<16xi1>, vector<16xi32>
        %add3A_1372 = arith.addi %while3A_1356, %select_n3A_1371 : vector<16xi32>
        %ge3A_1373 = arith.cmpf oge, %get3A_1365, %bitcast3A_532 : vector<16xf32>
        %select_n3A_1374 = arith.select %ge3A_1373, %broadcast_in_dim3A_147, %broadcast_in_dim3A_149 : vector<16xi1>, vector<16xi32>
        %add3A_1375 = arith.addi %while3A_1357, %select_n3A_1374 : vector<16xi32>
        %ge3A_1376 = arith.cmpf oge, %get3A_1365, %bitcast3A_536 : vector<16xf32>
        %select_n3A_1377 = arith.select %ge3A_1376, %broadcast_in_dim3A_147, %broadcast_in_dim3A_149 : vector<16xi1>, vector<16xi32>
        %add3A_1378 = arith.addi %while3A_1358, %select_n3A_1377 : vector<16xi32>
        %ge3A_1379 = arith.cmpf oge, %get3A_1369, %bitcast3A_528 : vector<16xf32>
        %select_n3A_1380 = arith.select %ge3A_1379, %broadcast_in_dim3A_147, %broadcast_in_dim3A_149 : vector<16xi1>, vector<16xi32>
        %add3A_1381 = arith.addi %while3A_1359, %select_n3A_1380 : vector<16xi32>
        %ge3A_1382 = arith.cmpf oge, %get3A_1369, %bitcast3A_532 : vector<16xf32>
        %select_n3A_1383 = arith.select %ge3A_1382, %broadcast_in_dim3A_147, %broadcast_in_dim3A_149 : vector<16xi1>, vector<16xi32>
        %add3A_1384 = arith.addi %while3A_1360, %select_n3A_1383 : vector<16xi32>
        %ge3A_1385 = arith.cmpf oge, %get3A_1369, %bitcast3A_536 : vector<16xf32>
        %select_n3A_1386 = arith.select %ge3A_1385, %broadcast_in_dim3A_147, %broadcast_in_dim3A_149 : vector<16xi1>, vector<16xi32>
        %add3A_1387 = arith.addi %while3A_1361, %select_n3A_1386 : vector<16xi32>
        scf.yield %add3A_1372, %add3A_1375, %add3A_1378, %add3A_1381, %add3A_1384, %add3A_1387 : vector<16xi32>, vector<16xi32>, vector<16xi32>, vector<16xi32>, vector<16xi32>, vector<16xi32>
      }
      %while3A_572 = arith.constant 1 : i32
      %while3A_573:6 = scf.for %while3A_1355 = %while3A_569 to %while3A_565 step %while3A_572 iter_args(%while3A_1356 = %while3A_571#0, %while3A_1357 = %while3A_571#1, %while3A_1358 = %while3A_571#2, %while3A_1359 = %while3A_571#3, %while3A_1360 = %while3A_571#4, %while3A_1361 = %while3A_571#5) -> (vector<16xi32>, vector<16xi32>, vector<16xi32>, vector<16xi32>, vector<16xi32>, vector<16xi32>)  : i32 {
        %mul3A_1362 = arith.constant 32 : i32
        %mul3A_1363 = arith.muli %while3A_1355, %mul3A_1362 : i32
        %get3A_1364 = arith.index_cast %mul3A_1363 : i32 to index
        %get3A_1365 = tpu.vector_load %arg5[%get3A_1364] {strides = array<i32>} : memref<4224xf32, #tpu.memory_space<vmem>>, vector<16xf32>,
        %add3A_1366 = arith.constant 16 : i32
        %add3A_1367 = arith.addi %mul3A_1363, %add3A_1366 : i32
        %get3A_1368 = arith.index_cast %add3A_1367 : i32 to index
        %get3A_1369 = tpu.vector_load %arg5[%get3A_1368] {strides = array<i32>} : memref<4224xf32, #tpu.memory_space<vmem>>, vector<16xf32>,
        %ge3A_1370 = arith.cmpf oge, %get3A_1365, %bitcast3A_528 : vector<16xf32>
        %select_n3A_1371 = arith.select %ge3A_1370, %broadcast_in_dim3A_147, %broadcast_in_dim3A_149 : vector<16xi1>, vector<16xi32>
        %add3A_1372 = arith.addi %while3A_1356, %select_n3A_1371 : vector<16xi32>
        %ge3A_1373 = arith.cmpf oge, %get3A_1365, %bitcast3A_532 : vector<16xf32>
        %select_n3A_1374 = arith.select %ge3A_1373, %broadcast_in_dim3A_147, %broadcast_in_dim3A_149 : vector<16xi1>, vector<16xi32>
        %add3A_1375 = arith.addi %while3A_1357, %select_n3A_1374 : vector<16xi32>
        %ge3A_1376 = arith.cmpf oge, %get3A_1365, %bitcast3A_536 : vector<16xf32>
        %select_n3A_1377 = arith.select %ge3A_1376, %broadcast_in_dim3A_147, %broadcast_in_dim3A_149 : vector<16xi1>, vector<16xi32>
        %add3A_1378 = arith.addi %while3A_1358, %select_n3A_1377 : vector<16xi32>
        %ge3A_1379 = arith.cmpf oge, %get3A_1369, %bitcast3A_528 : vector<16xf32>
        %select_n3A_1380 = arith.select %ge3A_1379, %broadcast_in_dim3A_147, %broadcast_in_dim3A_149 : vector<16xi1>, vector<16xi32>
        %add3A_1381 = arith.addi %while3A_1359, %select_n3A_1380 : vector<16xi32>
        %ge3A_1382 = arith.cmpf oge, %get3A_1369, %bitcast3A_532 : vector<16xf32>
        %select_n3A_1383 = arith.select %ge3A_1382, %broadcast_in_dim3A_147, %broadcast_in_dim3A_149 : vector<16xi1>, vector<16xi32>
        %add3A_1384 = arith.addi %while3A_1360, %select_n3A_1383 : vector<16xi32>
        %ge3A_1385 = arith.cmpf oge, %get3A_1369, %bitcast3A_536 : vector<16xf32>
        %select_n3A_1386 = arith.select %ge3A_1385, %broadcast_in_dim3A_147, %broadcast_in_dim3A_149 : vector<16xi1>, vector<16xi32>
        %add3A_1387 = arith.addi %while3A_1361, %select_n3A_1386 : vector<16xi32>
        scf.yield %add3A_1372, %add3A_1375, %add3A_1378, %add3A_1381, %add3A_1384, %add3A_1387 : vector<16xi32>, vector<16xi32>, vector<16xi32>, vector<16xi32>, vector<16xi32>, vector<16xi32>
      }
      %add3A_574 = arith.addi %while3A_573#0, %while3A_573#3 : vector<16xi32>
      %reduce_sum3A_575 = arith.constant true
      %reduce_sum3A_576 = vector.broadcast %reduce_sum3A_575 : i1 to vector<16xi1>
      %reduce_sum3A_577 = tpu.scan <sum>, %add3A_574 masked %reduce_sum3A_576 : vector<16xi32>, vector<16xi1> -> vector<16xi32>
      %reduce_sum3A_578 = vector.extract %reduce_sum3A_577[15] : i32 from vector<16xi32>
      %broadcast_in_dim3A_579 = vector.broadcast %reduce_sum3A_578 : i32 to vector<16xi32>
      %add3A_580 = arith.addi %while3A_573#1, %while3A_573#4 : vector<16xi32>
      %reduce_sum3A_581 = arith.constant true
      %reduce_sum3A_582 = vector.broadcast %reduce_sum3A_581 : i1 to vector<16xi1>
      %reduce_sum3A_583 = tpu.scan <sum>, %add3A_580 masked %reduce_sum3A_582 : vector<16xi32>, vector<16xi1> -> vector<16xi32>
      %reduce_sum3A_584 = vector.extract %reduce_sum3A_583[15] : i32 from vector<16xi32>
      %broadcast_in_dim3A_585 = vector.broadcast %reduce_sum3A_584 : i32 to vector<16xi32>
      %add3A_586 = arith.addi %while3A_573#2, %while3A_573#5 : vector<16xi32>
      %reduce_sum3A_587 = arith.constant true
      %reduce_sum3A_588 = vector.broadcast %reduce_sum3A_587 : i1 to vector<16xi1>
      %reduce_sum3A_589 = tpu.scan <sum>, %add3A_586 masked %reduce_sum3A_588 : vector<16xi32>, vector<16xi1> -> vector<16xi32>
      %reduce_sum3A_590 = vector.extract %reduce_sum3A_589[15] : i32 from vector<16xi32>
      %broadcast_in_dim3A_591 = vector.broadcast %reduce_sum3A_590 : i32 to vector<16xi32>
      %ge3A_592 = arith.cmpi sge, %broadcast_in_dim3A_591, %broadcast_in_dim3A_145 : vector<16xi32>
      %bitcast3A_593 = vector.bitcast %bitcast3A_536 : vector<16xf32> to vector<16xi32>
      %ge3A_594 = arith.cmpi sge, %broadcast_in_dim3A_585, %broadcast_in_dim3A_145 : vector<16xi32>
      %bitcast3A_595 = vector.bitcast %bitcast3A_532 : vector<16xf32> to vector<16xi32>
      %ge3A_596 = arith.cmpi sge, %broadcast_in_dim3A_579, %broadcast_in_dim3A_145 : vector<16xi32>
      %bitcast3A_597 = vector.bitcast %bitcast3A_528 : vector<16xf32> to vector<16xi32>
      %select_n3A_598 = arith.select %ge3A_596, %bitcast3A_597, %select_n3A_524 : vector<16xi1>, vector<16xi32>
      %select_n3A_599 = arith.select %ge3A_594, %bitcast3A_595, %select_n3A_598 : vector<16xi1>, vector<16xi32>
      %select_n3A_600 = arith.select %ge3A_592, %bitcast3A_593, %select_n3A_599 : vector<16xi1>, vector<16xi32>
      %broadcast_in_dim3A_601 = arith.constant 65536 : i32
      %broadcast_in_dim3A_602 = vector.broadcast %broadcast_in_dim3A_601 : i32 to vector<16xi32>
      %or3A_603 = arith.ori %select_n3A_600, %broadcast_in_dim3A_602 : vector<16xi32>
      %bitcast3A_604 = vector.bitcast %or3A_603 : vector<16xi32> to vector<16xf32>
      %broadcast_in_dim3A_605 = arith.constant 131072 : i32
      %broadcast_in_dim3A_606 = vector.broadcast %broadcast_in_dim3A_605 : i32 to vector<16xi32>
      %or3A_607 = arith.ori %select_n3A_600, %broadcast_in_dim3A_606 : vector<16xi32>
      %bitcast3A_608 = vector.bitcast %or3A_607 : vector<16xi32> to vector<16xf32>
      %broadcast_in_dim3A_609 = arith.constant 196608 : i32
      %broadcast_in_dim3A_610 = vector.broadcast %broadcast_in_dim3A_609 : i32 to vector<16xi32>
      %or3A_611 = arith.ori %select_n3A_600, %broadcast_in_dim3A_610 : vector<16xi32>
      %bitcast3A_612 = vector.bitcast %or3A_611 : vector<16xi32> to vector<16xf32>
      %add3A_613 = arith.constant 1 : i32
      %add3A_614 = arith.addi %select_n3A_76, %add3A_613 : i32
      %jit3A_615 = arith.constant 2 : i32
      %div3A_616 = arith.divsi %add3A_614, %jit3A_615 : i32
      %sign3A_617 = arith.constant 0 : i32
      %sign3A_618 = arith.cmpi sgt, %add3A_614, %sign3A_617 : i32
      %sign3A_619 = arith.extui %sign3A_618 : i1 to i32
      %sign3A_620 = arith.constant 0 : i32
      %sign3A_621 = arith.cmpi slt, %add3A_614, %sign3A_620 : i32
      %sign3A_622 = arith.extui %sign3A_621 : i1 to i32
      %sign3A_623 = arith.subi %sign3A_619, %sign3A_622 : i32
      %sign3A_624 = arith.constant 0 : i32
      %sign3A_625 = arith.cmpi sgt, %jit3A_615, %sign3A_624 : i32
      %sign3A_626 = arith.extui %sign3A_625 : i1 to i32
      %sign3A_627 = arith.constant 0 : i32
      %sign3A_628 = arith.cmpi slt, %jit3A_615, %sign3A_627 : i32
      %sign3A_629 = arith.extui %sign3A_628 : i1 to i32
      %sign3A_630 = arith.subi %sign3A_626, %sign3A_629 : i32
      %ne3A_631 = arith.cmpi ne, %sign3A_623, %sign3A_630 : i32
      %rem3A_632 = arith.remsi %add3A_614, %jit3A_615 : i32
      %ne3A_633 = arith.constant 0 : i32
      %ne3A_634 = arith.cmpi ne, %rem3A_632, %ne3A_633 : i32
      %and3A_635 = arith.andi %ne3A_631, %ne3A_634 : i1
      %sub3A_636 = arith.constant 1 : i32
      %sub3A_637 = arith.subi %div3A_616, %sub3A_636 : i32
      %select_n3A_638 = arith.select %and3A_635, %sub3A_637, %div3A_616 : i32
      %while3A_639 = arith.constant 0 : i32
      %while3A_640 = arith.subi %select_n3A_638, %while3A_639 : i32
      %while3A_641 = arith.addi %while3A_639, %while3A_640 : i32
      %while3A_642 = arith.constant 1 : i32
      %while3A_643 = arith.divsi %while3A_640, %while3A_642 : i32
      %while3A_644 = arith.muli %while3A_643, %while3A_642 : i32
      %while3A_645 = arith.addi %while3A_639, %while3A_644 : i32
      %while3A_646 = arith.constant 1 : i32
      %while3A_647:6 = scf.for %while3A_1355 = %while3A_639 to %while3A_645 step %while3A_646 iter_args(%while3A_1356 = %broadcast_in_dim3A_149, %while3A_1357 = %broadcast_in_dim3A_149, %while3A_1358 = %broadcast_in_dim3A_149, %while3A_1359 = %broadcast_in_dim3A_149, %while3A_1360 = %broadcast_in_dim3A_149, %while3A_1361 = %broadcast_in_dim3A_149) -> (vector<16xi32>, vector<16xi32>, vector<16xi32>, vector<16xi32>, vector<16xi32>, vector<16xi32>)  : i32 {
        %mul3A_1362 = arith.constant 32 : i32
        %mul3A_1363 = arith.muli %while3A_1355, %mul3A_1362 : i32
        %get3A_1364 = arith.index_cast %mul3A_1363 : i32 to index
        %get3A_1365 = tpu.vector_load %arg5[%get3A_1364] {strides = array<i32>} : memref<4224xf32, #tpu.memory_space<vmem>>, vector<16xf32>,
        %add3A_1366 = arith.constant 16 : i32
        %add3A_1367 = arith.addi %mul3A_1363, %add3A_1366 : i32
        %get3A_1368 = arith.index_cast %add3A_1367 : i32 to index
        %get3A_1369 = tpu.vector_load %arg5[%get3A_1368] {strides = array<i32>} : memref<4224xf32, #tpu.memory_space<vmem>>, vector<16xf32>,
        %ge3A_1370 = arith.cmpf oge, %get3A_1365, %bitcast3A_604 : vector<16xf32>
        %select_n3A_1371 = arith.select %ge3A_1370, %broadcast_in_dim3A_147, %broadcast_in_dim3A_149 : vector<16xi1>, vector<16xi32>
        %add3A_1372 = arith.addi %while3A_1356, %select_n3A_1371 : vector<16xi32>
        %ge3A_1373 = arith.cmpf oge, %get3A_1365, %bitcast3A_608 : vector<16xf32>
        %select_n3A_1374 = arith.select %ge3A_1373, %broadcast_in_dim3A_147, %broadcast_in_dim3A_149 : vector<16xi1>, vector<16xi32>
        %add3A_1375 = arith.addi %while3A_1357, %select_n3A_1374 : vector<16xi32>
        %ge3A_1376 = arith.cmpf oge, %get3A_1365, %bitcast3A_612 : vector<16xf32>
        %select_n3A_1377 = arith.select %ge3A_1376, %broadcast_in_dim3A_147, %broadcast_in_dim3A_149 : vector<16xi1>, vector<16xi32>
        %add3A_1378 = arith.addi %while3A_1358, %select_n3A_1377 : vector<16xi32>
        %ge3A_1379 = arith.cmpf oge, %get3A_1369, %bitcast3A_604 : vector<16xf32>
        %select_n3A_1380 = arith.select %ge3A_1379, %broadcast_in_dim3A_147, %broadcast_in_dim3A_149 : vector<16xi1>, vector<16xi32>
        %add3A_1381 = arith.addi %while3A_1359, %select_n3A_1380 : vector<16xi32>
        %ge3A_1382 = arith.cmpf oge, %get3A_1369, %bitcast3A_608 : vector<16xf32>
        %select_n3A_1383 = arith.select %ge3A_1382, %broadcast_in_dim3A_147, %broadcast_in_dim3A_149 : vector<16xi1>, vector<16xi32>
        %add3A_1384 = arith.addi %while3A_1360, %select_n3A_1383 : vector<16xi32>
        %ge3A_1385 = arith.cmpf oge, %get3A_1369, %bitcast3A_612 : vector<16xf32>
        %select_n3A_1386 = arith.select %ge3A_1385, %broadcast_in_dim3A_147, %broadcast_in_dim3A_149 : vector<16xi1>, vector<16xi32>
        %add3A_1387 = arith.addi %while3A_1361, %select_n3A_1386 : vector<16xi32>
        scf.yield %add3A_1372, %add3A_1375, %add3A_1378, %add3A_1381, %add3A_1384, %add3A_1387 : vector<16xi32>, vector<16xi32>, vector<16xi32>, vector<16xi32>, vector<16xi32>, vector<16xi32>
      }
      %while3A_648 = arith.constant 1 : i32
      %while3A_649:6 = scf.for %while3A_1355 = %while3A_645 to %while3A_641 step %while3A_648 iter_args(%while3A_1356 = %while3A_647#0, %while3A_1357 = %while3A_647#1, %while3A_1358 = %while3A_647#2, %while3A_1359 = %while3A_647#3, %while3A_1360 = %while3A_647#4, %while3A_1361 = %while3A_647#5) -> (vector<16xi32>, vector<16xi32>, vector<16xi32>, vector<16xi32>, vector<16xi32>, vector<16xi32>)  : i32 {
        %mul3A_1362 = arith.constant 32 : i32
        %mul3A_1363 = arith.muli %while3A_1355, %mul3A_1362 : i32
        %get3A_1364 = arith.index_cast %mul3A_1363 : i32 to index
        %get3A_1365 = tpu.vector_load %arg5[%get3A_1364] {strides = array<i32>} : memref<4224xf32, #tpu.memory_space<vmem>>, vector<16xf32>,
        %add3A_1366 = arith.constant 16 : i32
        %add3A_1367 = arith.addi %mul3A_1363, %add3A_1366 : i32
        %get3A_1368 = arith.index_cast %add3A_1367 : i32 to index
        %get3A_1369 = tpu.vector_load %arg5[%get3A_1368] {strides = array<i32>} : memref<4224xf32, #tpu.memory_space<vmem>>, vector<16xf32>,
        %ge3A_1370 = arith.cmpf oge, %get3A_1365, %bitcast3A_604 : vector<16xf32>
        %select_n3A_1371 = arith.select %ge3A_1370, %broadcast_in_dim3A_147, %broadcast_in_dim3A_149 : vector<16xi1>, vector<16xi32>
        %add3A_1372 = arith.addi %while3A_1356, %select_n3A_1371 : vector<16xi32>
        %ge3A_1373 = arith.cmpf oge, %get3A_1365, %bitcast3A_608 : vector<16xf32>
        %select_n3A_1374 = arith.select %ge3A_1373, %broadcast_in_dim3A_147, %broadcast_in_dim3A_149 : vector<16xi1>, vector<16xi32>
        %add3A_1375 = arith.addi %while3A_1357, %select_n3A_1374 : vector<16xi32>
        %ge3A_1376 = arith.cmpf oge, %get3A_1365, %bitcast3A_612 : vector<16xf32>
        %select_n3A_1377 = arith.select %ge3A_1376, %broadcast_in_dim3A_147, %broadcast_in_dim3A_149 : vector<16xi1>, vector<16xi32>
        %add3A_1378 = arith.addi %while3A_1358, %select_n3A_1377 : vector<16xi32>
        %ge3A_1379 = arith.cmpf oge, %get3A_1369, %bitcast3A_604 : vector<16xf32>
        %select_n3A_1380 = arith.select %ge3A_1379, %broadcast_in_dim3A_147, %broadcast_in_dim3A_149 : vector<16xi1>, vector<16xi32>
        %add3A_1381 = arith.addi %while3A_1359, %select_n3A_1380 : vector<16xi32>
        %ge3A_1382 = arith.cmpf oge, %get3A_1369, %bitcast3A_608 : vector<16xf32>
        %select_n3A_1383 = arith.select %ge3A_1382, %broadcast_in_dim3A_147, %broadcast_in_dim3A_149 : vector<16xi1>, vector<16xi32>
        %add3A_1384 = arith.addi %while3A_1360, %select_n3A_1383 : vector<16xi32>
        %ge3A_1385 = arith.cmpf oge, %get3A_1369, %bitcast3A_612 : vector<16xf32>
        %select_n3A_1386 = arith.select %ge3A_1385, %broadcast_in_dim3A_147, %broadcast_in_dim3A_149 : vector<16xi1>, vector<16xi32>
        %add3A_1387 = arith.addi %while3A_1361, %select_n3A_1386 : vector<16xi32>
        scf.yield %add3A_1372, %add3A_1375, %add3A_1378, %add3A_1381, %add3A_1384, %add3A_1387 : vector<16xi32>, vector<16xi32>, vector<16xi32>, vector<16xi32>, vector<16xi32>, vector<16xi32>
      }
      %add3A_650 = arith.addi %while3A_649#0, %while3A_649#3 : vector<16xi32>
      %reduce_sum3A_651 = arith.constant true
      %reduce_sum3A_652 = vector.broadcast %reduce_sum3A_651 : i1 to vector<16xi1>
      %reduce_sum3A_653 = tpu.scan <sum>, %add3A_650 masked %reduce_sum3A_652 : vector<16xi32>, vector<16xi1> -> vector<16xi32>
      %reduce_sum3A_654 = vector.extract %reduce_sum3A_653[15] : i32 from vector<16xi32>
      %broadcast_in_dim3A_655 = vector.broadcast %reduce_sum3A_654 : i32 to vector<16xi32>
      %add3A_656 = arith.addi %while3A_649#1, %while3A_649#4 : vector<16xi32>
      %reduce_sum3A_657 = arith.constant true
      %reduce_sum3A_658 = vector.broadcast %reduce_sum3A_657 : i1 to vector<16xi1>
      %reduce_sum3A_659 = tpu.scan <sum>, %add3A_656 masked %reduce_sum3A_658 : vector<16xi32>, vector<16xi1> -> vector<16xi32>
      %reduce_sum3A_660 = vector.extract %reduce_sum3A_659[15] : i32 from vector<16xi32>
      %broadcast_in_dim3A_661 = vector.broadcast %reduce_sum3A_660 : i32 to vector<16xi32>
      %add3A_662 = arith.addi %while3A_649#2, %while3A_649#5 : vector<16xi32>
      %reduce_sum3A_663 = arith.constant true
      %reduce_sum3A_664 = vector.broadcast %reduce_sum3A_663 : i1 to vector<16xi1>
      %reduce_sum3A_665 = tpu.scan <sum>, %add3A_662 masked %reduce_sum3A_664 : vector<16xi32>, vector<16xi1> -> vector<16xi32>
      %reduce_sum3A_666 = vector.extract %reduce_sum3A_665[15] : i32 from vector<16xi32>
      %broadcast_in_dim3A_667 = vector.broadcast %reduce_sum3A_666 : i32 to vector<16xi32>
      %ge3A_668 = arith.cmpi sge, %broadcast_in_dim3A_667, %broadcast_in_dim3A_145 : vector<16xi32>
      %bitcast3A_669 = vector.bitcast %bitcast3A_612 : vector<16xf32> to vector<16xi32>
      %ge3A_670 = arith.cmpi sge, %broadcast_in_dim3A_661, %broadcast_in_dim3A_145 : vector<16xi32>
      %bitcast3A_671 = vector.bitcast %bitcast3A_608 : vector<16xf32> to vector<16xi32>
      %ge3A_672 = arith.cmpi sge, %broadcast_in_dim3A_655, %broadcast_in_dim3A_145 : vector<16xi32>
      %bitcast3A_673 = vector.bitcast %bitcast3A_604 : vector<16xf32> to vector<16xi32>
      %select_n3A_674 = arith.select %ge3A_672, %bitcast3A_673, %select_n3A_600 : vector<16xi1>, vector<16xi32>
      %select_n3A_675 = arith.select %ge3A_670, %bitcast3A_671, %select_n3A_674 : vector<16xi1>, vector<16xi32>
      %select_n3A_676 = arith.select %ge3A_668, %bitcast3A_669, %select_n3A_675 : vector<16xi1>, vector<16xi32>
      %broadcast_in_dim3A_677 = arith.constant 16384 : i32
      %broadcast_in_dim3A_678 = vector.broadcast %broadcast_in_dim3A_677 : i32 to vector<16xi32>
      %or3A_679 = arith.ori %select_n3A_676, %broadcast_in_dim3A_678 : vector<16xi32>
      %bitcast3A_680 = vector.bitcast %or3A_679 : vector<16xi32> to vector<16xf32>
      %broadcast_in_dim3A_681 = arith.constant 32768 : i32
      %broadcast_in_dim3A_682 = vector.broadcast %broadcast_in_dim3A_681 : i32 to vector<16xi32>
      %or3A_683 = arith.ori %select_n3A_676, %broadcast_in_dim3A_682 : vector<16xi32>
      %bitcast3A_684 = vector.bitcast %or3A_683 : vector<16xi32> to vector<16xf32>
      %broadcast_in_dim3A_685 = arith.constant 49152 : i32
      %broadcast_in_dim3A_686 = vector.broadcast %broadcast_in_dim3A_685 : i32 to vector<16xi32>
      %or3A_687 = arith.ori %select_n3A_676, %broadcast_in_dim3A_686 : vector<16xi32>
      %bitcast3A_688 = vector.bitcast %or3A_687 : vector<16xi32> to vector<16xf32>
      %add3A_689 = arith.constant 1 : i32
      %add3A_690 = arith.addi %select_n3A_76, %add3A_689 : i32
      %jit3A_691 = arith.constant 2 : i32
      %div3A_692 = arith.divsi %add3A_690, %jit3A_691 : i32
      %sign3A_693 = arith.constant 0 : i32
      %sign3A_694 = arith.cmpi sgt, %add3A_690, %sign3A_693 : i32
      %sign3A_695 = arith.extui %sign3A_694 : i1 to i32
      %sign3A_696 = arith.constant 0 : i32
      %sign3A_697 = arith.cmpi slt, %add3A_690, %sign3A_696 : i32
      %sign3A_698 = arith.extui %sign3A_697 : i1 to i32
      %sign3A_699 = arith.subi %sign3A_695, %sign3A_698 : i32
      %sign3A_700 = arith.constant 0 : i32
      %sign3A_701 = arith.cmpi sgt, %jit3A_691, %sign3A_700 : i32
      %sign3A_702 = arith.extui %sign3A_701 : i1 to i32
      %sign3A_703 = arith.constant 0 : i32
      %sign3A_704 = arith.cmpi slt, %jit3A_691, %sign3A_703 : i32
      %sign3A_705 = arith.extui %sign3A_704 : i1 to i32
      %sign3A_706 = arith.subi %sign3A_702, %sign3A_705 : i32
      %ne3A_707 = arith.cmpi ne, %sign3A_699, %sign3A_706 : i32
      %rem3A_708 = arith.remsi %add3A_690, %jit3A_691 : i32
      %ne3A_709 = arith.constant 0 : i32
      %ne3A_710 = arith.cmpi ne, %rem3A_708, %ne3A_709 : i32
      %and3A_711 = arith.andi %ne3A_707, %ne3A_710 : i1
      %sub3A_712 = arith.constant 1 : i32
      %sub3A_713 = arith.subi %div3A_692, %sub3A_712 : i32
      %select_n3A_714 = arith.select %and3A_711, %sub3A_713, %div3A_692 : i32
      %while3A_715 = arith.constant 0 : i32
      %while3A_716 = arith.subi %select_n3A_714, %while3A_715 : i32
      %while3A_717 = arith.addi %while3A_715, %while3A_716 : i32
      %while3A_718 = arith.constant 1 : i32
      %while3A_719 = arith.divsi %while3A_716, %while3A_718 : i32
      %while3A_720 = arith.muli %while3A_719, %while3A_718 : i32
      %while3A_721 = arith.addi %while3A_715, %while3A_720 : i32
      %while3A_722 = arith.constant 1 : i32
      %while3A_723:6 = scf.for %while3A_1355 = %while3A_715 to %while3A_721 step %while3A_722 iter_args(%while3A_1356 = %broadcast_in_dim3A_149, %while3A_1357 = %broadcast_in_dim3A_149, %while3A_1358 = %broadcast_in_dim3A_149, %while3A_1359 = %broadcast_in_dim3A_149, %while3A_1360 = %broadcast_in_dim3A_149, %while3A_1361 = %broadcast_in_dim3A_149) -> (vector<16xi32>, vector<16xi32>, vector<16xi32>, vector<16xi32>, vector<16xi32>, vector<16xi32>)  : i32 {
        %mul3A_1362 = arith.constant 32 : i32
        %mul3A_1363 = arith.muli %while3A_1355, %mul3A_1362 : i32
        %get3A_1364 = arith.index_cast %mul3A_1363 : i32 to index
        %get3A_1365 = tpu.vector_load %arg5[%get3A_1364] {strides = array<i32>} : memref<4224xf32, #tpu.memory_space<vmem>>, vector<16xf32>,
        %add3A_1366 = arith.constant 16 : i32
        %add3A_1367 = arith.addi %mul3A_1363, %add3A_1366 : i32
        %get3A_1368 = arith.index_cast %add3A_1367 : i32 to index
        %get3A_1369 = tpu.vector_load %arg5[%get3A_1368] {strides = array<i32>} : memref<4224xf32, #tpu.memory_space<vmem>>, vector<16xf32>,
        %ge3A_1370 = arith.cmpf oge, %get3A_1365, %bitcast3A_680 : vector<16xf32>
        %select_n3A_1371 = arith.select %ge3A_1370, %broadcast_in_dim3A_147, %broadcast_in_dim3A_149 : vector<16xi1>, vector<16xi32>
        %add3A_1372 = arith.addi %while3A_1356, %select_n3A_1371 : vector<16xi32>
        %ge3A_1373 = arith.cmpf oge, %get3A_1365, %bitcast3A_684 : vector<16xf32>
        %select_n3A_1374 = arith.select %ge3A_1373, %broadcast_in_dim3A_147, %broadcast_in_dim3A_149 : vector<16xi1>, vector<16xi32>
        %add3A_1375 = arith.addi %while3A_1357, %select_n3A_1374 : vector<16xi32>
        %ge3A_1376 = arith.cmpf oge, %get3A_1365, %bitcast3A_688 : vector<16xf32>
        %select_n3A_1377 = arith.select %ge3A_1376, %broadcast_in_dim3A_147, %broadcast_in_dim3A_149 : vector<16xi1>, vector<16xi32>
        %add3A_1378 = arith.addi %while3A_1358, %select_n3A_1377 : vector<16xi32>
        %ge3A_1379 = arith.cmpf oge, %get3A_1369, %bitcast3A_680 : vector<16xf32>
        %select_n3A_1380 = arith.select %ge3A_1379, %broadcast_in_dim3A_147, %broadcast_in_dim3A_149 : vector<16xi1>, vector<16xi32>
        %add3A_1381 = arith.addi %while3A_1359, %select_n3A_1380 : vector<16xi32>
        %ge3A_1382 = arith.cmpf oge, %get3A_1369, %bitcast3A_684 : vector<16xf32>
        %select_n3A_1383 = arith.select %ge3A_1382, %broadcast_in_dim3A_147, %broadcast_in_dim3A_149 : vector<16xi1>, vector<16xi32>
        %add3A_1384 = arith.addi %while3A_1360, %select_n3A_1383 : vector<16xi32>
        %ge3A_1385 = arith.cmpf oge, %get3A_1369, %bitcast3A_688 : vector<16xf32>
        %select_n3A_1386 = arith.select %ge3A_1385, %broadcast_in_dim3A_147, %broadcast_in_dim3A_149 : vector<16xi1>, vector<16xi32>
        %add3A_1387 = arith.addi %while3A_1361, %select_n3A_1386 : vector<16xi32>
        scf.yield %add3A_1372, %add3A_1375, %add3A_1378, %add3A_1381, %add3A_1384, %add3A_1387 : vector<16xi32>, vector<16xi32>, vector<16xi32>, vector<16xi32>, vector<16xi32>, vector<16xi32>
      }
      %while3A_724 = arith.constant 1 : i32
      %while3A_725:6 = scf.for %while3A_1355 = %while3A_721 to %while3A_717 step %while3A_724 iter_args(%while3A_1356 = %while3A_723#0, %while3A_1357 = %while3A_723#1, %while3A_1358 = %while3A_723#2, %while3A_1359 = %while3A_723#3, %while3A_1360 = %while3A_723#4, %while3A_1361 = %while3A_723#5) -> (vector<16xi32>, vector<16xi32>, vector<16xi32>, vector<16xi32>, vector<16xi32>, vector<16xi32>)  : i32 {
        %mul3A_1362 = arith.constant 32 : i32
        %mul3A_1363 = arith.muli %while3A_1355, %mul3A_1362 : i32
        %get3A_1364 = arith.index_cast %mul3A_1363 : i32 to index
        %get3A_1365 = tpu.vector_load %arg5[%get3A_1364] {strides = array<i32>} : memref<4224xf32, #tpu.memory_space<vmem>>, vector<16xf32>,
        %add3A_1366 = arith.constant 16 : i32
        %add3A_1367 = arith.addi %mul3A_1363, %add3A_1366 : i32
        %get3A_1368 = arith.index_cast %add3A_1367 : i32 to index
        %get3A_1369 = tpu.vector_load %arg5[%get3A_1368] {strides = array<i32>} : memref<4224xf32, #tpu.memory_space<vmem>>, vector<16xf32>,
        %ge3A_1370 = arith.cmpf oge, %get3A_1365, %bitcast3A_680 : vector<16xf32>
        %select_n3A_1371 = arith.select %ge3A_1370, %broadcast_in_dim3A_147, %broadcast_in_dim3A_149 : vector<16xi1>, vector<16xi32>
        %add3A_1372 = arith.addi %while3A_1356, %select_n3A_1371 : vector<16xi32>
        %ge3A_1373 = arith.cmpf oge, %get3A_1365, %bitcast3A_684 : vector<16xf32>
        %select_n3A_1374 = arith.select %ge3A_1373, %broadcast_in_dim3A_147, %broadcast_in_dim3A_149 : vector<16xi1>, vector<16xi32>
        %add3A_1375 = arith.addi %while3A_1357, %select_n3A_1374 : vector<16xi32>
        %ge3A_1376 = arith.cmpf oge, %get3A_1365, %bitcast3A_688 : vector<16xf32>
        %select_n3A_1377 = arith.select %ge3A_1376, %broadcast_in_dim3A_147, %broadcast_in_dim3A_149 : vector<16xi1>, vector<16xi32>
        %add3A_1378 = arith.addi %while3A_1358, %select_n3A_1377 : vector<16xi32>
        %ge3A_1379 = arith.cmpf oge, %get3A_1369, %bitcast3A_680 : vector<16xf32>
        %select_n3A_1380 = arith.select %ge3A_1379, %broadcast_in_dim3A_147, %broadcast_in_dim3A_149 : vector<16xi1>, vector<16xi32>
        %add3A_1381 = arith.addi %while3A_1359, %select_n3A_1380 : vector<16xi32>
        %ge3A_1382 = arith.cmpf oge, %get3A_1369, %bitcast3A_684 : vector<16xf32>
        %select_n3A_1383 = arith.select %ge3A_1382, %broadcast_in_dim3A_147, %broadcast_in_dim3A_149 : vector<16xi1>, vector<16xi32>
        %add3A_1384 = arith.addi %while3A_1360, %select_n3A_1383 : vector<16xi32>
        %ge3A_1385 = arith.cmpf oge, %get3A_1369, %bitcast3A_688 : vector<16xf32>
        %select_n3A_1386 = arith.select %ge3A_1385, %broadcast_in_dim3A_147, %broadcast_in_dim3A_149 : vector<16xi1>, vector<16xi32>
        %add3A_1387 = arith.addi %while3A_1361, %select_n3A_1386 : vector<16xi32>
        scf.yield %add3A_1372, %add3A_1375, %add3A_1378, %add3A_1381, %add3A_1384, %add3A_1387 : vector<16xi32>, vector<16xi32>, vector<16xi32>, vector<16xi32>, vector<16xi32>, vector<16xi32>
      }
      %add3A_726 = arith.addi %while3A_725#0, %while3A_725#3 : vector<16xi32>
      %reduce_sum3A_727 = arith.constant true
      %reduce_sum3A_728 = vector.broadcast %reduce_sum3A_727 : i1 to vector<16xi1>
      %reduce_sum3A_729 = tpu.scan <sum>, %add3A_726 masked %reduce_sum3A_728 : vector<16xi32>, vector<16xi1> -> vector<16xi32>
      %reduce_sum3A_730 = vector.extract %reduce_sum3A_729[15] : i32 from vector<16xi32>
      %broadcast_in_dim3A_731 = vector.broadcast %reduce_sum3A_730 : i32 to vector<16xi32>
      %add3A_732 = arith.addi %while3A_725#1, %while3A_725#4 : vector<16xi32>
      %reduce_sum3A_733 = arith.constant true
      %reduce_sum3A_734 = vector.broadcast %reduce_sum3A_733 : i1 to vector<16xi1>
      %reduce_sum3A_735 = tpu.scan <sum>, %add3A_732 masked %reduce_sum3A_734 : vector<16xi32>, vector<16xi1> -> vector<16xi32>
      %reduce_sum3A_736 = vector.extract %reduce_sum3A_735[15] : i32 from vector<16xi32>
      %broadcast_in_dim3A_737 = vector.broadcast %reduce_sum3A_736 : i32 to vector<16xi32>
      %add3A_738 = arith.addi %while3A_725#2, %while3A_725#5 : vector<16xi32>
      %reduce_sum3A_739 = arith.constant true
      %reduce_sum3A_740 = vector.broadcast %reduce_sum3A_739 : i1 to vector<16xi1>
      %reduce_sum3A_741 = tpu.scan <sum>, %add3A_738 masked %reduce_sum3A_740 : vector<16xi32>, vector<16xi1> -> vector<16xi32>
      %reduce_sum3A_742 = vector.extract %reduce_sum3A_741[15] : i32 from vector<16xi32>
      %broadcast_in_dim3A_743 = vector.broadcast %reduce_sum3A_742 : i32 to vector<16xi32>
      %ge3A_744 = arith.cmpi sge, %broadcast_in_dim3A_743, %broadcast_in_dim3A_145 : vector<16xi32>
      %bitcast3A_745 = vector.bitcast %bitcast3A_688 : vector<16xf32> to vector<16xi32>
      %ge3A_746 = arith.cmpi sge, %broadcast_in_dim3A_737, %broadcast_in_dim3A_145 : vector<16xi32>
      %bitcast3A_747 = vector.bitcast %bitcast3A_684 : vector<16xf32> to vector<16xi32>
      %ge3A_748 = arith.cmpi sge, %broadcast_in_dim3A_731, %broadcast_in_dim3A_145 : vector<16xi32>
      %bitcast3A_749 = vector.bitcast %bitcast3A_680 : vector<16xf32> to vector<16xi32>
      %select_n3A_750 = arith.select %ge3A_748, %bitcast3A_749, %select_n3A_676 : vector<16xi1>, vector<16xi32>
      %select_n3A_751 = arith.select %ge3A_746, %bitcast3A_747, %select_n3A_750 : vector<16xi1>, vector<16xi32>
      %select_n3A_752 = arith.select %ge3A_744, %bitcast3A_745, %select_n3A_751 : vector<16xi1>, vector<16xi32>
      %broadcast_in_dim3A_753 = arith.constant 4096 : i32
      %broadcast_in_dim3A_754 = vector.broadcast %broadcast_in_dim3A_753 : i32 to vector<16xi32>
      %or3A_755 = arith.ori %select_n3A_752, %broadcast_in_dim3A_754 : vector<16xi32>
      %bitcast3A_756 = vector.bitcast %or3A_755 : vector<16xi32> to vector<16xf32>
      %broadcast_in_dim3A_757 = arith.constant 8192 : i32
      %broadcast_in_dim3A_758 = vector.broadcast %broadcast_in_dim3A_757 : i32 to vector<16xi32>
      %or3A_759 = arith.ori %select_n3A_752, %broadcast_in_dim3A_758 : vector<16xi32>
      %bitcast3A_760 = vector.bitcast %or3A_759 : vector<16xi32> to vector<16xf32>
      %broadcast_in_dim3A_761 = arith.constant 12288 : i32
      %broadcast_in_dim3A_762 = vector.broadcast %broadcast_in_dim3A_761 : i32 to vector<16xi32>
      %or3A_763 = arith.ori %select_n3A_752, %broadcast_in_dim3A_762 : vector<16xi32>
      %bitcast3A_764 = vector.bitcast %or3A_763 : vector<16xi32> to vector<16xf32>
      %add3A_765 = arith.constant 1 : i32
      %add3A_766 = arith.addi %select_n3A_76, %add3A_765 : i32
      %jit3A_767 = arith.constant 2 : i32
      %div3A_768 = arith.divsi %add3A_766, %jit3A_767 : i32
      %sign3A_769 = arith.constant 0 : i32
      %sign3A_770 = arith.cmpi sgt, %add3A_766, %sign3A_769 : i32
      %sign3A_771 = arith.extui %sign3A_770 : i1 to i32
      %sign3A_772 = arith.constant 0 : i32
      %sign3A_773 = arith.cmpi slt, %add3A_766, %sign3A_772 : i32
      %sign3A_774 = arith.extui %sign3A_773 : i1 to i32
      %sign3A_775 = arith.subi %sign3A_771, %sign3A_774 : i32
      %sign3A_776 = arith.constant 0 : i32
      %sign3A_777 = arith.cmpi sgt, %jit3A_767, %sign3A_776 : i32
      %sign3A_778 = arith.extui %sign3A_777 : i1 to i32
      %sign3A_779 = arith.constant 0 : i32
      %sign3A_780 = arith.cmpi slt, %jit3A_767, %sign3A_779 : i32
      %sign3A_781 = arith.extui %sign3A_780 : i1 to i32
      %sign3A_782 = arith.subi %sign3A_778, %sign3A_781 : i32
      %ne3A_783 = arith.cmpi ne, %sign3A_775, %sign3A_782 : i32
      %rem3A_784 = arith.remsi %add3A_766, %jit3A_767 : i32
      %ne3A_785 = arith.constant 0 : i32
      %ne3A_786 = arith.cmpi ne, %rem3A_784, %ne3A_785 : i32
      %and3A_787 = arith.andi %ne3A_783, %ne3A_786 : i1
      %sub3A_788 = arith.constant 1 : i32
      %sub3A_789 = arith.subi %div3A_768, %sub3A_788 : i32
      %select_n3A_790 = arith.select %and3A_787, %sub3A_789, %div3A_768 : i32
      %while3A_791 = arith.constant 0 : i32
      %while3A_792 = arith.subi %select_n3A_790, %while3A_791 : i32
      %while3A_793 = arith.addi %while3A_791, %while3A_792 : i32
      %while3A_794 = arith.constant 1 : i32
      %while3A_795 = arith.divsi %while3A_792, %while3A_794 : i32
      %while3A_796 = arith.muli %while3A_795, %while3A_794 : i32
      %while3A_797 = arith.addi %while3A_791, %while3A_796 : i32
      %while3A_798 = arith.constant 1 : i32
      %while3A_799:6 = scf.for %while3A_1355 = %while3A_791 to %while3A_797 step %while3A_798 iter_args(%while3A_1356 = %broadcast_in_dim3A_149, %while3A_1357 = %broadcast_in_dim3A_149, %while3A_1358 = %broadcast_in_dim3A_149, %while3A_1359 = %broadcast_in_dim3A_149, %while3A_1360 = %broadcast_in_dim3A_149, %while3A_1361 = %broadcast_in_dim3A_149) -> (vector<16xi32>, vector<16xi32>, vector<16xi32>, vector<16xi32>, vector<16xi32>, vector<16xi32>)  : i32 {
        %mul3A_1362 = arith.constant 32 : i32
        %mul3A_1363 = arith.muli %while3A_1355, %mul3A_1362 : i32
        %get3A_1364 = arith.index_cast %mul3A_1363 : i32 to index
        %get3A_1365 = tpu.vector_load %arg5[%get3A_1364] {strides = array<i32>} : memref<4224xf32, #tpu.memory_space<vmem>>, vector<16xf32>,
        %add3A_1366 = arith.constant 16 : i32
        %add3A_1367 = arith.addi %mul3A_1363, %add3A_1366 : i32
        %get3A_1368 = arith.index_cast %add3A_1367 : i32 to index
        %get3A_1369 = tpu.vector_load %arg5[%get3A_1368] {strides = array<i32>} : memref<4224xf32, #tpu.memory_space<vmem>>, vector<16xf32>,
        %ge3A_1370 = arith.cmpf oge, %get3A_1365, %bitcast3A_756 : vector<16xf32>
        %select_n3A_1371 = arith.select %ge3A_1370, %broadcast_in_dim3A_147, %broadcast_in_dim3A_149 : vector<16xi1>, vector<16xi32>
        %add3A_1372 = arith.addi %while3A_1356, %select_n3A_1371 : vector<16xi32>
        %ge3A_1373 = arith.cmpf oge, %get3A_1365, %bitcast3A_760 : vector<16xf32>
        %select_n3A_1374 = arith.select %ge3A_1373, %broadcast_in_dim3A_147, %broadcast_in_dim3A_149 : vector<16xi1>, vector<16xi32>
        %add3A_1375 = arith.addi %while3A_1357, %select_n3A_1374 : vector<16xi32>
        %ge3A_1376 = arith.cmpf oge, %get3A_1365, %bitcast3A_764 : vector<16xf32>
        %select_n3A_1377 = arith.select %ge3A_1376, %broadcast_in_dim3A_147, %broadcast_in_dim3A_149 : vector<16xi1>, vector<16xi32>
        %add3A_1378 = arith.addi %while3A_1358, %select_n3A_1377 : vector<16xi32>
        %ge3A_1379 = arith.cmpf oge, %get3A_1369, %bitcast3A_756 : vector<16xf32>
        %select_n3A_1380 = arith.select %ge3A_1379, %broadcast_in_dim3A_147, %broadcast_in_dim3A_149 : vector<16xi1>, vector<16xi32>
        %add3A_1381 = arith.addi %while3A_1359, %select_n3A_1380 : vector<16xi32>
        %ge3A_1382 = arith.cmpf oge, %get3A_1369, %bitcast3A_760 : vector<16xf32>
        %select_n3A_1383 = arith.select %ge3A_1382, %broadcast_in_dim3A_147, %broadcast_in_dim3A_149 : vector<16xi1>, vector<16xi32>
        %add3A_1384 = arith.addi %while3A_1360, %select_n3A_1383 : vector<16xi32>
        %ge3A_1385 = arith.cmpf oge, %get3A_1369, %bitcast3A_764 : vector<16xf32>
        %select_n3A_1386 = arith.select %ge3A_1385, %broadcast_in_dim3A_147, %broadcast_in_dim3A_149 : vector<16xi1>, vector<16xi32>
        %add3A_1387 = arith.addi %while3A_1361, %select_n3A_1386 : vector<16xi32>
        scf.yield %add3A_1372, %add3A_1375, %add3A_1378, %add3A_1381, %add3A_1384, %add3A_1387 : vector<16xi32>, vector<16xi32>, vector<16xi32>, vector<16xi32>, vector<16xi32>, vector<16xi32>
      }
      %while3A_800 = arith.constant 1 : i32
      %while3A_801:6 = scf.for %while3A_1355 = %while3A_797 to %while3A_793 step %while3A_800 iter_args(%while3A_1356 = %while3A_799#0, %while3A_1357 = %while3A_799#1, %while3A_1358 = %while3A_799#2, %while3A_1359 = %while3A_799#3, %while3A_1360 = %while3A_799#4, %while3A_1361 = %while3A_799#5) -> (vector<16xi32>, vector<16xi32>, vector<16xi32>, vector<16xi32>, vector<16xi32>, vector<16xi32>)  : i32 {
        %mul3A_1362 = arith.constant 32 : i32
        %mul3A_1363 = arith.muli %while3A_1355, %mul3A_1362 : i32
        %get3A_1364 = arith.index_cast %mul3A_1363 : i32 to index
        %get3A_1365 = tpu.vector_load %arg5[%get3A_1364] {strides = array<i32>} : memref<4224xf32, #tpu.memory_space<vmem>>, vector<16xf32>,
        %add3A_1366 = arith.constant 16 : i32
        %add3A_1367 = arith.addi %mul3A_1363, %add3A_1366 : i32
        %get3A_1368 = arith.index_cast %add3A_1367 : i32 to index
        %get3A_1369 = tpu.vector_load %arg5[%get3A_1368] {strides = array<i32>} : memref<4224xf32, #tpu.memory_space<vmem>>, vector<16xf32>,
        %ge3A_1370 = arith.cmpf oge, %get3A_1365, %bitcast3A_756 : vector<16xf32>
        %select_n3A_1371 = arith.select %ge3A_1370, %broadcast_in_dim3A_147, %broadcast_in_dim3A_149 : vector<16xi1>, vector<16xi32>
        %add3A_1372 = arith.addi %while3A_1356, %select_n3A_1371 : vector<16xi32>
        %ge3A_1373 = arith.cmpf oge, %get3A_1365, %bitcast3A_760 : vector<16xf32>
        %select_n3A_1374 = arith.select %ge3A_1373, %broadcast_in_dim3A_147, %broadcast_in_dim3A_149 : vector<16xi1>, vector<16xi32>
        %add3A_1375 = arith.addi %while3A_1357, %select_n3A_1374 : vector<16xi32>
        %ge3A_1376 = arith.cmpf oge, %get3A_1365, %bitcast3A_764 : vector<16xf32>
        %select_n3A_1377 = arith.select %ge3A_1376, %broadcast_in_dim3A_147, %broadcast_in_dim3A_149 : vector<16xi1>, vector<16xi32>
        %add3A_1378 = arith.addi %while3A_1358, %select_n3A_1377 : vector<16xi32>
        %ge3A_1379 = arith.cmpf oge, %get3A_1369, %bitcast3A_756 : vector<16xf32>
        %select_n3A_1380 = arith.select %ge3A_1379, %broadcast_in_dim3A_147, %broadcast_in_dim3A_149 : vector<16xi1>, vector<16xi32>
        %add3A_1381 = arith.addi %while3A_1359, %select_n3A_1380 : vector<16xi32>
        %ge3A_1382 = arith.cmpf oge, %get3A_1369, %bitcast3A_760 : vector<16xf32>
        %select_n3A_1383 = arith.select %ge3A_1382, %broadcast_in_dim3A_147, %broadcast_in_dim3A_149 : vector<16xi1>, vector<16xi32>
        %add3A_1384 = arith.addi %while3A_1360, %select_n3A_1383 : vector<16xi32>
        %ge3A_1385 = arith.cmpf oge, %get3A_1369, %bitcast3A_764 : vector<16xf32>
        %select_n3A_1386 = arith.select %ge3A_1385, %broadcast_in_dim3A_147, %broadcast_in_dim3A_149 : vector<16xi1>, vector<16xi32>
        %add3A_1387 = arith.addi %while3A_1361, %select_n3A_1386 : vector<16xi32>
        scf.yield %add3A_1372, %add3A_1375, %add3A_1378, %add3A_1381, %add3A_1384, %add3A_1387 : vector<16xi32>, vector<16xi32>, vector<16xi32>, vector<16xi32>, vector<16xi32>, vector<16xi32>
      }
      %add3A_802 = arith.addi %while3A_801#0, %while3A_801#3 : vector<16xi32>
      %reduce_sum3A_803 = arith.constant true
      %reduce_sum3A_804 = vector.broadcast %reduce_sum3A_803 : i1 to vector<16xi1>
      %reduce_sum3A_805 = tpu.scan <sum>, %add3A_802 masked %reduce_sum3A_804 : vector<16xi32>, vector<16xi1> -> vector<16xi32>
      %reduce_sum3A_806 = vector.extract %reduce_sum3A_805[15] : i32 from vector<16xi32>
      %broadcast_in_dim3A_807 = vector.broadcast %reduce_sum3A_806 : i32 to vector<16xi32>
      %add3A_808 = arith.addi %while3A_801#1, %while3A_801#4 : vector<16xi32>
      %reduce_sum3A_809 = arith.constant true
      %reduce_sum3A_810 = vector.broadcast %reduce_sum3A_809 : i1 to vector<16xi1>
      %reduce_sum3A_811 = tpu.scan <sum>, %add3A_808 masked %reduce_sum3A_810 : vector<16xi32>, vector<16xi1> -> vector<16xi32>
      %reduce_sum3A_812 = vector.extract %reduce_sum3A_811[15] : i32 from vector<16xi32>
      %broadcast_in_dim3A_813 = vector.broadcast %reduce_sum3A_812 : i32 to vector<16xi32>
      %add3A_814 = arith.addi %while3A_801#2, %while3A_801#5 : vector<16xi32>
      %reduce_sum3A_815 = arith.constant true
      %reduce_sum3A_816 = vector.broadcast %reduce_sum3A_815 : i1 to vector<16xi1>
      %reduce_sum3A_817 = tpu.scan <sum>, %add3A_814 masked %reduce_sum3A_816 : vector<16xi32>, vector<16xi1> -> vector<16xi32>
      %reduce_sum3A_818 = vector.extract %reduce_sum3A_817[15] : i32 from vector<16xi32>
      %broadcast_in_dim3A_819 = vector.broadcast %reduce_sum3A_818 : i32 to vector<16xi32>
      %ge3A_820 = arith.cmpi sge, %broadcast_in_dim3A_819, %broadcast_in_dim3A_145 : vector<16xi32>
      %bitcast3A_821 = vector.bitcast %bitcast3A_764 : vector<16xf32> to vector<16xi32>
      %ge3A_822 = arith.cmpi sge, %broadcast_in_dim3A_813, %broadcast_in_dim3A_145 : vector<16xi32>
      %bitcast3A_823 = vector.bitcast %bitcast3A_760 : vector<16xf32> to vector<16xi32>
      %ge3A_824 = arith.cmpi sge, %broadcast_in_dim3A_807, %broadcast_in_dim3A_145 : vector<16xi32>
      %bitcast3A_825 = vector.bitcast %bitcast3A_756 : vector<16xf32> to vector<16xi32>
      %select_n3A_826 = arith.select %ge3A_824, %bitcast3A_825, %select_n3A_752 : vector<16xi1>, vector<16xi32>
      %select_n3A_827 = arith.select %ge3A_822, %bitcast3A_823, %select_n3A_826 : vector<16xi1>, vector<16xi32>
      %select_n3A_828 = arith.select %ge3A_820, %bitcast3A_821, %select_n3A_827 : vector<16xi1>, vector<16xi32>
      %broadcast_in_dim3A_829 = arith.constant 1024 : i32
      %broadcast_in_dim3A_830 = vector.broadcast %broadcast_in_dim3A_829 : i32 to vector<16xi32>
      %or3A_831 = arith.ori %select_n3A_828, %broadcast_in_dim3A_830 : vector<16xi32>
      %bitcast3A_832 = vector.bitcast %or3A_831 : vector<16xi32> to vector<16xf32>
      %broadcast_in_dim3A_833 = arith.constant 2048 : i32
      %broadcast_in_dim3A_834 = vector.broadcast %broadcast_in_dim3A_833 : i32 to vector<16xi32>
      %or3A_835 = arith.ori %select_n3A_828, %broadcast_in_dim3A_834 : vector<16xi32>
      %bitcast3A_836 = vector.bitcast %or3A_835 : vector<16xi32> to vector<16xf32>
      %broadcast_in_dim3A_837 = arith.constant 3072 : i32
      %broadcast_in_dim3A_838 = vector.broadcast %broadcast_in_dim3A_837 : i32 to vector<16xi32>
      %or3A_839 = arith.ori %select_n3A_828, %broadcast_in_dim3A_838 : vector<16xi32>
      %bitcast3A_840 = vector.bitcast %or3A_839 : vector<16xi32> to vector<16xf32>
      %add3A_841 = arith.constant 1 : i32
      %add3A_842 = arith.addi %select_n3A_76, %add3A_841 : i32
      %jit3A_843 = arith.constant 2 : i32
      %div3A_844 = arith.divsi %add3A_842, %jit3A_843 : i32
      %sign3A_845 = arith.constant 0 : i32
      %sign3A_846 = arith.cmpi sgt, %add3A_842, %sign3A_845 : i32
      %sign3A_847 = arith.extui %sign3A_846 : i1 to i32
      %sign3A_848 = arith.constant 0 : i32
      %sign3A_849 = arith.cmpi slt, %add3A_842, %sign3A_848 : i32
      %sign3A_850 = arith.extui %sign3A_849 : i1 to i32
      %sign3A_851 = arith.subi %sign3A_847, %sign3A_850 : i32
      %sign3A_852 = arith.constant 0 : i32
      %sign3A_853 = arith.cmpi sgt, %jit3A_843, %sign3A_852 : i32
      %sign3A_854 = arith.extui %sign3A_853 : i1 to i32
      %sign3A_855 = arith.constant 0 : i32
      %sign3A_856 = arith.cmpi slt, %jit3A_843, %sign3A_855 : i32
      %sign3A_857 = arith.extui %sign3A_856 : i1 to i32
      %sign3A_858 = arith.subi %sign3A_854, %sign3A_857 : i32
      %ne3A_859 = arith.cmpi ne, %sign3A_851, %sign3A_858 : i32
      %rem3A_860 = arith.remsi %add3A_842, %jit3A_843 : i32
      %ne3A_861 = arith.constant 0 : i32
      %ne3A_862 = arith.cmpi ne, %rem3A_860, %ne3A_861 : i32
      %and3A_863 = arith.andi %ne3A_859, %ne3A_862 : i1
      %sub3A_864 = arith.constant 1 : i32
      %sub3A_865 = arith.subi %div3A_844, %sub3A_864 : i32
      %select_n3A_866 = arith.select %and3A_863, %sub3A_865, %div3A_844 : i32
      %while3A_867 = arith.constant 0 : i32
      %while3A_868 = arith.subi %select_n3A_866, %while3A_867 : i32
      %while3A_869 = arith.addi %while3A_867, %while3A_868 : i32
      %while3A_870 = arith.constant 1 : i32
      %while3A_871 = arith.divsi %while3A_868, %while3A_870 : i32
      %while3A_872 = arith.muli %while3A_871, %while3A_870 : i32
      %while3A_873 = arith.addi %while3A_867, %while3A_872 : i32
      %while3A_874 = arith.constant 1 : i32
      %while3A_875:6 = scf.for %while3A_1355 = %while3A_867 to %while3A_873 step %while3A_874 iter_args(%while3A_1356 = %broadcast_in_dim3A_149, %while3A_1357 = %broadcast_in_dim3A_149, %while3A_1358 = %broadcast_in_dim3A_149, %while3A_1359 = %broadcast_in_dim3A_149, %while3A_1360 = %broadcast_in_dim3A_149, %while3A_1361 = %broadcast_in_dim3A_149) -> (vector<16xi32>, vector<16xi32>, vector<16xi32>, vector<16xi32>, vector<16xi32>, vector<16xi32>)  : i32 {
        %mul3A_1362 = arith.constant 32 : i32
        %mul3A_1363 = arith.muli %while3A_1355, %mul3A_1362 : i32
        %get3A_1364 = arith.index_cast %mul3A_1363 : i32 to index
        %get3A_1365 = tpu.vector_load %arg5[%get3A_1364] {strides = array<i32>} : memref<4224xf32, #tpu.memory_space<vmem>>, vector<16xf32>,
        %add3A_1366 = arith.constant 16 : i32
        %add3A_1367 = arith.addi %mul3A_1363, %add3A_1366 : i32
        %get3A_1368 = arith.index_cast %add3A_1367 : i32 to index
        %get3A_1369 = tpu.vector_load %arg5[%get3A_1368] {strides = array<i32>} : memref<4224xf32, #tpu.memory_space<vmem>>, vector<16xf32>,
        %ge3A_1370 = arith.cmpf oge, %get3A_1365, %bitcast3A_832 : vector<16xf32>
        %select_n3A_1371 = arith.select %ge3A_1370, %broadcast_in_dim3A_147, %broadcast_in_dim3A_149 : vector<16xi1>, vector<16xi32>
        %add3A_1372 = arith.addi %while3A_1356, %select_n3A_1371 : vector<16xi32>
        %ge3A_1373 = arith.cmpf oge, %get3A_1365, %bitcast3A_836 : vector<16xf32>
        %select_n3A_1374 = arith.select %ge3A_1373, %broadcast_in_dim3A_147, %broadcast_in_dim3A_149 : vector<16xi1>, vector<16xi32>
        %add3A_1375 = arith.addi %while3A_1357, %select_n3A_1374 : vector<16xi32>
        %ge3A_1376 = arith.cmpf oge, %get3A_1365, %bitcast3A_840 : vector<16xf32>
        %select_n3A_1377 = arith.select %ge3A_1376, %broadcast_in_dim3A_147, %broadcast_in_dim3A_149 : vector<16xi1>, vector<16xi32>
        %add3A_1378 = arith.addi %while3A_1358, %select_n3A_1377 : vector<16xi32>
        %ge3A_1379 = arith.cmpf oge, %get3A_1369, %bitcast3A_832 : vector<16xf32>
        %select_n3A_1380 = arith.select %ge3A_1379, %broadcast_in_dim3A_147, %broadcast_in_dim3A_149 : vector<16xi1>, vector<16xi32>
        %add3A_1381 = arith.addi %while3A_1359, %select_n3A_1380 : vector<16xi32>
        %ge3A_1382 = arith.cmpf oge, %get3A_1369, %bitcast3A_836 : vector<16xf32>
        %select_n3A_1383 = arith.select %ge3A_1382, %broadcast_in_dim3A_147, %broadcast_in_dim3A_149 : vector<16xi1>, vector<16xi32>
        %add3A_1384 = arith.addi %while3A_1360, %select_n3A_1383 : vector<16xi32>
        %ge3A_1385 = arith.cmpf oge, %get3A_1369, %bitcast3A_840 : vector<16xf32>
        %select_n3A_1386 = arith.select %ge3A_1385, %broadcast_in_dim3A_147, %broadcast_in_dim3A_149 : vector<16xi1>, vector<16xi32>
        %add3A_1387 = arith.addi %while3A_1361, %select_n3A_1386 : vector<16xi32>
        scf.yield %add3A_1372, %add3A_1375, %add3A_1378, %add3A_1381, %add3A_1384, %add3A_1387 : vector<16xi32>, vector<16xi32>, vector<16xi32>, vector<16xi32>, vector<16xi32>, vector<16xi32>
      }
      %while3A_876 = arith.constant 1 : i32
      %while3A_877:6 = scf.for %while3A_1355 = %while3A_873 to %while3A_869 step %while3A_876 iter_args(%while3A_1356 = %while3A_875#0, %while3A_1357 = %while3A_875#1, %while3A_1358 = %while3A_875#2, %while3A_1359 = %while3A_875#3, %while3A_1360 = %while3A_875#4, %while3A_1361 = %while3A_875#5) -> (vector<16xi32>, vector<16xi32>, vector<16xi32>, vector<16xi32>, vector<16xi32>, vector<16xi32>)  : i32 {
        %mul3A_1362 = arith.constant 32 : i32
        %mul3A_1363 = arith.muli %while3A_1355, %mul3A_1362 : i32
        %get3A_1364 = arith.index_cast %mul3A_1363 : i32 to index
        %get3A_1365 = tpu.vector_load %arg5[%get3A_1364] {strides = array<i32>} : memref<4224xf32, #tpu.memory_space<vmem>>, vector<16xf32>,
        %add3A_1366 = arith.constant 16 : i32
        %add3A_1367 = arith.addi %mul3A_1363, %add3A_1366 : i32
        %get3A_1368 = arith.index_cast %add3A_1367 : i32 to index
        %get3A_1369 = tpu.vector_load %arg5[%get3A_1368] {strides = array<i32>} : memref<4224xf32, #tpu.memory_space<vmem>>, vector<16xf32>,
        %ge3A_1370 = arith.cmpf oge, %get3A_1365, %bitcast3A_832 : vector<16xf32>
        %select_n3A_1371 = arith.select %ge3A_1370, %broadcast_in_dim3A_147, %broadcast_in_dim3A_149 : vector<16xi1>, vector<16xi32>
        %add3A_1372 = arith.addi %while3A_1356, %select_n3A_1371 : vector<16xi32>
        %ge3A_1373 = arith.cmpf oge, %get3A_1365, %bitcast3A_836 : vector<16xf32>
        %select_n3A_1374 = arith.select %ge3A_1373, %broadcast_in_dim3A_147, %broadcast_in_dim3A_149 : vector<16xi1>, vector<16xi32>
        %add3A_1375 = arith.addi %while3A_1357, %select_n3A_1374 : vector<16xi32>
        %ge3A_1376 = arith.cmpf oge, %get3A_1365, %bitcast3A_840 : vector<16xf32>
        %select_n3A_1377 = arith.select %ge3A_1376, %broadcast_in_dim3A_147, %broadcast_in_dim3A_149 : vector<16xi1>, vector<16xi32>
        %add3A_1378 = arith.addi %while3A_1358, %select_n3A_1377 : vector<16xi32>
        %ge3A_1379 = arith.cmpf oge, %get3A_1369, %bitcast3A_832 : vector<16xf32>
        %select_n3A_1380 = arith.select %ge3A_1379, %broadcast_in_dim3A_147, %broadcast_in_dim3A_149 : vector<16xi1>, vector<16xi32>
        %add3A_1381 = arith.addi %while3A_1359, %select_n3A_1380 : vector<16xi32>
        %ge3A_1382 = arith.cmpf oge, %get3A_1369, %bitcast3A_836 : vector<16xf32>
        %select_n3A_1383 = arith.select %ge3A_1382, %broadcast_in_dim3A_147, %broadcast_in_dim3A_149 : vector<16xi1>, vector<16xi32>
        %add3A_1384 = arith.addi %while3A_1360, %select_n3A_1383 : vector<16xi32>
        %ge3A_1385 = arith.cmpf oge, %get3A_1369, %bitcast3A_840 : vector<16xf32>
        %select_n3A_1386 = arith.select %ge3A_1385, %broadcast_in_dim3A_147, %broadcast_in_dim3A_149 : vector<16xi1>, vector<16xi32>
        %add3A_1387 = arith.addi %while3A_1361, %select_n3A_1386 : vector<16xi32>
        scf.yield %add3A_1372, %add3A_1375, %add3A_1378, %add3A_1381, %add3A_1384, %add3A_1387 : vector<16xi32>, vector<16xi32>, vector<16xi32>, vector<16xi32>, vector<16xi32>, vector<16xi32>
      }
      %add3A_878 = arith.addi %while3A_877#0, %while3A_877#3 : vector<16xi32>
      %reduce_sum3A_879 = arith.constant true
      %reduce_sum3A_880 = vector.broadcast %reduce_sum3A_879 : i1 to vector<16xi1>
      %reduce_sum3A_881 = tpu.scan <sum>, %add3A_878 masked %reduce_sum3A_880 : vector<16xi32>, vector<16xi1> -> vector<16xi32>
      %reduce_sum3A_882 = vector.extract %reduce_sum3A_881[15] : i32 from vector<16xi32>
      %broadcast_in_dim3A_883 = vector.broadcast %reduce_sum3A_882 : i32 to vector<16xi32>
      %add3A_884 = arith.addi %while3A_877#1, %while3A_877#4 : vector<16xi32>
      %reduce_sum3A_885 = arith.constant true
      %reduce_sum3A_886 = vector.broadcast %reduce_sum3A_885 : i1 to vector<16xi1>
      %reduce_sum3A_887 = tpu.scan <sum>, %add3A_884 masked %reduce_sum3A_886 : vector<16xi32>, vector<16xi1> -> vector<16xi32>
      %reduce_sum3A_888 = vector.extract %reduce_sum3A_887[15] : i32 from vector<16xi32>
      %broadcast_in_dim3A_889 = vector.broadcast %reduce_sum3A_888 : i32 to vector<16xi32>
      %add3A_890 = arith.addi %while3A_877#2, %while3A_877#5 : vector<16xi32>
      %reduce_sum3A_891 = arith.constant true
      %reduce_sum3A_892 = vector.broadcast %reduce_sum3A_891 : i1 to vector<16xi1>
      %reduce_sum3A_893 = tpu.scan <sum>, %add3A_890 masked %reduce_sum3A_892 : vector<16xi32>, vector<16xi1> -> vector<16xi32>
      %reduce_sum3A_894 = vector.extract %reduce_sum3A_893[15] : i32 from vector<16xi32>
      %broadcast_in_dim3A_895 = vector.broadcast %reduce_sum3A_894 : i32 to vector<16xi32>
      %ge3A_896 = arith.cmpi sge, %broadcast_in_dim3A_895, %broadcast_in_dim3A_145 : vector<16xi32>
      %bitcast3A_897 = vector.bitcast %bitcast3A_840 : vector<16xf32> to vector<16xi32>
      %ge3A_898 = arith.cmpi sge, %broadcast_in_dim3A_889, %broadcast_in_dim3A_145 : vector<16xi32>
      %bitcast3A_899 = vector.bitcast %bitcast3A_836 : vector<16xf32> to vector<16xi32>
      %ge3A_900 = arith.cmpi sge, %broadcast_in_dim3A_883, %broadcast_in_dim3A_145 : vector<16xi32>
      %bitcast3A_901 = vector.bitcast %bitcast3A_832 : vector<16xf32> to vector<16xi32>
      %select_n3A_902 = arith.select %ge3A_900, %bitcast3A_901, %select_n3A_828 : vector<16xi1>, vector<16xi32>
      %select_n3A_903 = arith.select %ge3A_898, %bitcast3A_899, %select_n3A_902 : vector<16xi1>, vector<16xi32>
      %select_n3A_904 = arith.select %ge3A_896, %bitcast3A_897, %select_n3A_903 : vector<16xi1>, vector<16xi32>
      %broadcast_in_dim3A_905 = arith.constant 256 : i32
      %broadcast_in_dim3A_906 = vector.broadcast %broadcast_in_dim3A_905 : i32 to vector<16xi32>
      %or3A_907 = arith.ori %select_n3A_904, %broadcast_in_dim3A_906 : vector<16xi32>
      %bitcast3A_908 = vector.bitcast %or3A_907 : vector<16xi32> to vector<16xf32>
      %broadcast_in_dim3A_909 = arith.constant 512 : i32
      %broadcast_in_dim3A_910 = vector.broadcast %broadcast_in_dim3A_909 : i32 to vector<16xi32>
      %or3A_911 = arith.ori %select_n3A_904, %broadcast_in_dim3A_910 : vector<16xi32>
      %bitcast3A_912 = vector.bitcast %or3A_911 : vector<16xi32> to vector<16xf32>
      %broadcast_in_dim3A_913 = arith.constant 768 : i32
      %broadcast_in_dim3A_914 = vector.broadcast %broadcast_in_dim3A_913 : i32 to vector<16xi32>
      %or3A_915 = arith.ori %select_n3A_904, %broadcast_in_dim3A_914 : vector<16xi32>
      %bitcast3A_916 = vector.bitcast %or3A_915 : vector<16xi32> to vector<16xf32>
      %add3A_917 = arith.constant 1 : i32
      %add3A_918 = arith.addi %select_n3A_76, %add3A_917 : i32
      %jit3A_919 = arith.constant 2 : i32
      %div3A_920 = arith.divsi %add3A_918, %jit3A_919 : i32
      %sign3A_921 = arith.constant 0 : i32
      %sign3A_922 = arith.cmpi sgt, %add3A_918, %sign3A_921 : i32
      %sign3A_923 = arith.extui %sign3A_922 : i1 to i32
      %sign3A_924 = arith.constant 0 : i32
      %sign3A_925 = arith.cmpi slt, %add3A_918, %sign3A_924 : i32
      %sign3A_926 = arith.extui %sign3A_925 : i1 to i32
      %sign3A_927 = arith.subi %sign3A_923, %sign3A_926 : i32
      %sign3A_928 = arith.constant 0 : i32
      %sign3A_929 = arith.cmpi sgt, %jit3A_919, %sign3A_928 : i32
      %sign3A_930 = arith.extui %sign3A_929 : i1 to i32
      %sign3A_931 = arith.constant 0 : i32
      %sign3A_932 = arith.cmpi slt, %jit3A_919, %sign3A_931 : i32
      %sign3A_933 = arith.extui %sign3A_932 : i1 to i32
      %sign3A_934 = arith.subi %sign3A_930, %sign3A_933 : i32
      %ne3A_935 = arith.cmpi ne, %sign3A_927, %sign3A_934 : i32
      %rem3A_936 = arith.remsi %add3A_918, %jit3A_919 : i32
      %ne3A_937 = arith.constant 0 : i32
      %ne3A_938 = arith.cmpi ne, %rem3A_936, %ne3A_937 : i32
      %and3A_939 = arith.andi %ne3A_935, %ne3A_938 : i1
      %sub3A_940 = arith.constant 1 : i32
      %sub3A_941 = arith.subi %div3A_920, %sub3A_940 : i32
      %select_n3A_942 = arith.select %and3A_939, %sub3A_941, %div3A_920 : i32
      %while3A_943 = arith.constant 0 : i32
      %while3A_944 = arith.subi %select_n3A_942, %while3A_943 : i32
      %while3A_945 = arith.addi %while3A_943, %while3A_944 : i32
      %while3A_946 = arith.constant 1 : i32
      %while3A_947 = arith.divsi %while3A_944, %while3A_946 : i32
      %while3A_948 = arith.muli %while3A_947, %while3A_946 : i32
      %while3A_949 = arith.addi %while3A_943, %while3A_948 : i32
      %while3A_950 = arith.constant 1 : i32
      %while3A_951:6 = scf.for %while3A_1355 = %while3A_943 to %while3A_949 step %while3A_950 iter_args(%while3A_1356 = %broadcast_in_dim3A_149, %while3A_1357 = %broadcast_in_dim3A_149, %while3A_1358 = %broadcast_in_dim3A_149, %while3A_1359 = %broadcast_in_dim3A_149, %while3A_1360 = %broadcast_in_dim3A_149, %while3A_1361 = %broadcast_in_dim3A_149) -> (vector<16xi32>, vector<16xi32>, vector<16xi32>, vector<16xi32>, vector<16xi32>, vector<16xi32>)  : i32 {
        %mul3A_1362 = arith.constant 32 : i32
        %mul3A_1363 = arith.muli %while3A_1355, %mul3A_1362 : i32
        %get3A_1364 = arith.index_cast %mul3A_1363 : i32 to index
        %get3A_1365 = tpu.vector_load %arg5[%get3A_1364] {strides = array<i32>} : memref<4224xf32, #tpu.memory_space<vmem>>, vector<16xf32>,
        %add3A_1366 = arith.constant 16 : i32
        %add3A_1367 = arith.addi %mul3A_1363, %add3A_1366 : i32
        %get3A_1368 = arith.index_cast %add3A_1367 : i32 to index
        %get3A_1369 = tpu.vector_load %arg5[%get3A_1368] {strides = array<i32>} : memref<4224xf32, #tpu.memory_space<vmem>>, vector<16xf32>,
        %ge3A_1370 = arith.cmpf oge, %get3A_1365, %bitcast3A_908 : vector<16xf32>
        %select_n3A_1371 = arith.select %ge3A_1370, %broadcast_in_dim3A_147, %broadcast_in_dim3A_149 : vector<16xi1>, vector<16xi32>
        %add3A_1372 = arith.addi %while3A_1356, %select_n3A_1371 : vector<16xi32>
        %ge3A_1373 = arith.cmpf oge, %get3A_1365, %bitcast3A_912 : vector<16xf32>
        %select_n3A_1374 = arith.select %ge3A_1373, %broadcast_in_dim3A_147, %broadcast_in_dim3A_149 : vector<16xi1>, vector<16xi32>
        %add3A_1375 = arith.addi %while3A_1357, %select_n3A_1374 : vector<16xi32>
        %ge3A_1376 = arith.cmpf oge, %get3A_1365, %bitcast3A_916 : vector<16xf32>
        %select_n3A_1377 = arith.select %ge3A_1376, %broadcast_in_dim3A_147, %broadcast_in_dim3A_149 : vector<16xi1>, vector<16xi32>
        %add3A_1378 = arith.addi %while3A_1358, %select_n3A_1377 : vector<16xi32>
        %ge3A_1379 = arith.cmpf oge, %get3A_1369, %bitcast3A_908 : vector<16xf32>
        %select_n3A_1380 = arith.select %ge3A_1379, %broadcast_in_dim3A_147, %broadcast_in_dim3A_149 : vector<16xi1>, vector<16xi32>
        %add3A_1381 = arith.addi %while3A_1359, %select_n3A_1380 : vector<16xi32>
        %ge3A_1382 = arith.cmpf oge, %get3A_1369, %bitcast3A_912 : vector<16xf32>
        %select_n3A_1383 = arith.select %ge3A_1382, %broadcast_in_dim3A_147, %broadcast_in_dim3A_149 : vector<16xi1>, vector<16xi32>
        %add3A_1384 = arith.addi %while3A_1360, %select_n3A_1383 : vector<16xi32>
        %ge3A_1385 = arith.cmpf oge, %get3A_1369, %bitcast3A_916 : vector<16xf32>
        %select_n3A_1386 = arith.select %ge3A_1385, %broadcast_in_dim3A_147, %broadcast_in_dim3A_149 : vector<16xi1>, vector<16xi32>
        %add3A_1387 = arith.addi %while3A_1361, %select_n3A_1386 : vector<16xi32>
        scf.yield %add3A_1372, %add3A_1375, %add3A_1378, %add3A_1381, %add3A_1384, %add3A_1387 : vector<16xi32>, vector<16xi32>, vector<16xi32>, vector<16xi32>, vector<16xi32>, vector<16xi32>
      }
      %while3A_952 = arith.constant 1 : i32
      %while3A_953:6 = scf.for %while3A_1355 = %while3A_949 to %while3A_945 step %while3A_952 iter_args(%while3A_1356 = %while3A_951#0, %while3A_1357 = %while3A_951#1, %while3A_1358 = %while3A_951#2, %while3A_1359 = %while3A_951#3, %while3A_1360 = %while3A_951#4, %while3A_1361 = %while3A_951#5) -> (vector<16xi32>, vector<16xi32>, vector<16xi32>, vector<16xi32>, vector<16xi32>, vector<16xi32>)  : i32 {
        %mul3A_1362 = arith.constant 32 : i32
        %mul3A_1363 = arith.muli %while3A_1355, %mul3A_1362 : i32
        %get3A_1364 = arith.index_cast %mul3A_1363 : i32 to index
        %get3A_1365 = tpu.vector_load %arg5[%get3A_1364] {strides = array<i32>} : memref<4224xf32, #tpu.memory_space<vmem>>, vector<16xf32>,
        %add3A_1366 = arith.constant 16 : i32
        %add3A_1367 = arith.addi %mul3A_1363, %add3A_1366 : i32
        %get3A_1368 = arith.index_cast %add3A_1367 : i32 to index
        %get3A_1369 = tpu.vector_load %arg5[%get3A_1368] {strides = array<i32>} : memref<4224xf32, #tpu.memory_space<vmem>>, vector<16xf32>,
        %ge3A_1370 = arith.cmpf oge, %get3A_1365, %bitcast3A_908 : vector<16xf32>
        %select_n3A_1371 = arith.select %ge3A_1370, %broadcast_in_dim3A_147, %broadcast_in_dim3A_149 : vector<16xi1>, vector<16xi32>
        %add3A_1372 = arith.addi %while3A_1356, %select_n3A_1371 : vector<16xi32>
        %ge3A_1373 = arith.cmpf oge, %get3A_1365, %bitcast3A_912 : vector<16xf32>
        %select_n3A_1374 = arith.select %ge3A_1373, %broadcast_in_dim3A_147, %broadcast_in_dim3A_149 : vector<16xi1>, vector<16xi32>
        %add3A_1375 = arith.addi %while3A_1357, %select_n3A_1374 : vector<16xi32>
        %ge3A_1376 = arith.cmpf oge, %get3A_1365, %bitcast3A_916 : vector<16xf32>
        %select_n3A_1377 = arith.select %ge3A_1376, %broadcast_in_dim3A_147, %broadcast_in_dim3A_149 : vector<16xi1>, vector<16xi32>
        %add3A_1378 = arith.addi %while3A_1358, %select_n3A_1377 : vector<16xi32>
        %ge3A_1379 = arith.cmpf oge, %get3A_1369, %bitcast3A_908 : vector<16xf32>
        %select_n3A_1380 = arith.select %ge3A_1379, %broadcast_in_dim3A_147, %broadcast_in_dim3A_149 : vector<16xi1>, vector<16xi32>
        %add3A_1381 = arith.addi %while3A_1359, %select_n3A_1380 : vector<16xi32>
        %ge3A_1382 = arith.cmpf oge, %get3A_1369, %bitcast3A_912 : vector<16xf32>
        %select_n3A_1383 = arith.select %ge3A_1382, %broadcast_in_dim3A_147, %broadcast_in_dim3A_149 : vector<16xi1>, vector<16xi32>
        %add3A_1384 = arith.addi %while3A_1360, %select_n3A_1383 : vector<16xi32>
        %ge3A_1385 = arith.cmpf oge, %get3A_1369, %bitcast3A_916 : vector<16xf32>
        %select_n3A_1386 = arith.select %ge3A_1385, %broadcast_in_dim3A_147, %broadcast_in_dim3A_149 : vector<16xi1>, vector<16xi32>
        %add3A_1387 = arith.addi %while3A_1361, %select_n3A_1386 : vector<16xi32>
        scf.yield %add3A_1372, %add3A_1375, %add3A_1378, %add3A_1381, %add3A_1384, %add3A_1387 : vector<16xi32>, vector<16xi32>, vector<16xi32>, vector<16xi32>, vector<16xi32>, vector<16xi32>
      }
      %add3A_954 = arith.addi %while3A_953#0, %while3A_953#3 : vector<16xi32>
      %reduce_sum3A_955 = arith.constant true
      %reduce_sum3A_956 = vector.broadcast %reduce_sum3A_955 : i1 to vector<16xi1>
      %reduce_sum3A_957 = tpu.scan <sum>, %add3A_954 masked %reduce_sum3A_956 : vector<16xi32>, vector<16xi1> -> vector<16xi32>
      %reduce_sum3A_958 = vector.extract %reduce_sum3A_957[15] : i32 from vector<16xi32>
      %broadcast_in_dim3A_959 = vector.broadcast %reduce_sum3A_958 : i32 to vector<16xi32>
      %add3A_960 = arith.addi %while3A_953#1, %while3A_953#4 : vector<16xi32>
      %reduce_sum3A_961 = arith.constant true
      %reduce_sum3A_962 = vector.broadcast %reduce_sum3A_961 : i1 to vector<16xi1>
      %reduce_sum3A_963 = tpu.scan <sum>, %add3A_960 masked %reduce_sum3A_962 : vector<16xi32>, vector<16xi1> -> vector<16xi32>
      %reduce_sum3A_964 = vector.extract %reduce_sum3A_963[15] : i32 from vector<16xi32>
      %broadcast_in_dim3A_965 = vector.broadcast %reduce_sum3A_964 : i32 to vector<16xi32>
      %add3A_966 = arith.addi %while3A_953#2, %while3A_953#5 : vector<16xi32>
      %reduce_sum3A_967 = arith.constant true
      %reduce_sum3A_968 = vector.broadcast %reduce_sum3A_967 : i1 to vector<16xi1>
      %reduce_sum3A_969 = tpu.scan <sum>, %add3A_966 masked %reduce_sum3A_968 : vector<16xi32>, vector<16xi1> -> vector<16xi32>
      %reduce_sum3A_970 = vector.extract %reduce_sum3A_969[15] : i32 from vector<16xi32>
      %broadcast_in_dim3A_971 = vector.broadcast %reduce_sum3A_970 : i32 to vector<16xi32>
      %ge3A_972 = arith.cmpi sge, %broadcast_in_dim3A_971, %broadcast_in_dim3A_145 : vector<16xi32>
      %bitcast3A_973 = vector.bitcast %bitcast3A_916 : vector<16xf32> to vector<16xi32>
      %ge3A_974 = arith.cmpi sge, %broadcast_in_dim3A_965, %broadcast_in_dim3A_145 : vector<16xi32>
      %bitcast3A_975 = vector.bitcast %bitcast3A_912 : vector<16xf32> to vector<16xi32>
      %ge3A_976 = arith.cmpi sge, %broadcast_in_dim3A_959, %broadcast_in_dim3A_145 : vector<16xi32>
      %bitcast3A_977 = vector.bitcast %bitcast3A_908 : vector<16xf32> to vector<16xi32>
      %select_n3A_978 = arith.select %ge3A_976, %bitcast3A_977, %select_n3A_904 : vector<16xi1>, vector<16xi32>
      %select_n3A_979 = arith.select %ge3A_974, %bitcast3A_975, %select_n3A_978 : vector<16xi1>, vector<16xi32>
      %select_n3A_980 = arith.select %ge3A_972, %bitcast3A_973, %select_n3A_979 : vector<16xi1>, vector<16xi32>
      %broadcast_in_dim3A_981 = arith.constant 64 : i32
      %broadcast_in_dim3A_982 = vector.broadcast %broadcast_in_dim3A_981 : i32 to vector<16xi32>
      %or3A_983 = arith.ori %select_n3A_980, %broadcast_in_dim3A_982 : vector<16xi32>
      %bitcast3A_984 = vector.bitcast %or3A_983 : vector<16xi32> to vector<16xf32>
      %broadcast_in_dim3A_985 = arith.constant 128 : i32
      %broadcast_in_dim3A_986 = vector.broadcast %broadcast_in_dim3A_985 : i32 to vector<16xi32>
      %or3A_987 = arith.ori %select_n3A_980, %broadcast_in_dim3A_986 : vector<16xi32>
      %bitcast3A_988 = vector.bitcast %or3A_987 : vector<16xi32> to vector<16xf32>
      %broadcast_in_dim3A_989 = arith.constant 192 : i32
      %broadcast_in_dim3A_990 = vector.broadcast %broadcast_in_dim3A_989 : i32 to vector<16xi32>
      %or3A_991 = arith.ori %select_n3A_980, %broadcast_in_dim3A_990 : vector<16xi32>
      %bitcast3A_992 = vector.bitcast %or3A_991 : vector<16xi32> to vector<16xf32>
      %add3A_993 = arith.constant 1 : i32
      %add3A_994 = arith.addi %select_n3A_76, %add3A_993 : i32
      %jit3A_995 = arith.constant 2 : i32
      %div3A_996 = arith.divsi %add3A_994, %jit3A_995 : i32
      %sign3A_997 = arith.constant 0 : i32
      %sign3A_998 = arith.cmpi sgt, %add3A_994, %sign3A_997 : i32
      %sign3A_999 = arith.extui %sign3A_998 : i1 to i32
      %sign3A_1000 = arith.constant 0 : i32
      %sign3A_1001 = arith.cmpi slt, %add3A_994, %sign3A_1000 : i32
      %sign3A_1002 = arith.extui %sign3A_1001 : i1 to i32
      %sign3A_1003 = arith.subi %sign3A_999, %sign3A_1002 : i32
      %sign3A_1004 = arith.constant 0 : i32
      %sign3A_1005 = arith.cmpi sgt, %jit3A_995, %sign3A_1004 : i32
      %sign3A_1006 = arith.extui %sign3A_1005 : i1 to i32
      %sign3A_1007 = arith.constant 0 : i32
      %sign3A_1008 = arith.cmpi slt, %jit3A_995, %sign3A_1007 : i32
      %sign3A_1009 = arith.extui %sign3A_1008 : i1 to i32
      %sign3A_1010 = arith.subi %sign3A_1006, %sign3A_1009 : i32
      %ne3A_1011 = arith.cmpi ne, %sign3A_1003, %sign3A_1010 : i32
      %rem3A_1012 = arith.remsi %add3A_994, %jit3A_995 : i32
      %ne3A_1013 = arith.constant 0 : i32
      %ne3A_1014 = arith.cmpi ne, %rem3A_1012, %ne3A_1013 : i32
      %and3A_1015 = arith.andi %ne3A_1011, %ne3A_1014 : i1
      %sub3A_1016 = arith.constant 1 : i32
      %sub3A_1017 = arith.subi %div3A_996, %sub3A_1016 : i32
      %select_n3A_1018 = arith.select %and3A_1015, %sub3A_1017, %div3A_996 : i32
      %while3A_1019 = arith.constant 0 : i32
      %while3A_1020 = arith.subi %select_n3A_1018, %while3A_1019 : i32
      %while3A_1021 = arith.addi %while3A_1019, %while3A_1020 : i32
      %while3A_1022 = arith.constant 1 : i32
      %while3A_1023 = arith.divsi %while3A_1020, %while3A_1022 : i32
      %while3A_1024 = arith.muli %while3A_1023, %while3A_1022 : i32
      %while3A_1025 = arith.addi %while3A_1019, %while3A_1024 : i32
      %while3A_1026 = arith.constant 1 : i32
      %while3A_1027:6 = scf.for %while3A_1355 = %while3A_1019 to %while3A_1025 step %while3A_1026 iter_args(%while3A_1356 = %broadcast_in_dim3A_149, %while3A_1357 = %broadcast_in_dim3A_149, %while3A_1358 = %broadcast_in_dim3A_149, %while3A_1359 = %broadcast_in_dim3A_149, %while3A_1360 = %broadcast_in_dim3A_149, %while3A_1361 = %broadcast_in_dim3A_149) -> (vector<16xi32>, vector<16xi32>, vector<16xi32>, vector<16xi32>, vector<16xi32>, vector<16xi32>)  : i32 {
        %mul3A_1362 = arith.constant 32 : i32
        %mul3A_1363 = arith.muli %while3A_1355, %mul3A_1362 : i32
        %get3A_1364 = arith.index_cast %mul3A_1363 : i32 to index
        %get3A_1365 = tpu.vector_load %arg5[%get3A_1364] {strides = array<i32>} : memref<4224xf32, #tpu.memory_space<vmem>>, vector<16xf32>,
        %add3A_1366 = arith.constant 16 : i32
        %add3A_1367 = arith.addi %mul3A_1363, %add3A_1366 : i32
        %get3A_1368 = arith.index_cast %add3A_1367 : i32 to index
        %get3A_1369 = tpu.vector_load %arg5[%get3A_1368] {strides = array<i32>} : memref<4224xf32, #tpu.memory_space<vmem>>, vector<16xf32>,
        %ge3A_1370 = arith.cmpf oge, %get3A_1365, %bitcast3A_984 : vector<16xf32>
        %select_n3A_1371 = arith.select %ge3A_1370, %broadcast_in_dim3A_147, %broadcast_in_dim3A_149 : vector<16xi1>, vector<16xi32>
        %add3A_1372 = arith.addi %while3A_1356, %select_n3A_1371 : vector<16xi32>
        %ge3A_1373 = arith.cmpf oge, %get3A_1365, %bitcast3A_988 : vector<16xf32>
        %select_n3A_1374 = arith.select %ge3A_1373, %broadcast_in_dim3A_147, %broadcast_in_dim3A_149 : vector<16xi1>, vector<16xi32>
        %add3A_1375 = arith.addi %while3A_1357, %select_n3A_1374 : vector<16xi32>
        %ge3A_1376 = arith.cmpf oge, %get3A_1365, %bitcast3A_992 : vector<16xf32>
        %select_n3A_1377 = arith.select %ge3A_1376, %broadcast_in_dim3A_147, %broadcast_in_dim3A_149 : vector<16xi1>, vector<16xi32>
        %add3A_1378 = arith.addi %while3A_1358, %select_n3A_1377 : vector<16xi32>
        %ge3A_1379 = arith.cmpf oge, %get3A_1369, %bitcast3A_984 : vector<16xf32>
        %select_n3A_1380 = arith.select %ge3A_1379, %broadcast_in_dim3A_147, %broadcast_in_dim3A_149 : vector<16xi1>, vector<16xi32>
        %add3A_1381 = arith.addi %while3A_1359, %select_n3A_1380 : vector<16xi32>
        %ge3A_1382 = arith.cmpf oge, %get3A_1369, %bitcast3A_988 : vector<16xf32>
        %select_n3A_1383 = arith.select %ge3A_1382, %broadcast_in_dim3A_147, %broadcast_in_dim3A_149 : vector<16xi1>, vector<16xi32>
        %add3A_1384 = arith.addi %while3A_1360, %select_n3A_1383 : vector<16xi32>
        %ge3A_1385 = arith.cmpf oge, %get3A_1369, %bitcast3A_992 : vector<16xf32>
        %select_n3A_1386 = arith.select %ge3A_1385, %broadcast_in_dim3A_147, %broadcast_in_dim3A_149 : vector<16xi1>, vector<16xi32>
        %add3A_1387 = arith.addi %while3A_1361, %select_n3A_1386 : vector<16xi32>
        scf.yield %add3A_1372, %add3A_1375, %add3A_1378, %add3A_1381, %add3A_1384, %add3A_1387 : vector<16xi32>, vector<16xi32>, vector<16xi32>, vector<16xi32>, vector<16xi32>, vector<16xi32>
      }
      %while3A_1028 = arith.constant 1 : i32
      %while3A_1029:6 = scf.for %while3A_1355 = %while3A_1025 to %while3A_1021 step %while3A_1028 iter_args(%while3A_1356 = %while3A_1027#0, %while3A_1357 = %while3A_1027#1, %while3A_1358 = %while3A_1027#2, %while3A_1359 = %while3A_1027#3, %while3A_1360 = %while3A_1027#4, %while3A_1361 = %while3A_1027#5) -> (vector<16xi32>, vector<16xi32>, vector<16xi32>, vector<16xi32>, vector<16xi32>, vector<16xi32>)  : i32 {
        %mul3A_1362 = arith.constant 32 : i32
        %mul3A_1363 = arith.muli %while3A_1355, %mul3A_1362 : i32
        %get3A_1364 = arith.index_cast %mul3A_1363 : i32 to index
        %get3A_1365 = tpu.vector_load %arg5[%get3A_1364] {strides = array<i32>} : memref<4224xf32, #tpu.memory_space<vmem>>, vector<16xf32>,
        %add3A_1366 = arith.constant 16 : i32
        %add3A_1367 = arith.addi %mul3A_1363, %add3A_1366 : i32
        %get3A_1368 = arith.index_cast %add3A_1367 : i32 to index
        %get3A_1369 = tpu.vector_load %arg5[%get3A_1368] {strides = array<i32>} : memref<4224xf32, #tpu.memory_space<vmem>>, vector<16xf32>,
        %ge3A_1370 = arith.cmpf oge, %get3A_1365, %bitcast3A_984 : vector<16xf32>
        %select_n3A_1371 = arith.select %ge3A_1370, %broadcast_in_dim3A_147, %broadcast_in_dim3A_149 : vector<16xi1>, vector<16xi32>
        %add3A_1372 = arith.addi %while3A_1356, %select_n3A_1371 : vector<16xi32>
        %ge3A_1373 = arith.cmpf oge, %get3A_1365, %bitcast3A_988 : vector<16xf32>
        %select_n3A_1374 = arith.select %ge3A_1373, %broadcast_in_dim3A_147, %broadcast_in_dim3A_149 : vector<16xi1>, vector<16xi32>
        %add3A_1375 = arith.addi %while3A_1357, %select_n3A_1374 : vector<16xi32>
        %ge3A_1376 = arith.cmpf oge, %get3A_1365, %bitcast3A_992 : vector<16xf32>
        %select_n3A_1377 = arith.select %ge3A_1376, %broadcast_in_dim3A_147, %broadcast_in_dim3A_149 : vector<16xi1>, vector<16xi32>
        %add3A_1378 = arith.addi %while3A_1358, %select_n3A_1377 : vector<16xi32>
        %ge3A_1379 = arith.cmpf oge, %get3A_1369, %bitcast3A_984 : vector<16xf32>
        %select_n3A_1380 = arith.select %ge3A_1379, %broadcast_in_dim3A_147, %broadcast_in_dim3A_149 : vector<16xi1>, vector<16xi32>
        %add3A_1381 = arith.addi %while3A_1359, %select_n3A_1380 : vector<16xi32>
        %ge3A_1382 = arith.cmpf oge, %get3A_1369, %bitcast3A_988 : vector<16xf32>
        %select_n3A_1383 = arith.select %ge3A_1382, %broadcast_in_dim3A_147, %broadcast_in_dim3A_149 : vector<16xi1>, vector<16xi32>
        %add3A_1384 = arith.addi %while3A_1360, %select_n3A_1383 : vector<16xi32>
        %ge3A_1385 = arith.cmpf oge, %get3A_1369, %bitcast3A_992 : vector<16xf32>
        %select_n3A_1386 = arith.select %ge3A_1385, %broadcast_in_dim3A_147, %broadcast_in_dim3A_149 : vector<16xi1>, vector<16xi32>
        %add3A_1387 = arith.addi %while3A_1361, %select_n3A_1386 : vector<16xi32>
        scf.yield %add3A_1372, %add3A_1375, %add3A_1378, %add3A_1381, %add3A_1384, %add3A_1387 : vector<16xi32>, vector<16xi32>, vector<16xi32>, vector<16xi32>, vector<16xi32>, vector<16xi32>
      }
      %add3A_1030 = arith.addi %while3A_1029#0, %while3A_1029#3 : vector<16xi32>
      %reduce_sum3A_1031 = arith.constant true
      %reduce_sum3A_1032 = vector.broadcast %reduce_sum3A_1031 : i1 to vector<16xi1>
      %reduce_sum3A_1033 = tpu.scan <sum>, %add3A_1030 masked %reduce_sum3A_1032 : vector<16xi32>, vector<16xi1> -> vector<16xi32>
      %reduce_sum3A_1034 = vector.extract %reduce_sum3A_1033[15] : i32 from vector<16xi32>
      %broadcast_in_dim3A_1035 = vector.broadcast %reduce_sum3A_1034 : i32 to vector<16xi32>
      %add3A_1036 = arith.addi %while3A_1029#1, %while3A_1029#4 : vector<16xi32>
      %reduce_sum3A_1037 = arith.constant true
      %reduce_sum3A_1038 = vector.broadcast %reduce_sum3A_1037 : i1 to vector<16xi1>
      %reduce_sum3A_1039 = tpu.scan <sum>, %add3A_1036 masked %reduce_sum3A_1038 : vector<16xi32>, vector<16xi1> -> vector<16xi32>
      %reduce_sum3A_1040 = vector.extract %reduce_sum3A_1039[15] : i32 from vector<16xi32>
      %broadcast_in_dim3A_1041 = vector.broadcast %reduce_sum3A_1040 : i32 to vector<16xi32>
      %add3A_1042 = arith.addi %while3A_1029#2, %while3A_1029#5 : vector<16xi32>
      %reduce_sum3A_1043 = arith.constant true
      %reduce_sum3A_1044 = vector.broadcast %reduce_sum3A_1043 : i1 to vector<16xi1>
      %reduce_sum3A_1045 = tpu.scan <sum>, %add3A_1042 masked %reduce_sum3A_1044 : vector<16xi32>, vector<16xi1> -> vector<16xi32>
      %reduce_sum3A_1046 = vector.extract %reduce_sum3A_1045[15] : i32 from vector<16xi32>
      %broadcast_in_dim3A_1047 = vector.broadcast %reduce_sum3A_1046 : i32 to vector<16xi32>
      %ge3A_1048 = arith.cmpi sge, %broadcast_in_dim3A_1047, %broadcast_in_dim3A_145 : vector<16xi32>
      %bitcast3A_1049 = vector.bitcast %bitcast3A_992 : vector<16xf32> to vector<16xi32>
      %ge3A_1050 = arith.cmpi sge, %broadcast_in_dim3A_1041, %broadcast_in_dim3A_145 : vector<16xi32>
      %bitcast3A_1051 = vector.bitcast %bitcast3A_988 : vector<16xf32> to vector<16xi32>
      %ge3A_1052 = arith.cmpi sge, %broadcast_in_dim3A_1035, %broadcast_in_dim3A_145 : vector<16xi32>
      %bitcast3A_1053 = vector.bitcast %bitcast3A_984 : vector<16xf32> to vector<16xi32>
      %select_n3A_1054 = arith.select %ge3A_1052, %bitcast3A_1053, %select_n3A_980 : vector<16xi1>, vector<16xi32>
      %select_n3A_1055 = arith.select %ge3A_1050, %bitcast3A_1051, %select_n3A_1054 : vector<16xi1>, vector<16xi32>
      %select_n3A_1056 = arith.select %ge3A_1048, %bitcast3A_1049, %select_n3A_1055 : vector<16xi1>, vector<16xi32>
      %broadcast_in_dim3A_1057 = arith.constant 16 : i32
      %broadcast_in_dim3A_1058 = vector.broadcast %broadcast_in_dim3A_1057 : i32 to vector<16xi32>
      %or3A_1059 = arith.ori %select_n3A_1056, %broadcast_in_dim3A_1058 : vector<16xi32>
      %bitcast3A_1060 = vector.bitcast %or3A_1059 : vector<16xi32> to vector<16xf32>
      %broadcast_in_dim3A_1061 = arith.constant 32 : i32
      %broadcast_in_dim3A_1062 = vector.broadcast %broadcast_in_dim3A_1061 : i32 to vector<16xi32>
      %or3A_1063 = arith.ori %select_n3A_1056, %broadcast_in_dim3A_1062 : vector<16xi32>
      %bitcast3A_1064 = vector.bitcast %or3A_1063 : vector<16xi32> to vector<16xf32>
      %broadcast_in_dim3A_1065 = arith.constant 48 : i32
      %broadcast_in_dim3A_1066 = vector.broadcast %broadcast_in_dim3A_1065 : i32 to vector<16xi32>
      %or3A_1067 = arith.ori %select_n3A_1056, %broadcast_in_dim3A_1066 : vector<16xi32>
      %bitcast3A_1068 = vector.bitcast %or3A_1067 : vector<16xi32> to vector<16xf32>
      %add3A_1069 = arith.constant 1 : i32
      %add3A_1070 = arith.addi %select_n3A_76, %add3A_1069 : i32
      %jit3A_1071 = arith.constant 2 : i32
      %div3A_1072 = arith.divsi %add3A_1070, %jit3A_1071 : i32
      %sign3A_1073 = arith.constant 0 : i32
      %sign3A_1074 = arith.cmpi sgt, %add3A_1070, %sign3A_1073 : i32
      %sign3A_1075 = arith.extui %sign3A_1074 : i1 to i32
      %sign3A_1076 = arith.constant 0 : i32
      %sign3A_1077 = arith.cmpi slt, %add3A_1070, %sign3A_1076 : i32
      %sign3A_1078 = arith.extui %sign3A_1077 : i1 to i32
      %sign3A_1079 = arith.subi %sign3A_1075, %sign3A_1078 : i32
      %sign3A_1080 = arith.constant 0 : i32
      %sign3A_1081 = arith.cmpi sgt, %jit3A_1071, %sign3A_1080 : i32
      %sign3A_1082 = arith.extui %sign3A_1081 : i1 to i32
      %sign3A_1083 = arith.constant 0 : i32
      %sign3A_1084 = arith.cmpi slt, %jit3A_1071, %sign3A_1083 : i32
      %sign3A_1085 = arith.extui %sign3A_1084 : i1 to i32
      %sign3A_1086 = arith.subi %sign3A_1082, %sign3A_1085 : i32
      %ne3A_1087 = arith.cmpi ne, %sign3A_1079, %sign3A_1086 : i32
      %rem3A_1088 = arith.remsi %add3A_1070, %jit3A_1071 : i32
      %ne3A_1089 = arith.constant 0 : i32
      %ne3A_1090 = arith.cmpi ne, %rem3A_1088, %ne3A_1089 : i32
      %and3A_1091 = arith.andi %ne3A_1087, %ne3A_1090 : i1
      %sub3A_1092 = arith.constant 1 : i32
      %sub3A_1093 = arith.subi %div3A_1072, %sub3A_1092 : i32
      %select_n3A_1094 = arith.select %and3A_1091, %sub3A_1093, %div3A_1072 : i32
      %while3A_1095 = arith.constant 0 : i32
      %while3A_1096 = arith.subi %select_n3A_1094, %while3A_1095 : i32
      %while3A_1097 = arith.addi %while3A_1095, %while3A_1096 : i32
      %while3A_1098 = arith.constant 1 : i32
      %while3A_1099 = arith.divsi %while3A_1096, %while3A_1098 : i32
      %while3A_1100 = arith.muli %while3A_1099, %while3A_1098 : i32
      %while3A_1101 = arith.addi %while3A_1095, %while3A_1100 : i32
      %while3A_1102 = arith.constant 1 : i32
      %while3A_1103:6 = scf.for %while3A_1355 = %while3A_1095 to %while3A_1101 step %while3A_1102 iter_args(%while3A_1356 = %broadcast_in_dim3A_149, %while3A_1357 = %broadcast_in_dim3A_149, %while3A_1358 = %broadcast_in_dim3A_149, %while3A_1359 = %broadcast_in_dim3A_149, %while3A_1360 = %broadcast_in_dim3A_149, %while3A_1361 = %broadcast_in_dim3A_149) -> (vector<16xi32>, vector<16xi32>, vector<16xi32>, vector<16xi32>, vector<16xi32>, vector<16xi32>)  : i32 {
        %mul3A_1362 = arith.constant 32 : i32
        %mul3A_1363 = arith.muli %while3A_1355, %mul3A_1362 : i32
        %get3A_1364 = arith.index_cast %mul3A_1363 : i32 to index
        %get3A_1365 = tpu.vector_load %arg5[%get3A_1364] {strides = array<i32>} : memref<4224xf32, #tpu.memory_space<vmem>>, vector<16xf32>,
        %add3A_1366 = arith.constant 16 : i32
        %add3A_1367 = arith.addi %mul3A_1363, %add3A_1366 : i32
        %get3A_1368 = arith.index_cast %add3A_1367 : i32 to index
        %get3A_1369 = tpu.vector_load %arg5[%get3A_1368] {strides = array<i32>} : memref<4224xf32, #tpu.memory_space<vmem>>, vector<16xf32>,
        %ge3A_1370 = arith.cmpf oge, %get3A_1365, %bitcast3A_1060 : vector<16xf32>
        %select_n3A_1371 = arith.select %ge3A_1370, %broadcast_in_dim3A_147, %broadcast_in_dim3A_149 : vector<16xi1>, vector<16xi32>
        %add3A_1372 = arith.addi %while3A_1356, %select_n3A_1371 : vector<16xi32>
        %ge3A_1373 = arith.cmpf oge, %get3A_1365, %bitcast3A_1064 : vector<16xf32>
        %select_n3A_1374 = arith.select %ge3A_1373, %broadcast_in_dim3A_147, %broadcast_in_dim3A_149 : vector<16xi1>, vector<16xi32>
        %add3A_1375 = arith.addi %while3A_1357, %select_n3A_1374 : vector<16xi32>
        %ge3A_1376 = arith.cmpf oge, %get3A_1365, %bitcast3A_1068 : vector<16xf32>
        %select_n3A_1377 = arith.select %ge3A_1376, %broadcast_in_dim3A_147, %broadcast_in_dim3A_149 : vector<16xi1>, vector<16xi32>
        %add3A_1378 = arith.addi %while3A_1358, %select_n3A_1377 : vector<16xi32>
        %ge3A_1379 = arith.cmpf oge, %get3A_1369, %bitcast3A_1060 : vector<16xf32>
        %select_n3A_1380 = arith.select %ge3A_1379, %broadcast_in_dim3A_147, %broadcast_in_dim3A_149 : vector<16xi1>, vector<16xi32>
        %add3A_1381 = arith.addi %while3A_1359, %select_n3A_1380 : vector<16xi32>
        %ge3A_1382 = arith.cmpf oge, %get3A_1369, %bitcast3A_1064 : vector<16xf32>
        %select_n3A_1383 = arith.select %ge3A_1382, %broadcast_in_dim3A_147, %broadcast_in_dim3A_149 : vector<16xi1>, vector<16xi32>
        %add3A_1384 = arith.addi %while3A_1360, %select_n3A_1383 : vector<16xi32>
        %ge3A_1385 = arith.cmpf oge, %get3A_1369, %bitcast3A_1068 : vector<16xf32>
        %select_n3A_1386 = arith.select %ge3A_1385, %broadcast_in_dim3A_147, %broadcast_in_dim3A_149 : vector<16xi1>, vector<16xi32>
        %add3A_1387 = arith.addi %while3A_1361, %select_n3A_1386 : vector<16xi32>
        scf.yield %add3A_1372, %add3A_1375, %add3A_1378, %add3A_1381, %add3A_1384, %add3A_1387 : vector<16xi32>, vector<16xi32>, vector<16xi32>, vector<16xi32>, vector<16xi32>, vector<16xi32>
      }
      %while3A_1104 = arith.constant 1 : i32
      %while3A_1105:6 = scf.for %while3A_1355 = %while3A_1101 to %while3A_1097 step %while3A_1104 iter_args(%while3A_1356 = %while3A_1103#0, %while3A_1357 = %while3A_1103#1, %while3A_1358 = %while3A_1103#2, %while3A_1359 = %while3A_1103#3, %while3A_1360 = %while3A_1103#4, %while3A_1361 = %while3A_1103#5) -> (vector<16xi32>, vector<16xi32>, vector<16xi32>, vector<16xi32>, vector<16xi32>, vector<16xi32>)  : i32 {
        %mul3A_1362 = arith.constant 32 : i32
        %mul3A_1363 = arith.muli %while3A_1355, %mul3A_1362 : i32
        %get3A_1364 = arith.index_cast %mul3A_1363 : i32 to index
        %get3A_1365 = tpu.vector_load %arg5[%get3A_1364] {strides = array<i32>} : memref<4224xf32, #tpu.memory_space<vmem>>, vector<16xf32>,
        %add3A_1366 = arith.constant 16 : i32
        %add3A_1367 = arith.addi %mul3A_1363, %add3A_1366 : i32
        %get3A_1368 = arith.index_cast %add3A_1367 : i32 to index
        %get3A_1369 = tpu.vector_load %arg5[%get3A_1368] {strides = array<i32>} : memref<4224xf32, #tpu.memory_space<vmem>>, vector<16xf32>,
        %ge3A_1370 = arith.cmpf oge, %get3A_1365, %bitcast3A_1060 : vector<16xf32>
        %select_n3A_1371 = arith.select %ge3A_1370, %broadcast_in_dim3A_147, %broadcast_in_dim3A_149 : vector<16xi1>, vector<16xi32>
        %add3A_1372 = arith.addi %while3A_1356, %select_n3A_1371 : vector<16xi32>
        %ge3A_1373 = arith.cmpf oge, %get3A_1365, %bitcast3A_1064 : vector<16xf32>
        %select_n3A_1374 = arith.select %ge3A_1373, %broadcast_in_dim3A_147, %broadcast_in_dim3A_149 : vector<16xi1>, vector<16xi32>
        %add3A_1375 = arith.addi %while3A_1357, %select_n3A_1374 : vector<16xi32>
        %ge3A_1376 = arith.cmpf oge, %get3A_1365, %bitcast3A_1068 : vector<16xf32>
        %select_n3A_1377 = arith.select %ge3A_1376, %broadcast_in_dim3A_147, %broadcast_in_dim3A_149 : vector<16xi1>, vector<16xi32>
        %add3A_1378 = arith.addi %while3A_1358, %select_n3A_1377 : vector<16xi32>
        %ge3A_1379 = arith.cmpf oge, %get3A_1369, %bitcast3A_1060 : vector<16xf32>
        %select_n3A_1380 = arith.select %ge3A_1379, %broadcast_in_dim3A_147, %broadcast_in_dim3A_149 : vector<16xi1>, vector<16xi32>
        %add3A_1381 = arith.addi %while3A_1359, %select_n3A_1380 : vector<16xi32>
        %ge3A_1382 = arith.cmpf oge, %get3A_1369, %bitcast3A_1064 : vector<16xf32>
        %select_n3A_1383 = arith.select %ge3A_1382, %broadcast_in_dim3A_147, %broadcast_in_dim3A_149 : vector<16xi1>, vector<16xi32>
        %add3A_1384 = arith.addi %while3A_1360, %select_n3A_1383 : vector<16xi32>
        %ge3A_1385 = arith.cmpf oge, %get3A_1369, %bitcast3A_1068 : vector<16xf32>
        %select_n3A_1386 = arith.select %ge3A_1385, %broadcast_in_dim3A_147, %broadcast_in_dim3A_149 : vector<16xi1>, vector<16xi32>
        %add3A_1387 = arith.addi %while3A_1361, %select_n3A_1386 : vector<16xi32>
        scf.yield %add3A_1372, %add3A_1375, %add3A_1378, %add3A_1381, %add3A_1384, %add3A_1387 : vector<16xi32>, vector<16xi32>, vector<16xi32>, vector<16xi32>, vector<16xi32>, vector<16xi32>
      }
      %add3A_1106 = arith.addi %while3A_1105#0, %while3A_1105#3 : vector<16xi32>
      %reduce_sum3A_1107 = arith.constant true
      %reduce_sum3A_1108 = vector.broadcast %reduce_sum3A_1107 : i1 to vector<16xi1>
      %reduce_sum3A_1109 = tpu.scan <sum>, %add3A_1106 masked %reduce_sum3A_1108 : vector<16xi32>, vector<16xi1> -> vector<16xi32>
      %reduce_sum3A_1110 = vector.extract %reduce_sum3A_1109[15] : i32 from vector<16xi32>
      %broadcast_in_dim3A_1111 = vector.broadcast %reduce_sum3A_1110 : i32 to vector<16xi32>
      %add3A_1112 = arith.addi %while3A_1105#1, %while3A_1105#4 : vector<16xi32>
      %reduce_sum3A_1113 = arith.constant true
      %reduce_sum3A_1114 = vector.broadcast %reduce_sum3A_1113 : i1 to vector<16xi1>
      %reduce_sum3A_1115 = tpu.scan <sum>, %add3A_1112 masked %reduce_sum3A_1114 : vector<16xi32>, vector<16xi1> -> vector<16xi32>
      %reduce_sum3A_1116 = vector.extract %reduce_sum3A_1115[15] : i32 from vector<16xi32>
      %broadcast_in_dim3A_1117 = vector.broadcast %reduce_sum3A_1116 : i32 to vector<16xi32>
      %add3A_1118 = arith.addi %while3A_1105#2, %while3A_1105#5 : vector<16xi32>
      %reduce_sum3A_1119 = arith.constant true
      %reduce_sum3A_1120 = vector.broadcast %reduce_sum3A_1119 : i1 to vector<16xi1>
      %reduce_sum3A_1121 = tpu.scan <sum>, %add3A_1118 masked %reduce_sum3A_1120 : vector<16xi32>, vector<16xi1> -> vector<16xi32>
      %reduce_sum3A_1122 = vector.extract %reduce_sum3A_1121[15] : i32 from vector<16xi32>
      %broadcast_in_dim3A_1123 = vector.broadcast %reduce_sum3A_1122 : i32 to vector<16xi32>
      %ge3A_1124 = arith.cmpi sge, %broadcast_in_dim3A_1123, %broadcast_in_dim3A_145 : vector<16xi32>
      %bitcast3A_1125 = vector.bitcast %bitcast3A_1068 : vector<16xf32> to vector<16xi32>
      %ge3A_1126 = arith.cmpi sge, %broadcast_in_dim3A_1117, %broadcast_in_dim3A_145 : vector<16xi32>
      %bitcast3A_1127 = vector.bitcast %bitcast3A_1064 : vector<16xf32> to vector<16xi32>
      %ge3A_1128 = arith.cmpi sge, %broadcast_in_dim3A_1111, %broadcast_in_dim3A_145 : vector<16xi32>
      %bitcast3A_1129 = vector.bitcast %bitcast3A_1060 : vector<16xf32> to vector<16xi32>
      %select_n3A_1130 = arith.select %ge3A_1128, %bitcast3A_1129, %select_n3A_1056 : vector<16xi1>, vector<16xi32>
      %select_n3A_1131 = arith.select %ge3A_1126, %bitcast3A_1127, %select_n3A_1130 : vector<16xi1>, vector<16xi32>
      %select_n3A_1132 = arith.select %ge3A_1124, %bitcast3A_1125, %select_n3A_1131 : vector<16xi1>, vector<16xi32>
      %broadcast_in_dim3A_1133 = arith.constant 4 : i32
      %broadcast_in_dim3A_1134 = vector.broadcast %broadcast_in_dim3A_1133 : i32 to vector<16xi32>
      %or3A_1135 = arith.ori %select_n3A_1132, %broadcast_in_dim3A_1134 : vector<16xi32>
      %bitcast3A_1136 = vector.bitcast %or3A_1135 : vector<16xi32> to vector<16xf32>
      %broadcast_in_dim3A_1137 = arith.constant 8 : i32
      %broadcast_in_dim3A_1138 = vector.broadcast %broadcast_in_dim3A_1137 : i32 to vector<16xi32>
      %or3A_1139 = arith.ori %select_n3A_1132, %broadcast_in_dim3A_1138 : vector<16xi32>
      %bitcast3A_1140 = vector.bitcast %or3A_1139 : vector<16xi32> to vector<16xf32>
      %broadcast_in_dim3A_1141 = arith.constant 12 : i32
      %broadcast_in_dim3A_1142 = vector.broadcast %broadcast_in_dim3A_1141 : i32 to vector<16xi32>
      %or3A_1143 = arith.ori %select_n3A_1132, %broadcast_in_dim3A_1142 : vector<16xi32>
      %bitcast3A_1144 = vector.bitcast %or3A_1143 : vector<16xi32> to vector<16xf32>
      %add3A_1145 = arith.constant 1 : i32
      %add3A_1146 = arith.addi %select_n3A_76, %add3A_1145 : i32
      %jit3A_1147 = arith.constant 2 : i32
      %div3A_1148 = arith.divsi %add3A_1146, %jit3A_1147 : i32
      %sign3A_1149 = arith.constant 0 : i32
      %sign3A_1150 = arith.cmpi sgt, %add3A_1146, %sign3A_1149 : i32
      %sign3A_1151 = arith.extui %sign3A_1150 : i1 to i32
      %sign3A_1152 = arith.constant 0 : i32
      %sign3A_1153 = arith.cmpi slt, %add3A_1146, %sign3A_1152 : i32
      %sign3A_1154 = arith.extui %sign3A_1153 : i1 to i32
      %sign3A_1155 = arith.subi %sign3A_1151, %sign3A_1154 : i32
      %sign3A_1156 = arith.constant 0 : i32
      %sign3A_1157 = arith.cmpi sgt, %jit3A_1147, %sign3A_1156 : i32
      %sign3A_1158 = arith.extui %sign3A_1157 : i1 to i32
      %sign3A_1159 = arith.constant 0 : i32
      %sign3A_1160 = arith.cmpi slt, %jit3A_1147, %sign3A_1159 : i32
      %sign3A_1161 = arith.extui %sign3A_1160 : i1 to i32
      %sign3A_1162 = arith.subi %sign3A_1158, %sign3A_1161 : i32
      %ne3A_1163 = arith.cmpi ne, %sign3A_1155, %sign3A_1162 : i32
      %rem3A_1164 = arith.remsi %add3A_1146, %jit3A_1147 : i32
      %ne3A_1165 = arith.constant 0 : i32
      %ne3A_1166 = arith.cmpi ne, %rem3A_1164, %ne3A_1165 : i32
      %and3A_1167 = arith.andi %ne3A_1163, %ne3A_1166 : i1
      %sub3A_1168 = arith.constant 1 : i32
      %sub3A_1169 = arith.subi %div3A_1148, %sub3A_1168 : i32
      %select_n3A_1170 = arith.select %and3A_1167, %sub3A_1169, %div3A_1148 : i32
      %while3A_1171 = arith.constant 0 : i32
      %while3A_1172 = arith.subi %select_n3A_1170, %while3A_1171 : i32
      %while3A_1173 = arith.addi %while3A_1171, %while3A_1172 : i32
      %while3A_1174 = arith.constant 1 : i32
      %while3A_1175 = arith.divsi %while3A_1172, %while3A_1174 : i32
      %while3A_1176 = arith.muli %while3A_1175, %while3A_1174 : i32
      %while3A_1177 = arith.addi %while3A_1171, %while3A_1176 : i32
      %while3A_1178 = arith.constant 1 : i32
      %while3A_1179:6 = scf.for %while3A_1355 = %while3A_1171 to %while3A_1177 step %while3A_1178 iter_args(%while3A_1356 = %broadcast_in_dim3A_149, %while3A_1357 = %broadcast_in_dim3A_149, %while3A_1358 = %broadcast_in_dim3A_149, %while3A_1359 = %broadcast_in_dim3A_149, %while3A_1360 = %broadcast_in_dim3A_149, %while3A_1361 = %broadcast_in_dim3A_149) -> (vector<16xi32>, vector<16xi32>, vector<16xi32>, vector<16xi32>, vector<16xi32>, vector<16xi32>)  : i32 {
        %mul3A_1362 = arith.constant 32 : i32
        %mul3A_1363 = arith.muli %while3A_1355, %mul3A_1362 : i32
        %get3A_1364 = arith.index_cast %mul3A_1363 : i32 to index
        %get3A_1365 = tpu.vector_load %arg5[%get3A_1364] {strides = array<i32>} : memref<4224xf32, #tpu.memory_space<vmem>>, vector<16xf32>,
        %add3A_1366 = arith.constant 16 : i32
        %add3A_1367 = arith.addi %mul3A_1363, %add3A_1366 : i32
        %get3A_1368 = arith.index_cast %add3A_1367 : i32 to index
        %get3A_1369 = tpu.vector_load %arg5[%get3A_1368] {strides = array<i32>} : memref<4224xf32, #tpu.memory_space<vmem>>, vector<16xf32>,
        %ge3A_1370 = arith.cmpf oge, %get3A_1365, %bitcast3A_1136 : vector<16xf32>
        %select_n3A_1371 = arith.select %ge3A_1370, %broadcast_in_dim3A_147, %broadcast_in_dim3A_149 : vector<16xi1>, vector<16xi32>
        %add3A_1372 = arith.addi %while3A_1356, %select_n3A_1371 : vector<16xi32>
        %ge3A_1373 = arith.cmpf oge, %get3A_1365, %bitcast3A_1140 : vector<16xf32>
        %select_n3A_1374 = arith.select %ge3A_1373, %broadcast_in_dim3A_147, %broadcast_in_dim3A_149 : vector<16xi1>, vector<16xi32>
        %add3A_1375 = arith.addi %while3A_1357, %select_n3A_1374 : vector<16xi32>
        %ge3A_1376 = arith.cmpf oge, %get3A_1365, %bitcast3A_1144 : vector<16xf32>
        %select_n3A_1377 = arith.select %ge3A_1376, %broadcast_in_dim3A_147, %broadcast_in_dim3A_149 : vector<16xi1>, vector<16xi32>
        %add3A_1378 = arith.addi %while3A_1358, %select_n3A_1377 : vector<16xi32>
        %ge3A_1379 = arith.cmpf oge, %get3A_1369, %bitcast3A_1136 : vector<16xf32>
        %select_n3A_1380 = arith.select %ge3A_1379, %broadcast_in_dim3A_147, %broadcast_in_dim3A_149 : vector<16xi1>, vector<16xi32>
        %add3A_1381 = arith.addi %while3A_1359, %select_n3A_1380 : vector<16xi32>
        %ge3A_1382 = arith.cmpf oge, %get3A_1369, %bitcast3A_1140 : vector<16xf32>
        %select_n3A_1383 = arith.select %ge3A_1382, %broadcast_in_dim3A_147, %broadcast_in_dim3A_149 : vector<16xi1>, vector<16xi32>
        %add3A_1384 = arith.addi %while3A_1360, %select_n3A_1383 : vector<16xi32>
        %ge3A_1385 = arith.cmpf oge, %get3A_1369, %bitcast3A_1144 : vector<16xf32>
        %select_n3A_1386 = arith.select %ge3A_1385, %broadcast_in_dim3A_147, %broadcast_in_dim3A_149 : vector<16xi1>, vector<16xi32>
        %add3A_1387 = arith.addi %while3A_1361, %select_n3A_1386 : vector<16xi32>
        scf.yield %add3A_1372, %add3A_1375, %add3A_1378, %add3A_1381, %add3A_1384, %add3A_1387 : vector<16xi32>, vector<16xi32>, vector<16xi32>, vector<16xi32>, vector<16xi32>, vector<16xi32>
      }
      %while3A_1180 = arith.constant 1 : i32
      %while3A_1181:6 = scf.for %while3A_1355 = %while3A_1177 to %while3A_1173 step %while3A_1180 iter_args(%while3A_1356 = %while3A_1179#0, %while3A_1357 = %while3A_1179#1, %while3A_1358 = %while3A_1179#2, %while3A_1359 = %while3A_1179#3, %while3A_1360 = %while3A_1179#4, %while3A_1361 = %while3A_1179#5) -> (vector<16xi32>, vector<16xi32>, vector<16xi32>, vector<16xi32>, vector<16xi32>, vector<16xi32>)  : i32 {
        %mul3A_1362 = arith.constant 32 : i32
        %mul3A_1363 = arith.muli %while3A_1355, %mul3A_1362 : i32
        %get3A_1364 = arith.index_cast %mul3A_1363 : i32 to index
        %get3A_1365 = tpu.vector_load %arg5[%get3A_1364] {strides = array<i32>} : memref<4224xf32, #tpu.memory_space<vmem>>, vector<16xf32>,
        %add3A_1366 = arith.constant 16 : i32
        %add3A_1367 = arith.addi %mul3A_1363, %add3A_1366 : i32
        %get3A_1368 = arith.index_cast %add3A_1367 : i32 to index
        %get3A_1369 = tpu.vector_load %arg5[%get3A_1368] {strides = array<i32>} : memref<4224xf32, #tpu.memory_space<vmem>>, vector<16xf32>,
        %ge3A_1370 = arith.cmpf oge, %get3A_1365, %bitcast3A_1136 : vector<16xf32>
        %select_n3A_1371 = arith.select %ge3A_1370, %broadcast_in_dim3A_147, %broadcast_in_dim3A_149 : vector<16xi1>, vector<16xi32>
        %add3A_1372 = arith.addi %while3A_1356, %select_n3A_1371 : vector<16xi32>
        %ge3A_1373 = arith.cmpf oge, %get3A_1365, %bitcast3A_1140 : vector<16xf32>
        %select_n3A_1374 = arith.select %ge3A_1373, %broadcast_in_dim3A_147, %broadcast_in_dim3A_149 : vector<16xi1>, vector<16xi32>
        %add3A_1375 = arith.addi %while3A_1357, %select_n3A_1374 : vector<16xi32>
        %ge3A_1376 = arith.cmpf oge, %get3A_1365, %bitcast3A_1144 : vector<16xf32>
        %select_n3A_1377 = arith.select %ge3A_1376, %broadcast_in_dim3A_147, %broadcast_in_dim3A_149 : vector<16xi1>, vector<16xi32>
        %add3A_1378 = arith.addi %while3A_1358, %select_n3A_1377 : vector<16xi32>
        %ge3A_1379 = arith.cmpf oge, %get3A_1369, %bitcast3A_1136 : vector<16xf32>
        %select_n3A_1380 = arith.select %ge3A_1379, %broadcast_in_dim3A_147, %broadcast_in_dim3A_149 : vector<16xi1>, vector<16xi32>
        %add3A_1381 = arith.addi %while3A_1359, %select_n3A_1380 : vector<16xi32>
        %ge3A_1382 = arith.cmpf oge, %get3A_1369, %bitcast3A_1140 : vector<16xf32>
        %select_n3A_1383 = arith.select %ge3A_1382, %broadcast_in_dim3A_147, %broadcast_in_dim3A_149 : vector<16xi1>, vector<16xi32>
        %add3A_1384 = arith.addi %while3A_1360, %select_n3A_1383 : vector<16xi32>
        %ge3A_1385 = arith.cmpf oge, %get3A_1369, %bitcast3A_1144 : vector<16xf32>
        %select_n3A_1386 = arith.select %ge3A_1385, %broadcast_in_dim3A_147, %broadcast_in_dim3A_149 : vector<16xi1>, vector<16xi32>
        %add3A_1387 = arith.addi %while3A_1361, %select_n3A_1386 : vector<16xi32>
        scf.yield %add3A_1372, %add3A_1375, %add3A_1378, %add3A_1381, %add3A_1384, %add3A_1387 : vector<16xi32>, vector<16xi32>, vector<16xi32>, vector<16xi32>, vector<16xi32>, vector<16xi32>
      }
      %add3A_1182 = arith.addi %while3A_1181#0, %while3A_1181#3 : vector<16xi32>
      %reduce_sum3A_1183 = arith.constant true
      %reduce_sum3A_1184 = vector.broadcast %reduce_sum3A_1183 : i1 to vector<16xi1>
      %reduce_sum3A_1185 = tpu.scan <sum>, %add3A_1182 masked %reduce_sum3A_1184 : vector<16xi32>, vector<16xi1> -> vector<16xi32>
      %reduce_sum3A_1186 = vector.extract %reduce_sum3A_1185[15] : i32 from vector<16xi32>
      %broadcast_in_dim3A_1187 = vector.broadcast %reduce_sum3A_1186 : i32 to vector<16xi32>
      %add3A_1188 = arith.addi %while3A_1181#1, %while3A_1181#4 : vector<16xi32>
      %reduce_sum3A_1189 = arith.constant true
      %reduce_sum3A_1190 = vector.broadcast %reduce_sum3A_1189 : i1 to vector<16xi1>
      %reduce_sum3A_1191 = tpu.scan <sum>, %add3A_1188 masked %reduce_sum3A_1190 : vector<16xi32>, vector<16xi1> -> vector<16xi32>
      %reduce_sum3A_1192 = vector.extract %reduce_sum3A_1191[15] : i32 from vector<16xi32>
      %broadcast_in_dim3A_1193 = vector.broadcast %reduce_sum3A_1192 : i32 to vector<16xi32>
      %add3A_1194 = arith.addi %while3A_1181#2, %while3A_1181#5 : vector<16xi32>
      %reduce_sum3A_1195 = arith.constant true
      %reduce_sum3A_1196 = vector.broadcast %reduce_sum3A_1195 : i1 to vector<16xi1>
      %reduce_sum3A_1197 = tpu.scan <sum>, %add3A_1194 masked %reduce_sum3A_1196 : vector<16xi32>, vector<16xi1> -> vector<16xi32>
      %reduce_sum3A_1198 = vector.extract %reduce_sum3A_1197[15] : i32 from vector<16xi32>
      %broadcast_in_dim3A_1199 = vector.broadcast %reduce_sum3A_1198 : i32 to vector<16xi32>
      %ge3A_1200 = arith.cmpi sge, %broadcast_in_dim3A_1199, %broadcast_in_dim3A_145 : vector<16xi32>
      %bitcast3A_1201 = vector.bitcast %bitcast3A_1144 : vector<16xf32> to vector<16xi32>
      %ge3A_1202 = arith.cmpi sge, %broadcast_in_dim3A_1193, %broadcast_in_dim3A_145 : vector<16xi32>
      %bitcast3A_1203 = vector.bitcast %bitcast3A_1140 : vector<16xf32> to vector<16xi32>
      %ge3A_1204 = arith.cmpi sge, %broadcast_in_dim3A_1187, %broadcast_in_dim3A_145 : vector<16xi32>
      %bitcast3A_1205 = vector.bitcast %bitcast3A_1136 : vector<16xf32> to vector<16xi32>
      %select_n3A_1206 = arith.select %ge3A_1204, %bitcast3A_1205, %select_n3A_1132 : vector<16xi1>, vector<16xi32>
      %select_n3A_1207 = arith.select %ge3A_1202, %bitcast3A_1203, %select_n3A_1206 : vector<16xi1>, vector<16xi32>
      %select_n3A_1208 = arith.select %ge3A_1200, %bitcast3A_1201, %select_n3A_1207 : vector<16xi1>, vector<16xi32>
      %broadcast_in_dim3A_1209 = arith.constant 1 : i32
      %broadcast_in_dim3A_1210 = vector.broadcast %broadcast_in_dim3A_1209 : i32 to vector<16xi32>
      %or3A_1211 = arith.ori %select_n3A_1208, %broadcast_in_dim3A_1210 : vector<16xi32>
      %bitcast3A_1212 = vector.bitcast %or3A_1211 : vector<16xi32> to vector<16xf32>
      %broadcast_in_dim3A_1213 = arith.constant 2 : i32
      %broadcast_in_dim3A_1214 = vector.broadcast %broadcast_in_dim3A_1213 : i32 to vector<16xi32>
      %or3A_1215 = arith.ori %select_n3A_1208, %broadcast_in_dim3A_1214 : vector<16xi32>
      %bitcast3A_1216 = vector.bitcast %or3A_1215 : vector<16xi32> to vector<16xf32>
      %broadcast_in_dim3A_1217 = arith.constant 3 : i32
      %broadcast_in_dim3A_1218 = vector.broadcast %broadcast_in_dim3A_1217 : i32 to vector<16xi32>
      %or3A_1219 = arith.ori %select_n3A_1208, %broadcast_in_dim3A_1218 : vector<16xi32>
      %bitcast3A_1220 = vector.bitcast %or3A_1219 : vector<16xi32> to vector<16xf32>
      %add3A_1221 = arith.constant 1 : i32
      %add3A_1222 = arith.addi %select_n3A_76, %add3A_1221 : i32
      %jit3A_1223 = arith.constant 2 : i32
      %div3A_1224 = arith.divsi %add3A_1222, %jit3A_1223 : i32
      %sign3A_1225 = arith.constant 0 : i32
      %sign3A_1226 = arith.cmpi sgt, %add3A_1222, %sign3A_1225 : i32
      %sign3A_1227 = arith.extui %sign3A_1226 : i1 to i32
      %sign3A_1228 = arith.constant 0 : i32
      %sign3A_1229 = arith.cmpi slt, %add3A_1222, %sign3A_1228 : i32
      %sign3A_1230 = arith.extui %sign3A_1229 : i1 to i32
      %sign3A_1231 = arith.subi %sign3A_1227, %sign3A_1230 : i32
      %sign3A_1232 = arith.constant 0 : i32
      %sign3A_1233 = arith.cmpi sgt, %jit3A_1223, %sign3A_1232 : i32
      %sign3A_1234 = arith.extui %sign3A_1233 : i1 to i32
      %sign3A_1235 = arith.constant 0 : i32
      %sign3A_1236 = arith.cmpi slt, %jit3A_1223, %sign3A_1235 : i32
      %sign3A_1237 = arith.extui %sign3A_1236 : i1 to i32
      %sign3A_1238 = arith.subi %sign3A_1234, %sign3A_1237 : i32
      %ne3A_1239 = arith.cmpi ne, %sign3A_1231, %sign3A_1238 : i32
      %rem3A_1240 = arith.remsi %add3A_1222, %jit3A_1223 : i32
      %ne3A_1241 = arith.constant 0 : i32
      %ne3A_1242 = arith.cmpi ne, %rem3A_1240, %ne3A_1241 : i32
      %and3A_1243 = arith.andi %ne3A_1239, %ne3A_1242 : i1
      %sub3A_1244 = arith.constant 1 : i32
      %sub3A_1245 = arith.subi %div3A_1224, %sub3A_1244 : i32
      %select_n3A_1246 = arith.select %and3A_1243, %sub3A_1245, %div3A_1224 : i32
      %while3A_1247 = arith.constant 0 : i32
      %while3A_1248 = arith.subi %select_n3A_1246, %while3A_1247 : i32
      %while3A_1249 = arith.addi %while3A_1247, %while3A_1248 : i32
      %while3A_1250 = arith.constant 1 : i32
      %while3A_1251 = arith.divsi %while3A_1248, %while3A_1250 : i32
      %while3A_1252 = arith.muli %while3A_1251, %while3A_1250 : i32
      %while3A_1253 = arith.addi %while3A_1247, %while3A_1252 : i32
      %while3A_1254 = arith.constant 1 : i32
      %while3A_1255:6 = scf.for %while3A_1355 = %while3A_1247 to %while3A_1253 step %while3A_1254 iter_args(%while3A_1356 = %broadcast_in_dim3A_149, %while3A_1357 = %broadcast_in_dim3A_149, %while3A_1358 = %broadcast_in_dim3A_149, %while3A_1359 = %broadcast_in_dim3A_149, %while3A_1360 = %broadcast_in_dim3A_149, %while3A_1361 = %broadcast_in_dim3A_149) -> (vector<16xi32>, vector<16xi32>, vector<16xi32>, vector<16xi32>, vector<16xi32>, vector<16xi32>)  : i32 {
        %mul3A_1362 = arith.constant 32 : i32
        %mul3A_1363 = arith.muli %while3A_1355, %mul3A_1362 : i32
        %get3A_1364 = arith.index_cast %mul3A_1363 : i32 to index
        %get3A_1365 = tpu.vector_load %arg5[%get3A_1364] {strides = array<i32>} : memref<4224xf32, #tpu.memory_space<vmem>>, vector<16xf32>,
        %add3A_1366 = arith.constant 16 : i32
        %add3A_1367 = arith.addi %mul3A_1363, %add3A_1366 : i32
        %get3A_1368 = arith.index_cast %add3A_1367 : i32 to index
        %get3A_1369 = tpu.vector_load %arg5[%get3A_1368] {strides = array<i32>} : memref<4224xf32, #tpu.memory_space<vmem>>, vector<16xf32>,
        %ge3A_1370 = arith.cmpf oge, %get3A_1365, %bitcast3A_1212 : vector<16xf32>
        %select_n3A_1371 = arith.select %ge3A_1370, %broadcast_in_dim3A_147, %broadcast_in_dim3A_149 : vector<16xi1>, vector<16xi32>
        %add3A_1372 = arith.addi %while3A_1356, %select_n3A_1371 : vector<16xi32>
        %ge3A_1373 = arith.cmpf oge, %get3A_1365, %bitcast3A_1216 : vector<16xf32>
        %select_n3A_1374 = arith.select %ge3A_1373, %broadcast_in_dim3A_147, %broadcast_in_dim3A_149 : vector<16xi1>, vector<16xi32>
        %add3A_1375 = arith.addi %while3A_1357, %select_n3A_1374 : vector<16xi32>
        %ge3A_1376 = arith.cmpf oge, %get3A_1365, %bitcast3A_1220 : vector<16xf32>
        %select_n3A_1377 = arith.select %ge3A_1376, %broadcast_in_dim3A_147, %broadcast_in_dim3A_149 : vector<16xi1>, vector<16xi32>
        %add3A_1378 = arith.addi %while3A_1358, %select_n3A_1377 : vector<16xi32>
        %ge3A_1379 = arith.cmpf oge, %get3A_1369, %bitcast3A_1212 : vector<16xf32>
        %select_n3A_1380 = arith.select %ge3A_1379, %broadcast_in_dim3A_147, %broadcast_in_dim3A_149 : vector<16xi1>, vector<16xi32>
        %add3A_1381 = arith.addi %while3A_1359, %select_n3A_1380 : vector<16xi32>
        %ge3A_1382 = arith.cmpf oge, %get3A_1369, %bitcast3A_1216 : vector<16xf32>
        %select_n3A_1383 = arith.select %ge3A_1382, %broadcast_in_dim3A_147, %broadcast_in_dim3A_149 : vector<16xi1>, vector<16xi32>
        %add3A_1384 = arith.addi %while3A_1360, %select_n3A_1383 : vector<16xi32>
        %ge3A_1385 = arith.cmpf oge, %get3A_1369, %bitcast3A_1220 : vector<16xf32>
        %select_n3A_1386 = arith.select %ge3A_1385, %broadcast_in_dim3A_147, %broadcast_in_dim3A_149 : vector<16xi1>, vector<16xi32>
        %add3A_1387 = arith.addi %while3A_1361, %select_n3A_1386 : vector<16xi32>
        scf.yield %add3A_1372, %add3A_1375, %add3A_1378, %add3A_1381, %add3A_1384, %add3A_1387 : vector<16xi32>, vector<16xi32>, vector<16xi32>, vector<16xi32>, vector<16xi32>, vector<16xi32>
      }
      %while3A_1256 = arith.constant 1 : i32
      %while3A_1257:6 = scf.for %while3A_1355 = %while3A_1253 to %while3A_1249 step %while3A_1256 iter_args(%while3A_1356 = %while3A_1255#0, %while3A_1357 = %while3A_1255#1, %while3A_1358 = %while3A_1255#2, %while3A_1359 = %while3A_1255#3, %while3A_1360 = %while3A_1255#4, %while3A_1361 = %while3A_1255#5) -> (vector<16xi32>, vector<16xi32>, vector<16xi32>, vector<16xi32>, vector<16xi32>, vector<16xi32>)  : i32 {
        %mul3A_1362 = arith.constant 32 : i32
        %mul3A_1363 = arith.muli %while3A_1355, %mul3A_1362 : i32
        %get3A_1364 = arith.index_cast %mul3A_1363 : i32 to index
        %get3A_1365 = tpu.vector_load %arg5[%get3A_1364] {strides = array<i32>} : memref<4224xf32, #tpu.memory_space<vmem>>, vector<16xf32>,
        %add3A_1366 = arith.constant 16 : i32
        %add3A_1367 = arith.addi %mul3A_1363, %add3A_1366 : i32
        %get3A_1368 = arith.index_cast %add3A_1367 : i32 to index
        %get3A_1369 = tpu.vector_load %arg5[%get3A_1368] {strides = array<i32>} : memref<4224xf32, #tpu.memory_space<vmem>>, vector<16xf32>,
        %ge3A_1370 = arith.cmpf oge, %get3A_1365, %bitcast3A_1212 : vector<16xf32>
        %select_n3A_1371 = arith.select %ge3A_1370, %broadcast_in_dim3A_147, %broadcast_in_dim3A_149 : vector<16xi1>, vector<16xi32>
        %add3A_1372 = arith.addi %while3A_1356, %select_n3A_1371 : vector<16xi32>
        %ge3A_1373 = arith.cmpf oge, %get3A_1365, %bitcast3A_1216 : vector<16xf32>
        %select_n3A_1374 = arith.select %ge3A_1373, %broadcast_in_dim3A_147, %broadcast_in_dim3A_149 : vector<16xi1>, vector<16xi32>
        %add3A_1375 = arith.addi %while3A_1357, %select_n3A_1374 : vector<16xi32>
        %ge3A_1376 = arith.cmpf oge, %get3A_1365, %bitcast3A_1220 : vector<16xf32>
        %select_n3A_1377 = arith.select %ge3A_1376, %broadcast_in_dim3A_147, %broadcast_in_dim3A_149 : vector<16xi1>, vector<16xi32>
        %add3A_1378 = arith.addi %while3A_1358, %select_n3A_1377 : vector<16xi32>
        %ge3A_1379 = arith.cmpf oge, %get3A_1369, %bitcast3A_1212 : vector<16xf32>
        %select_n3A_1380 = arith.select %ge3A_1379, %broadcast_in_dim3A_147, %broadcast_in_dim3A_149 : vector<16xi1>, vector<16xi32>
        %add3A_1381 = arith.addi %while3A_1359, %select_n3A_1380 : vector<16xi32>
        %ge3A_1382 = arith.cmpf oge, %get3A_1369, %bitcast3A_1216 : vector<16xf32>
        %select_n3A_1383 = arith.select %ge3A_1382, %broadcast_in_dim3A_147, %broadcast_in_dim3A_149 : vector<16xi1>, vector<16xi32>
        %add3A_1384 = arith.addi %while3A_1360, %select_n3A_1383 : vector<16xi32>
        %ge3A_1385 = arith.cmpf oge, %get3A_1369, %bitcast3A_1220 : vector<16xf32>
        %select_n3A_1386 = arith.select %ge3A_1385, %broadcast_in_dim3A_147, %broadcast_in_dim3A_149 : vector<16xi1>, vector<16xi32>
        %add3A_1387 = arith.addi %while3A_1361, %select_n3A_1386 : vector<16xi32>
        scf.yield %add3A_1372, %add3A_1375, %add3A_1378, %add3A_1381, %add3A_1384, %add3A_1387 : vector<16xi32>, vector<16xi32>, vector<16xi32>, vector<16xi32>, vector<16xi32>, vector<16xi32>
      }
      %add3A_1258 = arith.addi %while3A_1257#0, %while3A_1257#3 : vector<16xi32>
      %reduce_sum3A_1259 = arith.constant true
      %reduce_sum3A_1260 = vector.broadcast %reduce_sum3A_1259 : i1 to vector<16xi1>
      %reduce_sum3A_1261 = tpu.scan <sum>, %add3A_1258 masked %reduce_sum3A_1260 : vector<16xi32>, vector<16xi1> -> vector<16xi32>
      %reduce_sum3A_1262 = vector.extract %reduce_sum3A_1261[15] : i32 from vector<16xi32>
      %broadcast_in_dim3A_1263 = vector.broadcast %reduce_sum3A_1262 : i32 to vector<16xi32>
      %add3A_1264 = arith.addi %while3A_1257#1, %while3A_1257#4 : vector<16xi32>
      %reduce_sum3A_1265 = arith.constant true
      %reduce_sum3A_1266 = vector.broadcast %reduce_sum3A_1265 : i1 to vector<16xi1>
      %reduce_sum3A_1267 = tpu.scan <sum>, %add3A_1264 masked %reduce_sum3A_1266 : vector<16xi32>, vector<16xi1> -> vector<16xi32>
      %reduce_sum3A_1268 = vector.extract %reduce_sum3A_1267[15] : i32 from vector<16xi32>
      %broadcast_in_dim3A_1269 = vector.broadcast %reduce_sum3A_1268 : i32 to vector<16xi32>
      %add3A_1270 = arith.addi %while3A_1257#2, %while3A_1257#5 : vector<16xi32>
      %reduce_sum3A_1271 = arith.constant true
      %reduce_sum3A_1272 = vector.broadcast %reduce_sum3A_1271 : i1 to vector<16xi1>
      %reduce_sum3A_1273 = tpu.scan <sum>, %add3A_1270 masked %reduce_sum3A_1272 : vector<16xi32>, vector<16xi1> -> vector<16xi32>
      %reduce_sum3A_1274 = vector.extract %reduce_sum3A_1273[15] : i32 from vector<16xi32>
      %broadcast_in_dim3A_1275 = vector.broadcast %reduce_sum3A_1274 : i32 to vector<16xi32>
      %ge3A_1276 = arith.cmpi sge, %broadcast_in_dim3A_1275, %broadcast_in_dim3A_145 : vector<16xi32>
      %bitcast3A_1277 = vector.bitcast %bitcast3A_1220 : vector<16xf32> to vector<16xi32>
      %ge3A_1278 = arith.cmpi sge, %broadcast_in_dim3A_1269, %broadcast_in_dim3A_145 : vector<16xi32>
      %bitcast3A_1279 = vector.bitcast %bitcast3A_1216 : vector<16xf32> to vector<16xi32>
      %ge3A_1280 = arith.cmpi sge, %broadcast_in_dim3A_1263, %broadcast_in_dim3A_145 : vector<16xi32>
      %bitcast3A_1281 = vector.bitcast %bitcast3A_1212 : vector<16xf32> to vector<16xi32>
      %select_n3A_1282 = arith.select %ge3A_1280, %bitcast3A_1281, %select_n3A_1208 : vector<16xi1>, vector<16xi32>
      %select_n3A_1283 = arith.select %ge3A_1278, %bitcast3A_1279, %select_n3A_1282 : vector<16xi1>, vector<16xi32>
      %select_n3A_1284 = arith.select %ge3A_1276, %bitcast3A_1277, %select_n3A_1283 : vector<16xi1>, vector<16xi32>
      %bitcast3A_1285 = vector.bitcast %select_n3A_1284 : vector<16xi32> to vector<16xf32>
      %broadcast_in_dim3A_1286 = arith.constant 0.000000e+00 : f32
      %broadcast_in_dim3A_1287 = vector.broadcast %broadcast_in_dim3A_1286 : f32 to vector<16xf32>
      %add3A_1288 = arith.constant 7 : i32
      %add3A_1289 = arith.addi %select_n3A_76, %add3A_1288 : i32
      %jit3A_1290 = arith.constant 8 : i32
      %div3A_1291 = arith.divsi %add3A_1289, %jit3A_1290 : i32
      %sign3A_1292 = arith.constant 0 : i32
      %sign3A_1293 = arith.cmpi sgt, %add3A_1289, %sign3A_1292 : i32
      %sign3A_1294 = arith.extui %sign3A_1293 : i1 to i32
      %sign3A_1295 = arith.constant 0 : i32
      %sign3A_1296 = arith.cmpi slt, %add3A_1289, %sign3A_1295 : i32
      %sign3A_1297 = arith.extui %sign3A_1296 : i1 to i32
      %sign3A_1298 = arith.subi %sign3A_1294, %sign3A_1297 : i32
      %sign3A_1299 = arith.constant 0 : i32
      %sign3A_1300 = arith.cmpi sgt, %jit3A_1290, %sign3A_1299 : i32
      %sign3A_1301 = arith.extui %sign3A_1300 : i1 to i32
      %sign3A_1302 = arith.constant 0 : i32
      %sign3A_1303 = arith.cmpi slt, %jit3A_1290, %sign3A_1302 : i32
      %sign3A_1304 = arith.extui %sign3A_1303 : i1 to i32
      %sign3A_1305 = arith.subi %sign3A_1301, %sign3A_1304 : i32
      %ne3A_1306 = arith.cmpi ne, %sign3A_1298, %sign3A_1305 : i32
      %rem3A_1307 = arith.remsi %add3A_1289, %jit3A_1290 : i32
      %ne3A_1308 = arith.constant 0 : i32
      %ne3A_1309 = arith.cmpi ne, %rem3A_1307, %ne3A_1308 : i32
      %and3A_1310 = arith.andi %ne3A_1306, %ne3A_1309 : i1
      %sub3A_1311 = arith.constant 1 : i32
      %sub3A_1312 = arith.subi %div3A_1291, %sub3A_1311 : i32
      %select_n3A_1313 = arith.select %and3A_1310, %sub3A_1312, %div3A_1291 : i32
      %while3A_1314 = arith.constant 0 : i32
      %while3A_1315 = arith.subi %select_n3A_1313, %while3A_1314 : i32
      %while3A_1316 = arith.addi %while3A_1314, %while3A_1315 : i32
      %while3A_1317 = arith.constant 1 : i32
      %while3A_1318 = arith.divsi %while3A_1315, %while3A_1317 : i32
      %while3A_1319 = arith.muli %while3A_1318, %while3A_1317 : i32
      %while3A_1320 = arith.addi %while3A_1314, %while3A_1319 : i32
      %while3A_1321 = arith.constant 1 : i32
      %while3A_1322:8 = scf.for %while3A_1355 = %while3A_1314 to %while3A_1320 step %while3A_1321 iter_args(%while3A_1356 = %broadcast_in_dim3A_1287, %while3A_1357 = %broadcast_in_dim3A_1287, %while3A_1358 = %broadcast_in_dim3A_1287, %while3A_1359 = %broadcast_in_dim3A_1287, %while3A_1360 = %broadcast_in_dim3A_1287, %while3A_1361 = %broadcast_in_dim3A_1287, %while3A_1362 = %broadcast_in_dim3A_1287, %while3A_1363 = %broadcast_in_dim3A_1287) -> (vector<16xf32>, vector<16xf32>, vector<16xf32>, vector<16xf32>, vector<16xf32>, vector<16xf32>, vector<16xf32>, vector<16xf32>)  : i32 {
        %mul3A_1364 = arith.constant 128 : i32
        %mul3A_1365 = arith.muli %while3A_1355, %mul3A_1364 : i32
        %add3A_1366 = arith.constant 0 : i32
        %add3A_1367 = arith.addi %mul3A_1365, %add3A_1366 : i32
        %get3A_1368 = arith.index_cast %add3A_1367 : i32 to index
        %get3A_1369 = tpu.vector_load %arg5[%get3A_1368] {strides = array<i32>} : memref<4224xf32, #tpu.memory_space<vmem>>, vector<16xf32>,
        %add3A_1370 = arith.constant 16 : i32
        %add3A_1371 = arith.addi %mul3A_1365, %add3A_1370 : i32
        %get3A_1372 = arith.index_cast %add3A_1371 : i32 to index
        %get3A_1373 = tpu.vector_load %arg5[%get3A_1372] {strides = array<i32>} : memref<4224xf32, #tpu.memory_space<vmem>>, vector<16xf32>,
        %add3A_1374 = arith.constant 32 : i32
        %add3A_1375 = arith.addi %mul3A_1365, %add3A_1374 : i32
        %get3A_1376 = arith.index_cast %add3A_1375 : i32 to index
        %get3A_1377 = tpu.vector_load %arg5[%get3A_1376] {strides = array<i32>} : memref<4224xf32, #tpu.memory_space<vmem>>, vector<16xf32>,
        %add3A_1378 = arith.constant 48 : i32
        %add3A_1379 = arith.addi %mul3A_1365, %add3A_1378 : i32
        %get3A_1380 = arith.index_cast %add3A_1379 : i32 to index
        %get3A_1381 = tpu.vector_load %arg5[%get3A_1380] {strides = array<i32>} : memref<4224xf32, #tpu.memory_space<vmem>>, vector<16xf32>,
        %add3A_1382 = arith.constant 64 : i32
        %add3A_1383 = arith.addi %mul3A_1365, %add3A_1382 : i32
        %get3A_1384 = arith.index_cast %add3A_1383 : i32 to index
        %get3A_1385 = tpu.vector_load %arg5[%get3A_1384] {strides = array<i32>} : memref<4224xf32, #tpu.memory_space<vmem>>, vector<16xf32>,
        %add3A_1386 = arith.constant 80 : i32
        %add3A_1387 = arith.addi %mul3A_1365, %add3A_1386 : i32
        %get3A_1388 = arith.index_cast %add3A_1387 : i32 to index
        %get3A_1389 = tpu.vector_load %arg5[%get3A_1388] {strides = array<i32>} : memref<4224xf32, #tpu.memory_space<vmem>>, vector<16xf32>,
        %add3A_1390 = arith.constant 96 : i32
        %add3A_1391 = arith.addi %mul3A_1365, %add3A_1390 : i32
        %get3A_1392 = arith.index_cast %add3A_1391 : i32 to index
        %get3A_1393 = tpu.vector_load %arg5[%get3A_1392] {strides = array<i32>} : memref<4224xf32, #tpu.memory_space<vmem>>, vector<16xf32>,
        %add3A_1394 = arith.constant 112 : i32
        %add3A_1395 = arith.addi %mul3A_1365, %add3A_1394 : i32
        %get3A_1396 = arith.index_cast %add3A_1395 : i32 to index
        %get3A_1397 = tpu.vector_load %arg5[%get3A_1396] {strides = array<i32>} : memref<4224xf32, #tpu.memory_space<vmem>>, vector<16xf32>,
        %gt3A = arith.cmpf ogt, %get3A_1369, %bitcast3A_1285 : vector<16xf32>
        %sub3A_1398 = arith.subf %get3A_1369, %bitcast3A_1285 : vector<16xf32>
        %select_n3A_1399 = arith.select %gt3A, %sub3A_1398, %broadcast_in_dim3A_1287 : vector<16xi1>, vector<16xf32>
        %add3A_1400 = arith.addf %while3A_1356, %select_n3A_1399 : vector<16xf32>
        %gt3A_1401 = arith.cmpf ogt, %get3A_1373, %bitcast3A_1285 : vector<16xf32>
        %sub3A_1402 = arith.subf %get3A_1373, %bitcast3A_1285 : vector<16xf32>
        %select_n3A_1403 = arith.select %gt3A_1401, %sub3A_1402, %broadcast_in_dim3A_1287 : vector<16xi1>, vector<16xf32>
        %add3A_1404 = arith.addf %while3A_1357, %select_n3A_1403 : vector<16xf32>
        %gt3A_1405 = arith.cmpf ogt, %get3A_1377, %bitcast3A_1285 : vector<16xf32>
        %sub3A_1406 = arith.subf %get3A_1377, %bitcast3A_1285 : vector<16xf32>
        %select_n3A_1407 = arith.select %gt3A_1405, %sub3A_1406, %broadcast_in_dim3A_1287 : vector<16xi1>, vector<16xf32>
        %add3A_1408 = arith.addf %while3A_1358, %select_n3A_1407 : vector<16xf32>
        %gt3A_1409 = arith.cmpf ogt, %get3A_1381, %bitcast3A_1285 : vector<16xf32>
        %sub3A_1410 = arith.subf %get3A_1381, %bitcast3A_1285 : vector<16xf32>
        %select_n3A_1411 = arith.select %gt3A_1409, %sub3A_1410, %broadcast_in_dim3A_1287 : vector<16xi1>, vector<16xf32>
        %add3A_1412 = arith.addf %while3A_1359, %select_n3A_1411 : vector<16xf32>
        %gt3A_1413 = arith.cmpf ogt, %get3A_1385, %bitcast3A_1285 : vector<16xf32>
        %sub3A_1414 = arith.subf %get3A_1385, %bitcast3A_1285 : vector<16xf32>
        %select_n3A_1415 = arith.select %gt3A_1413, %sub3A_1414, %broadcast_in_dim3A_1287 : vector<16xi1>, vector<16xf32>
        %add3A_1416 = arith.addf %while3A_1360, %select_n3A_1415 : vector<16xf32>
        %gt3A_1417 = arith.cmpf ogt, %get3A_1389, %bitcast3A_1285 : vector<16xf32>
        %sub3A_1418 = arith.subf %get3A_1389, %bitcast3A_1285 : vector<16xf32>
        %select_n3A_1419 = arith.select %gt3A_1417, %sub3A_1418, %broadcast_in_dim3A_1287 : vector<16xi1>, vector<16xf32>
        %add3A_1420 = arith.addf %while3A_1361, %select_n3A_1419 : vector<16xf32>
        %gt3A_1421 = arith.cmpf ogt, %get3A_1393, %bitcast3A_1285 : vector<16xf32>
        %sub3A_1422 = arith.subf %get3A_1393, %bitcast3A_1285 : vector<16xf32>
        %select_n3A_1423 = arith.select %gt3A_1421, %sub3A_1422, %broadcast_in_dim3A_1287 : vector<16xi1>, vector<16xf32>
        %add3A_1424 = arith.addf %while3A_1362, %select_n3A_1423 : vector<16xf32>
        %gt3A_1425 = arith.cmpf ogt, %get3A_1397, %bitcast3A_1285 : vector<16xf32>
        %sub3A_1426 = arith.subf %get3A_1397, %bitcast3A_1285 : vector<16xf32>
        %select_n3A_1427 = arith.select %gt3A_1425, %sub3A_1426, %broadcast_in_dim3A_1287 : vector<16xi1>, vector<16xf32>
        %add3A_1428 = arith.addf %while3A_1363, %select_n3A_1427 : vector<16xf32>
        scf.yield %add3A_1400, %add3A_1404, %add3A_1408, %add3A_1412, %add3A_1416, %add3A_1420, %add3A_1424, %add3A_1428 : vector<16xf32>, vector<16xf32>, vector<16xf32>, vector<16xf32>, vector<16xf32>, vector<16xf32>, vector<16xf32>, vector<16xf32>
      }
      %while3A_1323 = arith.constant 1 : i32
      %while3A_1324:8 = scf.for %while3A_1355 = %while3A_1320 to %while3A_1316 step %while3A_1323 iter_args(%while3A_1356 = %while3A_1322#0, %while3A_1357 = %while3A_1322#1, %while3A_1358 = %while3A_1322#2, %while3A_1359 = %while3A_1322#3, %while3A_1360 = %while3A_1322#4, %while3A_1361 = %while3A_1322#5, %while3A_1362 = %while3A_1322#6, %while3A_1363 = %while3A_1322#7) -> (vector<16xf32>, vector<16xf32>, vector<16xf32>, vector<16xf32>, vector<16xf32>, vector<16xf32>, vector<16xf32>, vector<16xf32>)  : i32 {
        %mul3A_1364 = arith.constant 128 : i32
        %mul3A_1365 = arith.muli %while3A_1355, %mul3A_1364 : i32
        %add3A_1366 = arith.constant 0 : i32
        %add3A_1367 = arith.addi %mul3A_1365, %add3A_1366 : i32
        %get3A_1368 = arith.index_cast %add3A_1367 : i32 to index
        %get3A_1369 = tpu.vector_load %arg5[%get3A_1368] {strides = array<i32>} : memref<4224xf32, #tpu.memory_space<vmem>>, vector<16xf32>,
        %add3A_1370 = arith.constant 16 : i32
        %add3A_1371 = arith.addi %mul3A_1365, %add3A_1370 : i32
        %get3A_1372 = arith.index_cast %add3A_1371 : i32 to index
        %get3A_1373 = tpu.vector_load %arg5[%get3A_1372] {strides = array<i32>} : memref<4224xf32, #tpu.memory_space<vmem>>, vector<16xf32>,
        %add3A_1374 = arith.constant 32 : i32
        %add3A_1375 = arith.addi %mul3A_1365, %add3A_1374 : i32
        %get3A_1376 = arith.index_cast %add3A_1375 : i32 to index
        %get3A_1377 = tpu.vector_load %arg5[%get3A_1376] {strides = array<i32>} : memref<4224xf32, #tpu.memory_space<vmem>>, vector<16xf32>,
        %add3A_1378 = arith.constant 48 : i32
        %add3A_1379 = arith.addi %mul3A_1365, %add3A_1378 : i32
        %get3A_1380 = arith.index_cast %add3A_1379 : i32 to index
        %get3A_1381 = tpu.vector_load %arg5[%get3A_1380] {strides = array<i32>} : memref<4224xf32, #tpu.memory_space<vmem>>, vector<16xf32>,
        %add3A_1382 = arith.constant 64 : i32
        %add3A_1383 = arith.addi %mul3A_1365, %add3A_1382 : i32
        %get3A_1384 = arith.index_cast %add3A_1383 : i32 to index
        %get3A_1385 = tpu.vector_load %arg5[%get3A_1384] {strides = array<i32>} : memref<4224xf32, #tpu.memory_space<vmem>>, vector<16xf32>,
        %add3A_1386 = arith.constant 80 : i32
        %add3A_1387 = arith.addi %mul3A_1365, %add3A_1386 : i32
        %get3A_1388 = arith.index_cast %add3A_1387 : i32 to index
        %get3A_1389 = tpu.vector_load %arg5[%get3A_1388] {strides = array<i32>} : memref<4224xf32, #tpu.memory_space<vmem>>, vector<16xf32>,
        %add3A_1390 = arith.constant 96 : i32
        %add3A_1391 = arith.addi %mul3A_1365, %add3A_1390 : i32
        %get3A_1392 = arith.index_cast %add3A_1391 : i32 to index
        %get3A_1393 = tpu.vector_load %arg5[%get3A_1392] {strides = array<i32>} : memref<4224xf32, #tpu.memory_space<vmem>>, vector<16xf32>,
        %add3A_1394 = arith.constant 112 : i32
        %add3A_1395 = arith.addi %mul3A_1365, %add3A_1394 : i32
        %get3A_1396 = arith.index_cast %add3A_1395 : i32 to index
        %get3A_1397 = tpu.vector_load %arg5[%get3A_1396] {strides = array<i32>} : memref<4224xf32, #tpu.memory_space<vmem>>, vector<16xf32>,
        %gt3A = arith.cmpf ogt, %get3A_1369, %bitcast3A_1285 : vector<16xf32>
        %sub3A_1398 = arith.subf %get3A_1369, %bitcast3A_1285 : vector<16xf32>
        %select_n3A_1399 = arith.select %gt3A, %sub3A_1398, %broadcast_in_dim3A_1287 : vector<16xi1>, vector<16xf32>
        %add3A_1400 = arith.addf %while3A_1356, %select_n3A_1399 : vector<16xf32>
        %gt3A_1401 = arith.cmpf ogt, %get3A_1373, %bitcast3A_1285 : vector<16xf32>
        %sub3A_1402 = arith.subf %get3A_1373, %bitcast3A_1285 : vector<16xf32>
        %select_n3A_1403 = arith.select %gt3A_1401, %sub3A_1402, %broadcast_in_dim3A_1287 : vector<16xi1>, vector<16xf32>
        %add3A_1404 = arith.addf %while3A_1357, %select_n3A_1403 : vector<16xf32>
        %gt3A_1405 = arith.cmpf ogt, %get3A_1377, %bitcast3A_1285 : vector<16xf32>
        %sub3A_1406 = arith.subf %get3A_1377, %bitcast3A_1285 : vector<16xf32>
        %select_n3A_1407 = arith.select %gt3A_1405, %sub3A_1406, %broadcast_in_dim3A_1287 : vector<16xi1>, vector<16xf32>
        %add3A_1408 = arith.addf %while3A_1358, %select_n3A_1407 : vector<16xf32>
        %gt3A_1409 = arith.cmpf ogt, %get3A_1381, %bitcast3A_1285 : vector<16xf32>
        %sub3A_1410 = arith.subf %get3A_1381, %bitcast3A_1285 : vector<16xf32>
        %select_n3A_1411 = arith.select %gt3A_1409, %sub3A_1410, %broadcast_in_dim3A_1287 : vector<16xi1>, vector<16xf32>
        %add3A_1412 = arith.addf %while3A_1359, %select_n3A_1411 : vector<16xf32>
        %gt3A_1413 = arith.cmpf ogt, %get3A_1385, %bitcast3A_1285 : vector<16xf32>
        %sub3A_1414 = arith.subf %get3A_1385, %bitcast3A_1285 : vector<16xf32>
        %select_n3A_1415 = arith.select %gt3A_1413, %sub3A_1414, %broadcast_in_dim3A_1287 : vector<16xi1>, vector<16xf32>
        %add3A_1416 = arith.addf %while3A_1360, %select_n3A_1415 : vector<16xf32>
        %gt3A_1417 = arith.cmpf ogt, %get3A_1389, %bitcast3A_1285 : vector<16xf32>
        %sub3A_1418 = arith.subf %get3A_1389, %bitcast3A_1285 : vector<16xf32>
        %select_n3A_1419 = arith.select %gt3A_1417, %sub3A_1418, %broadcast_in_dim3A_1287 : vector<16xi1>, vector<16xf32>
        %add3A_1420 = arith.addf %while3A_1361, %select_n3A_1419 : vector<16xf32>
        %gt3A_1421 = arith.cmpf ogt, %get3A_1393, %bitcast3A_1285 : vector<16xf32>
        %sub3A_1422 = arith.subf %get3A_1393, %bitcast3A_1285 : vector<16xf32>
        %select_n3A_1423 = arith.select %gt3A_1421, %sub3A_1422, %broadcast_in_dim3A_1287 : vector<16xi1>, vector<16xf32>
        %add3A_1424 = arith.addf %while3A_1362, %select_n3A_1423 : vector<16xf32>
        %gt3A_1425 = arith.cmpf ogt, %get3A_1397, %bitcast3A_1285 : vector<16xf32>
        %sub3A_1426 = arith.subf %get3A_1397, %bitcast3A_1285 : vector<16xf32>
        %select_n3A_1427 = arith.select %gt3A_1425, %sub3A_1426, %broadcast_in_dim3A_1287 : vector<16xi1>, vector<16xf32>
        %add3A_1428 = arith.addf %while3A_1363, %select_n3A_1427 : vector<16xf32>
        scf.yield %add3A_1400, %add3A_1404, %add3A_1408, %add3A_1412, %add3A_1416, %add3A_1420, %add3A_1424, %add3A_1428 : vector<16xf32>, vector<16xf32>, vector<16xf32>, vector<16xf32>, vector<16xf32>, vector<16xf32>, vector<16xf32>, vector<16xf32>
      }
      %add3A_1325 = arith.addf %while3A_1324#0, %while3A_1324#1 : vector<16xf32>
      %add3A_1326 = arith.addf %add3A_1325, %while3A_1324#2 : vector<16xf32>
      %add3A_1327 = arith.addf %add3A_1326, %while3A_1324#3 : vector<16xf32>
      %add3A_1328 = arith.addf %add3A_1327, %while3A_1324#4 : vector<16xf32>
      %add3A_1329 = arith.addf %add3A_1328, %while3A_1324#5 : vector<16xf32>
      %add3A_1330 = arith.addf %add3A_1329, %while3A_1324#6 : vector<16xf32>
      %add3A_1331 = arith.addf %add3A_1330, %while3A_1324#7 : vector<16xf32>
      %reduce_sum3A_1332 = arith.constant true
      %reduce_sum3A_1333 = vector.broadcast %reduce_sum3A_1332 : i1 to vector<16xi1>
      %reduce_sum3A_1334 = tpu.scan <sum>, %add3A_1331 masked %reduce_sum3A_1333 : vector<16xf32>, vector<16xi1> -> vector<16xf32>
      %reduce_sum3A_1335 = vector.extract %reduce_sum3A_1334[15] : f32 from vector<16xf32>
      %convert_element_type3A_1336 = arith.sitofp %broadcast_in_dim3A_145 : vector<16xi32> to vector<16xf32>
      %broadcast_in_dim3A_1337 = vector.broadcast %reduce_sum3A_1335 : f32 to vector<16xf32>
      %mul3A_1338 = arith.mulf %convert_element_type3A_1336, %bitcast3A_1285 : vector<16xf32>
      %add3A_1339 = arith.addf %mul3A_1338, %broadcast_in_dim3A_1337 : vector<16xf32>
      %div3A_1340 = arith.divf %add3A_1339, %convert_element_type3A_1336 : vector<16xf32>
      %swap3A_1341 = arith.constant 0 : index
      %swap3A_1342 = tpu.vector_load %arg7[%swap3A_1341] {strides = array<i32>} : memref<16xf32, #tpu.memory_space<vmem>>, vector<16xf32>,
      tpu.vector_store %arg7[%swap3A_1341], %div3A_1340 {strides = array<i32>} : memref<16xf32, #tpu.memory_space<vmem>>, vector<16xf32>,
      %dma_start3A_1343 = arith.constant 0 : i32
      %dma_start3A_1344 = tpu.memref_slice %arg4[%arg1, %dma_start3A_1343] : memref<16x16xf32, #tpu.memory_space<hbm>> -> memref<1x16xf32, #tpu.memory_space<hbm>>
      %dma_start3A_1345 = tpu.memref_squeeze %dma_start3A_1344 : memref<1x16xf32, #tpu.memory_space<hbm>> -> memref<16xf32, #tpu.memory_space<hbm>>
      %dma_start3A_1346 = arith.constant 0 : i32
      %dma_start3A_1347 = tpu.memref_slice %arg4[%arg1, %dma_start3A_1346] : memref<16x16xf32, #tpu.memory_space<hbm>> -> memref<1x16xf32, #tpu.memory_space<hbm>>
      %dma_start3A_1348 = tpu.memref_squeeze %dma_start3A_1347 : memref<1x16xf32, #tpu.memory_space<hbm>> -> memref<16xf32, #tpu.memory_space<hbm>>
      tpu.enqueue_dma source(%arg7 : memref<16xf32, #tpu.memory_space<vmem>>) target(%dma_start3A_1348 : memref<16xf32, #tpu.memory_space<hbm>>) target_semaphore(%arg8 : memref<!tpu.dma_semaphore, #tpu.memory_space<semaphore_mem>>)
      %dma_wait3A_1349 = arith.constant 0 : i32
      %dma_wait3A_1350 = tpu.memref_slice %arg4[%arg1, %dma_wait3A_1349] : memref<16x16xf32, #tpu.memory_space<hbm>> -> memref<1x16xf32, #tpu.memory_space<hbm>>
      %dma_wait3A_1351 = tpu.memref_squeeze %dma_wait3A_1350 : memref<1x16xf32, #tpu.memory_space<hbm>> -> memref<16xf32, #tpu.memory_space<hbm>>
      %dma_wait3A_1352 = arith.constant 0 : i32
      %dma_wait3A_1353 = tpu.memref_slice %arg4[%arg1, %dma_wait3A_1352] : memref<16x16xf32, #tpu.memory_space<hbm>> -> memref<1x16xf32, #tpu.memory_space<hbm>>
      %dma_wait3A_1354 = tpu.memref_squeeze %dma_wait3A_1353 : memref<1x16xf32, #tpu.memory_space<hbm>> -> memref<16xf32, #tpu.memory_space<hbm>>
      tpu.wait_dma2 semaphore(%arg8 : memref<!tpu.dma_semaphore, #tpu.memory_space<semaphore_mem>>) src(%arg7 : memref<16xf32, #tpu.memory_space<vmem>>) dst(%dma_wait3A_1354 : memref<16xf32, #tpu.memory_space<hbm>>)
    } else {
    }
    return
  }
}

module attributes {stable_mosaic.version = 14 : i64} {
  func.func @_mlp_body(%arg0: i32, %arg1: memref<8192x128xf32, #tpu.memory_space<vmem>>, %arg2: memref<128x512xf32, #tpu.memory_space<vmem>>, %arg3: memref<1x512xf32, #tpu.memory_space<vmem>>, %arg4: memref<512x32xf32, #tpu.memory_space<vmem>>, %arg5: memref<1x32xf32, #tpu.memory_space<vmem>>, %arg6: memref<1x32xf32, #tpu.memory_space<vmem>>, %arg7: memref<1x1xf32, #tpu.memory_space<vmem>>, %arg8: memref<64x128xf32, #tpu.memory_space<vmem>>) attributes {dimension_semantics = [#tpu.dimension_semantics<arbitrary>], iteration_bounds = array<i64: 8>, scalar_prefetch = 0 : i64, scratch_operands = 0 : i64, tpu.core_type = #tpu.core_type<tc>, window_params = [{transform_indices = @transform_0, window_bounds = array<i64: 8192, 128>}, {pipeline_mode = #tpu.pipeline_mode<synchronous>, transform_indices = @transform_1, window_bounds = array<i64: 128, 512>}, {pipeline_mode = #tpu.pipeline_mode<synchronous>, transform_indices = @transform_2, window_bounds = array<i64: 1, 512>}, {pipeline_mode = #tpu.pipeline_mode<synchronous>, transform_indices = @transform_3, window_bounds = array<i64: 512, 32>}, {pipeline_mode = #tpu.pipeline_mode<synchronous>, transform_indices = @transform_4, window_bounds = array<i64: 1, 32>}, {pipeline_mode = #tpu.pipeline_mode<synchronous>, transform_indices = @transform_5, window_bounds = array<i64: 1, 32>}, {pipeline_mode = #tpu.pipeline_mode<synchronous>, transform_indices = @transform_6, window_bounds = array<i64: 1, 1>}, {transform_indices = @transform_7, window_bounds = array<i64: 64, 128>}]} {
    %get3A = arith.constant 0 : index
    %get3A_0 = arith.constant 0 : index
    %get3A_1 = vector.load %arg1[%get3A, %get3A_0] : memref<8192x128xf32, #tpu.memory_space<vmem>>, vector<8192x128xf32>
    %convert_element_type3A = arith.truncf %get3A_1 : vector<8192x128xf32> to vector<8192x128xbf16>
    %get3A_2 = arith.constant 0 : index
    %get3A_3 = arith.constant 0 : index
    %get3A_4 = vector.load %arg2[%get3A_2, %get3A_3] : memref<128x512xf32, #tpu.memory_space<vmem>>, vector<128x512xf32>
    %convert_element_type3A_5 = arith.truncf %get3A_4 : vector<128x512xf32> to vector<128x512xbf16>
    %dot_general3A = arith.constant dense<0.000000e+00> : vector<8192x512xf32>
    %dot_general3A_6 = tpu.matmul %convert_element_type3A, %convert_element_type3A_5, %dot_general3A {dimension_numbers = #tpu.dot_dimension_numbers<[1], [0], [0], [1], [0, 0, 1, 1], [], []>, transpose_lhs_hint = false} : vector<8192x128xbf16>, vector<128x512xbf16>, vector<8192x512xf32> -> vector<8192x512xf32>
    %get3A_7 = arith.constant 0 : index
    %get3A_8 = arith.constant 0 : index
    %get3A_9 = vector.load %arg3[%get3A_7, %get3A_8] : memref<1x512xf32, #tpu.memory_space<vmem>>, vector<1x512xf32>
    %add3A = vector.broadcast %get3A_9 : vector<1x512xf32> to vector<8192x512xf32>
    %add3A_10 = arith.addf %dot_general3A_6, %add3A : vector<8192x512xf32>
    %max3A = arith.constant 0.000000e+00 : f32
    %max3A_11 = vector.broadcast %max3A : f32 to vector<8192x512xf32>
    %max3A_12 = arith.maximumf %add3A_10, %max3A_11 : vector<8192x512xf32>
    %convert_element_type3A_13 = arith.truncf %max3A_12 : vector<8192x512xf32> to vector<8192x512xbf16>
    %get3A_14 = arith.constant 0 : index
    %get3A_15 = arith.constant 0 : index
    %get3A_16 = vector.load %arg4[%get3A_14, %get3A_15] : memref<512x32xf32, #tpu.memory_space<vmem>>, vector<512x32xf32>
    %convert_element_type3A_17 = arith.truncf %get3A_16 : vector<512x32xf32> to vector<512x32xbf16>
    %dot_general3A_18 = arith.constant dense<0.000000e+00> : vector<8192x32xf32>
    %dot_general3A_19 = tpu.matmul %convert_element_type3A_13, %convert_element_type3A_17, %dot_general3A_18 {dimension_numbers = #tpu.dot_dimension_numbers<[1], [0], [0], [1], [0, 0, 1, 1], [], []>, transpose_lhs_hint = false} : vector<8192x512xbf16>, vector<512x32xbf16>, vector<8192x32xf32> -> vector<8192x32xf32>
    %get3A_20 = arith.constant 0 : index
    %get3A_21 = arith.constant 0 : index
    %get3A_22 = vector.load %arg5[%get3A_20, %get3A_21] : memref<1x32xf32, #tpu.memory_space<vmem>>, vector<1x32xf32>
    %add3A_23 = vector.broadcast %get3A_22 : vector<1x32xf32> to vector<8192x32xf32>
    %add3A_24 = arith.addf %dot_general3A_19, %add3A_23 : vector<8192x32xf32>
    %get3A_25 = arith.constant 0 : index
    %get3A_26 = arith.constant 0 : index
    %get3A_27 = vector.load %arg6[%get3A_25, %get3A_26] : memref<1x32xf32, #tpu.memory_space<vmem>>, vector<1x32xf32>
    %mul3A = vector.broadcast %get3A_27 : vector<1x32xf32> to vector<8192x32xf32>
    %mul3A_28 = arith.mulf %add3A_24, %mul3A : vector<8192x32xf32>
    %reduce_sum3A = arith.constant dense<0.000000e+00> : vector<8192xf32>
    %reduce_sum3A_29 = vector.multi_reduction <add>, %mul3A_28, %reduce_sum3A [1] : vector<8192x32xf32> to vector<8192xf32>
    %get3A_30 = arith.constant 0 : index
    %get3A_31 = arith.constant 0 : index
    %get3A_32 = vector.load %arg7[%get3A_30, %get3A_31] : memref<1x1xf32, #tpu.memory_space<vmem>>, vector<1x1xf32>
    %get3A_33 = vector.extract %get3A_32[0, 0] : f32 from vector<1x1xf32>
    %add3A_34 = vector.broadcast %get3A_33 : f32 to vector<8192xf32>
    %add3A_35 = arith.addf %reduce_sum3A_29, %add3A_34 : vector<8192xf32>
    %logistic3A = arith.negf %add3A_35 : vector<8192xf32>
    %logistic3A_36 = math.exp %logistic3A : vector<8192xf32>
    %logistic3A_37 = arith.constant 1.000000e+00 : f32
    %logistic3A_38 = vector.broadcast %logistic3A_37 : f32 to vector<8192xf32>
    %logistic3A_39 = arith.addf %logistic3A_38, %logistic3A_36 : vector<8192xf32>
    %logistic3A_40 = arith.divf %logistic3A_38, %logistic3A_39 : vector<8192xf32>
    %reshape3A = vector.shape_cast %logistic3A_40 : vector<8192xf32> to vector<64x128xf32>
    %swap3A = arith.constant 0 : index
    %swap3A_41 = arith.constant 0 : index
    %swap3A_42 = vector.load %arg8[%swap3A, %swap3A_41] : memref<64x128xf32, #tpu.memory_space<vmem>>, vector<64x128xf32>
    tpu.vector_store %arg8[%swap3A, %swap3A_41], %reshape3A {strides = array<i32>} : memref<64x128xf32, #tpu.memory_space<vmem>>, vector<64x128xf32>,
    return
  }
  func.func @transform_0(%arg0: i32) -> (i32, i32) {
    %c0_i32 = arith.constant 0 : i32
    %c0_i32_0 = arith.constant 0 : i32
    return %arg0, %c0_i32 : i32, i32
  }
  func.func @transform_1(%arg0: i32) -> (i32, i32) {
    %c0_i32 = arith.constant 0 : i32
    %c0_i32_0 = arith.constant 0 : i32
    %c0_i32_1 = arith.constant 0 : i32
    return %c0_i32, %c0_i32_0 : i32, i32
  }
  func.func @transform_2(%arg0: i32) -> (i32, i32) {
    %c0_i32 = arith.constant 0 : i32
    %c0_i32_0 = arith.constant 0 : i32
    %c0_i32_1 = arith.constant 0 : i32
    return %c0_i32, %c0_i32_0 : i32, i32
  }
  func.func @transform_3(%arg0: i32) -> (i32, i32) {
    %c0_i32 = arith.constant 0 : i32
    %c0_i32_0 = arith.constant 0 : i32
    %c0_i32_1 = arith.constant 0 : i32
    return %c0_i32, %c0_i32_0 : i32, i32
  }
  func.func @transform_4(%arg0: i32) -> (i32, i32) {
    %c0_i32 = arith.constant 0 : i32
    %c0_i32_0 = arith.constant 0 : i32
    %c0_i32_1 = arith.constant 0 : i32
    return %c0_i32, %c0_i32_0 : i32, i32
  }
  func.func @transform_5(%arg0: i32) -> (i32, i32) {
    %c0_i32 = arith.constant 0 : i32
    %c0_i32_0 = arith.constant 0 : i32
    %c0_i32_1 = arith.constant 0 : i32
    return %c0_i32, %c0_i32_0 : i32, i32
  }
  func.func @transform_6(%arg0: i32) -> (i32, i32) {
    %c0_i32 = arith.constant 0 : i32
    %c0_i32_0 = arith.constant 0 : i32
    %c0_i32_1 = arith.constant 0 : i32
    return %c0_i32, %c0_i32_0 : i32, i32
  }
  func.func @transform_7(%arg0: i32) -> (i32, i32) {
    %c0_i32 = arith.constant 0 : i32
    %c0_i32_0 = arith.constant 0 : i32
    return %arg0, %c0_i32 : i32, i32
  }
}

</mosaic_0001>

<sc_bundles>
// kernel: kernel.4.cloned.1.call-start
scs
__scs_entry_jumppad:
0x0: {  	(pc) =	sbr.rel $0x88, $3  }
0x1: {  	(tag) =	ssettag $0x0;
	lr =	simm.s32 $0x1  }
0x2: {  	[smem:$0x3F99] =	sst lr;
	_ =	strace $0xD0000000  }
0x3: {  	_ = 	snop  }
0x4: {  	_ = 	snop  }
0x5: {  	_ = 	snop  }
0x6: {  	_ = 	snop  }
0x7: {  	_ = 	snop  }
__scs_overlays_trampoline_lowered:
0x8: {  	[smem:$0x3FA8] =	sst s0  }
0x9: {  	[smem:$0x3FA9] =	sst s1  }
0xa: {  	[smem:$0x3FAA] =	sst s2  }
0xb: {  	[smem:$0x3FAB] =	sst s3  }
0xc: {  	[smem:$0x3FAC] =	sst s4  }
0xd: {  	[smem:$0x3FAD] =	sst s5  }
0xe: {  	[smem:$0x3FAE] =	sst s6  }
0xf: {  	[smem:$0x3FAF] =	sst s7  }
0x10: {  	[smem:$0x3FB0] =	sst s8  }
0x11: {  	[smem:$0x3FB1] =	sst s9;
	s0 =	simm.s32 @!p0 $0x0  }
0x12: {  	s1 =	sld [smem:$0x3F97];
	s0 =	simm.s32 @p0 $0x1  }
0x13: {  	[smem:$0x3FB2] =	sst s0;
	s0 =	simm.s32 @!p1 $0x0  }
0x14: {  	s2 =	sld [smem:$0x3F96];
	s0 =	simm.s32 @p1 $0x1  }
0x15: {  	[smem:$0x3FB3] =	sst s0;
	s0 =	simm.s32 @!p2 $0x0  }
0x16: {  	s3 =	sld [smem:$0x3FDB];
	s0 =	simm.s32 @p2 $0x1  }
0x17: {  	s4 =	simm.s32 $0x1BF5;
	[smem:$0x3FB5] =	sst s0  }
0x18: {  	s0 =	sld [smem:$0x3F98];
	_ =	swait.ge [sflag:s4], $0x0  }
0x19: {  	s7 =	sld [smem:$0x3F99]  }
0x1a: {  	s8 =	sadd.s32 $0xFFFFE003, lr  }
0x1b: {  	s9 =	sadd.s32 $0xFFFFFEF7, lr;
	s5 =	simm.s32 $0xFFFFFFFF;
	p2 =	slt.u32 s8, $0xFFFFF086  }
0x1c: {  	p1 =	slt.u32 s9, $0xF7A;
	s5 =	simm.s32 @!p2 $0x0  }
0x1d: {  	s5 =	simm.s32 @p1 $0x1;
	p0 =	seq.s32 s7, s2  }
0x1e: {  	s7 =	smul.u32 @!p0 $0xF7A, s2;
	p2 =	seq.s32 @!p0 s5, $0x0  }
0x1f: {  	s9 =	smul.u32 $0xF7A, s1;
	s8 =	simm.s32 @!p0 $0x1BF5;
	p2 =	por !p2, p0  }
0x20: {  	[sflag:s8] =	ssyncset.s32 @!p0 $0xFFFFF086;
	s6 =	sadd.s32 @!p0 s3, s7;
	s7 =	simm.s32 @!p0 $0x108  }
0x21: {  	s3 =	sadd.s32 s3, s9;
	s6 =	sadd.s32 @!p0 $0x88, s6;
	s7 =	simm.s32 @p2 $0x1082  }
0x22: {  	[simem:s7], [sflag:s8] =	dma.local @!p0 [hbm:s6], $0xF7A  }
0x23: {  	s9 =	sor.u32 $0xD0000000, s2;
	s6 =	simm.s32 $0x108;
	_ =	swait.ge @!p0 [sflag:s8], $0x0  }
0x24: {  	s3 =	sadd.s32 $0x88, s3;
	s6 =	simm.s32 @!p1 $0x1082;
	[sflag:s4] =	ssyncset.s32 $0xFFFFF086  }
0x25: {  	[simem:s6], [sflag:s4] =	dma.local [hbm:s3], $0xF7A  }
0x26: {  	[smem:$0x3F99] =	sst s1;
	(tag) =	ssettag s2;
	_ =	strace s9  }
0x27: {  	s1 =	sld [smem:$0x3FA9]  }
0x28: {  	s2 =	sld [smem:$0x3FAA]  }
0x29: {  	s4 =	sld [smem:$0x3FAC]  }
0x2a: {  	p0 =	seq.s32 s5, $0x0;
	s5 =	sld [smem:$0x3FAD]  }
0x2b: {  	s6 =	sld [smem:$0x3FAE]  }
0x2c: {  	s7 =	sld [smem:$0x3FAF]  }
0x2d: {  	s3 =	simm.s32 $0x108;
	s8 =	sld [smem:$0x3FB0]  }
0x2e: {  	s3 =	simm.s32 @!p0 $0x1082;
	s9 =	sld [smem:$0x3FB1]  }
0x2f: {  	lr =	sadd.s32 s0, s3;
	s0 =	sld [smem:$0x3FA8]  }
0x30: {  	s3 =	sld [smem:$0x3FAB]  }
0x31: {  	[smem:$0x3FB4] =	sst s10  }
0x32: {  	s10 =	sld [smem:$0x3FB2];
	_ =	sdelay $0x3  }
0x33: {  	p0 =	seq.s32 s10, $0x1;
	s10 =	sld [smem:$0x3FB4];
	_ =	sdelay $0x3  }
0x34: {  	[smem:$0x3FB4] =	sst s10  }
0x35: {  	s10 =	sld [smem:$0x3FB3];
	_ =	sdelay $0x3  }
0x36: {  	p1 =	seq.s32 s10, $0x1;
	s10 =	sld [smem:$0x3FB4];
	_ =	sdelay $0x3  }
0x37: {  	[smem:$0x3FB4] =	sst s10  }
0x38: {  	s10 =	sld [smem:$0x3FB5]  }
0x39: {  	_ = 	snop;
	(pc) =	sbr.ind lr, $3  }
0x3a: {  	_ = 	snop  }
0x3b: {  	_ = 	snop  }
0x3c: {  	p2 =	seq.s32 s10, $0x1;
	s10 =	sld [smem:$0x3FB4]  }
0x3d: {  	_ =	shalt  }
0x3e: {  	_ =	shalt  }
0x3f: {  	_ =	shalt  }
0x40: {  	_ =	shalt  }
0x41: {  	_ =	shalt  }
0x42: {  	_ =	shalt  }
0x43: {  	_ =	shalt  }
0x44: {  	_ =	shalt  }
0x45: {  	_ =	shalt  }
0x46: {  	_ =	shalt  }
0x47: {  	_ =	shalt  }
0x48: {  	_ =	shalt  }
0x49: {  	_ =	shalt  }
0x4a: {  	_ =	shalt  }
0x4b: {  	_ =	shalt  }
0x4c: {  	_ =	shalt  }
0x4d: {  	_ =	shalt  }
0x4e: {  	_ =	shalt  }
0x4f: {  	_ =	shalt  }
0x50: {  	_ =	shalt  }
0x51: {  	_ =	shalt  }
0x52: {  	_ =	shalt  }
0x53: {  	_ =	shalt  }
0x54: {  	_ =	shalt  }
0x55: {  	_ =	shalt  }
0x56: {  	_ =	shalt  }
0x57: {  	_ =	shalt  }
0x58: {  	_ =	shalt  }
0x59: {  	_ =	shalt  }
0x5a: {  	_ =	shalt  }
0x5b: {  	_ =	shalt  }
0x5c: {  	_ =	shalt  }
0x5d: {  	_ =	shalt  }
0x5e: {  	_ =	shalt  }
0x5f: {  	_ =	shalt  }
0x60: {  	_ =	shalt  }
0x61: {  	_ =	shalt  }
0x62: {  	_ =	shalt  }
0x63: {  	_ =	shalt  }
0x64: {  	_ =	shalt  }
0x65: {  	_ =	shalt  }
0x66: {  	_ =	shalt  }
0x67: {  	_ =	shalt  }
0x68: {  	_ =	shalt  }
0x69: {  	_ =	shalt  }
0x6a: {  	_ =	shalt  }
0x6b: {  	_ =	shalt  }
0x6c: {  	_ =	shalt  }
0x6d: {  	_ =	shalt  }
0x6e: {  	_ =	shalt  }
0x6f: {  	_ =	shalt  }
0x70: {  	_ =	shalt  }
0x71: {  	_ =	shalt  }
0x72: {  	_ =	shalt  }
0x73: {  	_ =	shalt  }
0x74: {  	_ =	shalt  }
0x75: {  	_ =	shalt  }
0x76: {  	_ =	shalt  }
0x77: {  	_ =	shalt  }
0x78: {  	_ =	shalt  }
0x79: {  	_ =	shalt  }
0x7a: {  	_ =	shalt  }
0x7b: {  	_ =	shalt  }
0x7c: {  	_ =	shalt  }
0x7d: {  	_ =	shalt  }
0x7e: {  	_ =	shalt  }
0x7f: {  	_ =	shalt  }
0x80: {  	_ =	shalt  }
0x81: {  	_ =	shalt  }
0x82: {  	_ =	shalt  }
0x83: {  	_ =	shalt  }
0x84: {  	_ =	shalt  }
0x85: {  	_ =	shalt  }
0x86: {  	_ =	shalt  }
0x87: {  	_ =	shalt  }
.Lfunc_end0:
.L_simem_size_0:
called_computation_lowered:
.L_overlay_start_0:
0x88: {  	s2 =	sld [smem:$0x3FD9]  }
0x89: {  	s3 =	sld [smem:$0x3FFE];
	_ =	sdelay $0x1  }
0x8a: {  	s1 =	srdreg.scid  }
0x8b: {  	s0 =	sand.u32 $0x1, s1  }
0x8c: {  	s17 =	sshll.u32 s0, $0xA;
	s2 =	sadd.s32 s3, s2  }
0x8d: {  	s2 =	sadd.s32 s2, s17  }
0x8e: {  	[smem:$0x3FC0] =	sst s2  }
0x8f: {  	_ = 	snop  }
0x90: {  	s2 =	sld [smem:$0x3FC8];
	(tm) =	ssettm $0x1  }
0x91: {  	s18 =	sld [smem:$0x3FFB];
	_ =	sdelay $0x3  }
0x92: {  	_ =	strace s18  }
0x93: {  	s3 =	sld [smem:$0x3FFC];
	_ =	sdelay $0x3  }
0x94: {  	_ =	strace s3  }
0x95: {  	s3 =	sld [smem:$0x3FFD];
	_ =	sdelay $0x3  }
0x96: {  	_ =	strace s3  }
0x97: {  	_ =	strace $0x8FFFFFFF  }
0x98: {  	s19 =	sld [smem:$0x3FDB];
	_ =	sdelay $0x1  }
0x99: {  	s4 =	simm.s32 $_scs_section_size  }
0x9a: {  	s5 =	simm.s32 $_size__tile_overlayer_lowered;
	s6 =	simm.s32 $_tile_overlayer_lowered  }
0x9b: {  	s22 =	simm.s32 $0x1BFF;
	s21 =	sshll.u32 s6, $0x1;
	s3 =	sadd.s32 s4, s19  }
0x9c: {  	s7 =	simm.s32 $0x0;
	s20 =	sshll.u32 s5, $0x1;
	s5 =	sadd.s32 s21, s3  }
0x9d: {  	[timem:s7], [sflag:s22] =	dma.local [hbm:s5], s20  }
0x9e: {  	_ =	swait.ge [sflag:s22], s20  }
0x9f: {  	s4 =	ssub.s32 $0x0, s20;
	[sflag:s22] =	ssyncset.done $0x0  }
0xa0: {  	[sflag:s22] =	ssyncadd.s32 s4;
	_ =	sdelay $0x1  }
0xa1: {  	s23 =	simm.s32 $0x1B8B  }
0xa2: {  	_ =	swait.ge [sflag:s23], $0x1  }
0xa3: {  	[sflag:s23] =	ssyncset.done $0x0  }
0xa4: {  	s25 =	simm.s32 $0x1B8E;
	s24 =	sld [smem:$0x3FFE];
	[sflag:s23] =	ssyncadd.s32 $0xFFFFFFFF  }
0xa5: {  	s26 =	simm.s32 $execute0_lowered;
	[smem:$0x3FD2] =	sst s25  }
0xa6: {  	s5 =	sshll.u32 s26, $0x1;
	_ =	strace $0x80000046;
	[dreg:$0x1] =	wrdreg $0xFFFFFFFF  }
0xa7: {  	s28 =	simm.s32 $_size_execute0_lowered;
	s3 =	sadd.s32 s3, s5;
	[dreg:$0x0] =	wrdreg $0x0  }
0xa8: {  	s5 =	sshll.u32 s28, $0x1;
	[dreg:$0x2] =	wrdreg s3  }
0xa9: {  	[dreg:$0x3] =	wrdreg s5  }
0xaa: {  	[dreg:$0x4] =	wrdreg $0xC0  }
0xab: {  	_ =	task [dreg:s7], $0x5FFFF  }
0xac: {  	[dreg:$0x1] =	wrdreg $0xFFFFFFFF  }
0xad: {  	[dreg:$0x0] =	wrdreg $0x60  }
0xae: {  	[dreg:$0x2] =	wrdreg s24  }
0xaf: {  	[dreg:$0x3] =	wrdreg s2  }
0xb0: {  	[dreg:$0x4] =	wrdreg $0x9  }
0xb1: {  	_ =	task.clear_ibuf [dreg:s7], $0x5FFFF;
	_ =	strace $0x90000046  }
0xb2: {  	s29 =	simm.s32 $0x9;
	_ =	strace $0x80000048  }
0xb3: {  	_ =	swait.ge [sflag:s29], $0x1  }
0xb4: {  	[sflag:s29] =	ssyncadd.s32 $0xFFFFFFFF  }
0xb5: {  	_ =	strace $0x90000048  }
0xb6: {  	_ =	sfence  }
0xb7: {  	s30 =	sld [smem:$0x0];
	_ =	sdelay $0x2  }
0xb8: {  	s31 =	sshll.u32 s1, $0xD;
	s1 =	sshrl.u32 s1, $0x2  }
0xb9: {  	s3 =	sand.u32 $0x4000, s31;
	s1 =	sadd.s32 s1, s30  }
0xba: {  	s0 =	sor.u32 s3, s0;
	s1 =	sshll.u32 s1, $0x11  }
0xbb: {  	s0 =	sor.u32 s1, s0  }
0xbc: {  	s0 =	sadd.s32 $0x8F2B, s0  }
0xbd: {  	[sflag:s0] =	ssyncadd.remote.s32 $0x1  }
0xbe: {  	_ =	sfence.sel $0xFFFF  }
0xbf: {  	[dreg:$0x0] =	wrdreg $0xFFFFFFFF;
	(pc) =	sbr.abs _section_cstart, $3  }
0xc0: {  	[dreg:$0x1] =	wrdreg $0xFFFFFFFF  }
0xc1: {  	_ =	task.clear_ibuf [dreg:s7], $0x2FFFF;
	_ =	strace $0x9FFFFFFF  }
0xc2: {  	(tm) =	ssettm $0x7FFFFFFF  }
0xc3: {  	_ =	shalt  }
tec
execute0_lowered:
.L_overlay_start_1:
0x0: {  	(tag) =	ssettag $0x1  }
0x1: {  	s1 =	srdreg.scid  }
0x2: {  	s1 =	sand.u32 $0x1, s1  }
0x3: {  	p0 =	seq.s32 s1, $0x1  }
.Ltmp0:
0x4: {  	_ = 	snop;
	(pc) =	sbr.rel @p0 .LBB2_68-.Ltmp0, $4  }
0x5: {  	s3 =	rddreg [dreg:$0x0]  }
0x6: {  	s4 =	rddreg [dreg:$0x1];
	s2 =	simm.s32 $0x0  }
0x7: {  	[smem:$0x7FF] =	sst s2  }
0x8: {  	s0 =	rddreg [dreg:$0x2];
	_ =	strace $0x80000047;
	s1 =	stileid.u32  }
0x9: {  	s6 =	sshrl.u32 s1, $0x3;
	s5 =	sshll.u32 s1, $0x7  }
0xa: {  	s9 =	simm.s32 $0x1080;
	s5 =	sand.u32 $0x380, s5;
	s7 =	sshll.u32 s6, $0xF  }
0xb: {  	[tilespmem:s9], [sflag:$0x2] =	stream.linear.gather [hbm4b:s4+s2], $0x80, $0x38;
	[tilespmem:$0x1180] =	vst v63  }
0xc: {  	s7 =	sor.u32 s5, s7  }
0xd: {  	s8 =	sadd.s32 $0x800, s3;
	s14 =	simm.s32 $0x80;
	s7 =	sshrl.u32 s7, $0x3  }
0xe: {  	s15 =	simm.s32 $0x400;
	s4 =	simm.s32 $0x1;
	s13 =	sadd.s32 s8, s7  }
0xf: {  	[tilespmem:s2], [sflag:$0x1] =	stream.strided.gather [hbm4b:s13+s14], $0x1000, s15, s14, $0x38;
	[tilespmem:$0x1180] =	vst v63  }
0x10: {  	_ =	swait.ge [sflag:s4], $0x1000  }
0x11: {  	[sflag:s4] =	ssyncset.done $0x0  }
0x12: {  	s16 =	simm.s32 $0x2;
	[sflag:s4] =	ssyncadd.s32 $0xFFFFF000  }
0x13: {  	_ =	swait.ge [sflag:s16], $0x80  }
0x14: {  	[sflag:s16] =	ssyncset.done $0x0  }
0x15: {  	[sflag:s16] =	ssyncadd.s32 $0xFFFFFF80  }
0x16: {  	v0 =	vld [tilespmem:$0x1080];
	_ =	sdelay $0x3  }
0x17: {  	v1 =	vmov s1;
	v2 =	vlaneseq.u32  }
0x18: {  	vm0 =	veq.s32 v1, v2;
	v0 =	vxor.u32 $0x80000000, v0  }
0x19: {  	v0 =	vnsel vm0, $0x80000000, v0  }
0x1a: {  	(xrf0) =	vmax.scan.msk.u32 $0xffff, v0;
	_ =	sdelay $0x5  }
0x1b: {  	v0, _, _ =	vpop (xrf0)  }
0x1c: {  	(v2sf) =	vpush v0, $0xF;
	_ =	sdelay $0xe  }
0x1d: {  	s17 =	spop (v2sf)  }
0x1e: {  	s18 =	sadd.s32 $0x8000000F, s17  }
0x1f: {  	s19 =	sand.u32 $0xF, s18  }
0x20: {  	s20 =	sshra.s32 s18, $0x1F;
	p0 =	slt.s32 s18, $0x1;
	p1 =	sne.s32 s19, $0x0  }
0x21: {  	s21 =	sshrl.u32 s20, $0x1C;
	p0 =	por !p0, !p1  }
0x22: {  	s8 =	simm.s32 $0x1;
	s2 =	sadd.s32 s21, s18;
	p0 =	por !p0, !p0  }
0x23: {  	s2 =	sshra.s32 s2, $0x4;
	s8 =	simm.s32 @!p0 $0x0  }
0x24: {  	s2 =	ssub.s32 s2, s8  }
0x25: {  	s22 =	sxor.u32 $0x80000000, s17;
	s7 =	sand.u32 $0xF, s17;
	s8 =	sshll.u32 s2, $0x4  }
0x26: {  	p4 =	sgt.s32 s17, $0xFFFFFFFF;
	p3 =	slt.s32 s22, $0x1;
	p5 =	sne.s32 s7, $0x0;
	v0 =	vld [tilespmem:s8+$0xFFFFFFF0]  }
0x27: {  	s24 =	sshra.s32 s22, $0x1F;
	p0 =	por p4, p3;
	s11 =	sadd.s32 $0x1, s2  }
0x28: {  	p1 =	por !p5, !p0;
	s10 =	sadd.s32 $0xFFFFFFF0, s8;
	s23 =	sand.u32 $0x1, s11  }
0x29: {  	p6 =	slt.s32 s2, $0x0;
	s25 =	sshll.u32 s2, $0x6;
	v1 =	vor.u32 s10, v2;
	p2 =	seq.s32 s23, $0x1  }
0x2a: {  	p1 =	por !p1, !p1;
	s30 =	sshrl.u32 s11, $0x1F;
	vm15 =	vlt.s32 v1, s22;
	p0 =	por !p6, !p2  }
0x2b: {  	s26 =	sshra.s32 s25, $0x2;
	s31 =	sadd.s32 s30, s11;
	p0 =	por !p0, !p0;
	v0 =	vnsel vm15, $0xBF800000, v0  }
0x2c: {  	s28 =	sshll.u32 s11, $0x6;
	v2 =	vimm.f32 $-1.000000000e+00;
	s9 =	sshra.s32 s31, $0x1;
	s4 =	simm.s32 @!p0 $0x0;
	[tilespmem:s8+$0xFFFFFFF0] =	vst v0  }
0x2d: {  	s29 =	sshra.s32 s28, $0x2;
	s10 =	simm.s32 $0x1;
	s4 =	ssub.s32 s9, s4;
	[tilespmem:s26+$0x0] =	vst v2  }
0x2e: {  	s7 =	sshrl.u32 s24, $0x1C;
	s10 =	simm.s32 @!p1 $0x0;
	p1 =	slt.s32 s4, $0x1;
	[tilespmem:s29+$0x0] =	vst v2  }
.Ltmp1:
0x2f: {  	s7 =	sadd.s32 s7, s22;
	[tilespmem:s26+$0x20] =	vst v2;
	(pc) =	sbr.rel @p1 .LBB2_5-.Ltmp1, $4  }
0x30: {  	s7 =	sshra.s32 s7, $0x4;
	[tilespmem:s26+$0x30] =	vst v2  }
0x31: {  	s7 =	ssub.s32 s7, s10;
	[tilespmem:s26+$0x40] =	vst v2  }
0x32: {  	v3 =	vimm.s32 $0x0;
	v4 =	vimm.s32 $0x0;
	s7 =	sadd.s32 $0x1, s7;
	[tilespmem:s26+$0x50] =	vst v2  }
0x33: {  	v1 =	vimm.s32 $0x0;
	v0 =	vmov s7;
	p0 =	sne.s32 s4, $0x1;
	[tilespmem:s26+$0x60] =	vst v2;
	v2 =	vimm.s32 $0x0  }
0x34: {  	s8 =	simm.s32 $0x10  }
0x35: {  	v3 =	vld [tilespmem:s8+$0x0];
	_ =	sdelay $0x1  }
.Ltmp2:
0x36: {  	v9 =	vld [tilespmem:s8+$0xFFFFFFF0];
	(pc) =	sbr.rel @!p0 .LBB2_4-.Ltmp2, $4  }
0x37: {  	v2 =	vimm.s32 $0x0  }
0x38: {  	v8 =	vimm.s32 $0x0;
	v4 =	vimm.s32 $0x0;
	v5 =	vimm.s32 $0x0  }
0x39: {  	v6 =	vimm.s32 $0x0;
	v7 =	vimm.s32 $0x0;
	vm1 =	vge.f32 v3, $2.524354900e-29  }
0x3a: {  	s7 =	sadd.s32 $0xFFFFFFFF, s4;
	s8 =	simm.s32 $0x30;
	vm0 =	vge.f32 v3, $1.084202170e-19;
	vm2 =	vge.f32 v3, $4.656612870e-10;
	v3 =	vimm.s32 $0x0  }
.LBB2_3:
0x3b: {  	v10 =	vld [tilespmem:s8+$0x0];
	p2 =	sne.s32 s7, $0x1;
	s7 =	sadd.s32 $0xFFFFFFFF, s7;
	vm3 =	vge.f32 v9, $2.524354900e-29;
	vm4 =	vge.f32 v9, $1.084202170e-19;
	v11 =	vsel vm2, $0x1, v2  }
.Ltmp3:
0x3c: {  	vm2 =	vge.f32 v9, $4.656612870e-10;
	v12 =	vsel vm3, $0x1, v2;
	v9 =	vld [tilespmem:s8+$0xFFFFFFF0];
	v8 =	vadd.s32 v11, v8;
	(pc) =	sbr.rel @p2 .LBB2_3-.Ltmp3, $4  }
0x3d: {  	v14 =	vsel vm1, $0x1, v2;
	v11 =	vsel vm4, $0x1, v2;
	v13 =	vsel vm2, $0x1, v2  }
0x3e: {  	v3 =	vadd.s32 v12, v3;
	v4 =	vadd.s32 v11, v4;
	v11 =	vsel vm0, $0x1, v2  }
0x3f: {  	v6 =	vadd.s32 v14, v6;
	v5 =	vadd.s32 v13, v5;
	v7 =	vadd.s32 v11, v7  }
0x40: {  	s8 =	sadd.s32 $0x20, s8;
	vm1 =	vge.f32 v10, $2.524354900e-29;
	vm0 =	vge.f32 v10, $1.084202170e-19;
	vm2 =	vge.f32 v10, $4.656612870e-10  }
.LBB2_4:
0x41: {  	vm3 =	vge.f32 v9, $2.524354900e-29;
	vm4 =	vge.f32 v9, $1.084202170e-19;
	v10 =	vsel vm2, $0x1, v2  }
0x42: {  	vm15 =	vge.f32 v9, $4.656612870e-10;
	v12 =	vsel vm1, $0x1, v2;
	v11 =	vsel vm3, $0x1, v2  }
0x43: {  	v8 =	vadd.s32 v10, v8;
	v62 =	vsel vm4, $0x1, v2;
	v63 =	vsel vm15, $0x1, v2  }
0x44: {  	v2 =	vsel vm0, $0x1, v2;
	v6 =	vadd.s32 v12, v6;
	v3 =	vadd.s32 v11, v3  }
0x45: {  	v4 =	vadd.s32 v62, v4;
	v5 =	vadd.s32 v63, v5;
	v7 =	vadd.s32 v2, v7  }
0x46: {  	v2 =	vadd.s32 v3, v6;
	v3 =	vadd.s32 v4, v7;
	v4 =	vadd.s32 v5, v8  }
.LBB2_5:
0x47: {  	(xrf0) =	vadd.scan.msk.s32 $0xffff, v2  }
0x48: {  	(xrf0) =	vadd.scan.msk.s32 $0xffff, v3  }
0x49: {  	(xrf0) =	vadd.scan.msk.s32 $0xffff, v4;
	_ =	sdelay $0x3  }
0x4a: {  	v2, _, _ =	vpop (xrf0)  }
0x4b: {  	v3, _, _ =	vpop (xrf0);
	v2 =	vbroadcast v2, $0xF  }
0x4c: {  	v3 =	vbroadcast v3, $0xF;
	v4, _, _ =	vpop (xrf0)  }
.Ltmp4:
0x4d: {  	v4 =	vbroadcast v4, $0xF;
	vm0 =	vlt.s32 v2, v0;
	v2 =	vimm.s32 $0x10000000;
	(pc) =	sbr.rel @p1 .LBB2_9-.Ltmp4, $4  }
0x4e: {  	vm1 =	vlt.s32 v3, v0;
	v2 =	vsel vm0, $0x0, v2  }
0x4f: {  	vm15 =	vlt.s32 v4, v0;
	v2 =	vnsel vm1, $0x20000000, v2  }
0x50: {  	v6 =	vimm.s32 $0x0;
	v7 =	vimm.s32 $0x0;
	v2 =	vnsel vm15, $0x30000000, v2  }
0x51: {  	v5 =	vor.u32 $0x4000000, v2;
	v3 =	vor.u32 $0x8000000, v2;
	v4 =	vor.u32 $0xC000000, v2  }
0x52: {  	s8 =	simm.s32 $0x10  }
0x53: {  	v6 =	vld [tilespmem:s8+$0x0];
	_ =	sdelay $0x1  }
.Ltmp5:
0x54: {  	v12 =	vld [tilespmem:s8+$0xFFFFFFF0];
	(pc) =	sbr.rel @!p0 .LBB2_8-.Ltmp5, $4  }
0x55: {  	v1 =	vimm.s32 $0x0  }
0x56: {  	v11 =	vimm.s32 $0x0;
	v7 =	vimm.s32 $0x0;
	v8 =	vimm.s32 $0x0  }
0x57: {  	v9 =	vimm.s32 $0x0;
	v10 =	vimm.s32 $0x0;
	vm1 =	vge.f32 v6, v5  }
0x58: {  	s7 =	sadd.s32 $0xFFFFFFFF, s4;
	s8 =	simm.s32 $0x30;
	vm0 =	vge.f32 v6, v3;
	vm2 =	vge.f32 v6, v4;
	v6 =	vimm.s32 $0x0  }
.LBB2_7:
0x59: {  	v13 =	vld [tilespmem:s8+$0x0];
	p2 =	sne.s32 s7, $0x1;
	s7 =	sadd.s32 $0xFFFFFFFF, s7;
	vm3 =	vge.f32 v12, v5;
	vm4 =	vge.f32 v12, v3;
	v14 =	vsel vm2, $0x1, v1  }
.Ltmp6:
0x5a: {  	vm2 =	vge.f32 v12, v4;
	v15 =	vsel vm3, $0x1, v1;
	v12 =	vld [tilespmem:s8+$0xFFFFFFF0];
	v11 =	vadd.s32 v14, v11;
	(pc) =	sbr.rel @p2 .LBB2_7-.Ltmp6, $4  }
0x5b: {  	v17 =	vsel vm1, $0x1, v1;
	v14 =	vsel vm4, $0x1, v1;
	v16 =	vsel vm2, $0x1, v1  }
0x5c: {  	v6 =	vadd.s32 v15, v6;
	v7 =	vadd.s32 v14, v7;
	v14 =	vsel vm0, $0x1, v1  }
0x5d: {  	v9 =	vadd.s32 v17, v9;
	v8 =	vadd.s32 v16, v8;
	v10 =	vadd.s32 v14, v10  }
0x5e: {  	s8 =	sadd.s32 $0x20, s8;
	vm1 =	vge.f32 v13, v5;
	vm0 =	vge.f32 v13, v3;
	vm2 =	vge.f32 v13, v4  }
.LBB2_8:
0x5f: {  	vm3 =	vge.f32 v12, v5;
	vm4 =	vge.f32 v12, v3;
	v13 =	vsel vm2, $0x1, v1  }
0x60: {  	vm15 =	vge.f32 v12, v4;
	v15 =	vsel vm1, $0x1, v1;
	v14 =	vsel vm3, $0x1, v1  }
0x61: {  	v11 =	vadd.s32 v13, v11;
	v62 =	vsel vm4, $0x1, v1;
	v63 =	vsel vm15, $0x1, v1  }
0x62: {  	v1 =	vsel vm0, $0x1, v1;
	v9 =	vadd.s32 v15, v9;
	v6 =	vadd.s32 v14, v6  }
0x63: {  	v7 =	vadd.s32 v62, v7;
	v8 =	vadd.s32 v63, v8;
	v10 =	vadd.s32 v1, v10  }
0x64: {  	v1 =	vadd.s32 v6, v9;
	v6 =	vadd.s32 v7, v10;
	v7 =	vadd.s32 v8, v11  }
.LBB2_9:
0x65: {  	(xrf0) =	vadd.scan.msk.s32 $0xffff, v1  }
0x66: {  	(xrf0) =	vadd.scan.msk.s32 $0xffff, v6  }
0x67: {  	(xrf0) =	vadd.scan.msk.s32 $0xffff, v7;
	_ =	sdelay $0x3  }
0x68: {  	v1, _, _ =	vpop (xrf0)  }
0x69: {  	v6, _, _ =	vpop (xrf0);
	v1 =	vbroadcast v1, $0xF  }
0x6a: {  	v6 =	vbroadcast v6, $0xF;
	v7, _, _ =	vpop (xrf0)  }
.Ltmp7:
0x6b: {  	v7 =	vbroadcast v7, $0xF;
	vm0 =	vlt.s32 v1, v0;
	(pc) =	sbr.rel @p1 .LBB2_13-.Ltmp7, $4  }
0x6c: {  	v8 =	vimm.s32 $0x0;
	vm1 =	vlt.s32 v6, v0;
	v1 =	vsel vm0, v2, v5  }
0x6d: {  	v6 =	vimm.s32 $0x0;
	vm15 =	vlt.s32 v7, v0;
	v1 =	vsel vm1, v1, v3  }
0x6e: {  	v7 =	vimm.s32 $0x0;
	v2 =	vsel vm15, v1, v4;
	v1 =	vimm.s32 $0x0  }
0x6f: {  	v5 =	vor.u32 $0x1000000, v2;
	v3 =	vor.u32 $0x2000000, v2;
	v4 =	vor.u32 $0x3000000, v2  }
0x70: {  	s8 =	simm.s32 $0x10  }
0x71: {  	v7 =	vld [tilespmem:s8+$0x0];
	_ =	sdelay $0x1  }
.Ltmp8:
0x72: {  	v13 =	vld [tilespmem:s8+$0xFFFFFFF0];
	(pc) =	sbr.rel @!p0 .LBB2_12-.Ltmp8, $4  }
0x73: {  	v6 =	vimm.s32 $0x0  }
0x74: {  	v12 =	vimm.s32 $0x0;
	v8 =	vimm.s32 $0x0;
	v9 =	vimm.s32 $0x0  }
0x75: {  	v10 =	vimm.s32 $0x0;
	v11 =	vimm.s32 $0x0;
	vm1 =	vge.f32 v7, v5  }
0x76: {  	s7 =	sadd.s32 $0xFFFFFFFF, s4;
	s8 =	simm.s32 $0x30;
	vm0 =	vge.f32 v7, v3;
	vm2 =	vge.f32 v7, v4;
	v7 =	vimm.s32 $0x0  }
.LBB2_11:
0x77: {  	v14 =	vld [tilespmem:s8+$0x0];
	p2 =	sne.s32 s7, $0x1;
	s7 =	sadd.s32 $0xFFFFFFFF, s7;
	vm3 =	vge.f32 v13, v5;
	vm4 =	vge.f32 v13, v3;
	v15 =	vsel vm2, $0x1, v6  }
.Ltmp9:
0x78: {  	vm2 =	vge.f32 v13, v4;
	v16 =	vsel vm3, $0x1, v6;
	v13 =	vld [tilespmem:s8+$0xFFFFFFF0];
	v12 =	vadd.s32 v15, v12;
	(pc) =	sbr.rel @p2 .LBB2_11-.Ltmp9, $4  }
0x79: {  	v18 =	vsel vm1, $0x1, v6;
	v15 =	vsel vm4, $0x1, v6;
	v17 =	vsel vm2, $0x1, v6  }
0x7a: {  	v7 =	vadd.s32 v16, v7;
	v8 =	vadd.s32 v15, v8;
	v15 =	vsel vm0, $0x1, v6  }
0x7b: {  	v10 =	vadd.s32 v18, v10;
	v9 =	vadd.s32 v17, v9;
	v11 =	vadd.s32 v15, v11  }
0x7c: {  	s8 =	sadd.s32 $0x20, s8;
	vm1 =	vge.f32 v14, v5;
	vm0 =	vge.f32 v14, v3;
	vm2 =	vge.f32 v14, v4  }
.LBB2_12:
0x7d: {  	vm3 =	vge.f32 v13, v5;
	vm4 =	vge.f32 v13, v3;
	v14 =	vsel vm2, $0x1, v6  }
0x7e: {  	vm15 =	vge.f32 v13, v4;
	v16 =	vsel vm1, $0x1, v6;
	v15 =	vsel vm3, $0x1, v6  }
0x7f: {  	v12 =	vadd.s32 v14, v12;
	v62 =	vsel vm4, $0x1, v6;
	v63 =	vsel vm15, $0x1, v6  }
0x80: {  	v6 =	vsel vm0, $0x1, v6;
	v10 =	vadd.s32 v16, v10;
	v7 =	vadd.s32 v15, v7  }
0x81: {  	v8 =	vadd.s32 v62, v8;
	v9 =	vadd.s32 v63, v9;
	v11 =	vadd.s32 v6, v11  }
0x82: {  	v6 =	vadd.s32 v7, v10;
	v7 =	vadd.s32 v8, v11;
	v8 =	vadd.s32 v9, v12  }
.LBB2_13:
0x83: {  	(xrf0) =	vadd.scan.msk.s32 $0xffff, v6  }
0x84: {  	(xrf0) =	vadd.scan.msk.s32 $0xffff, v7  }
0x85: {  	(xrf0) =	vadd.scan.msk.s32 $0xffff, v8;
	_ =	sdelay $0x3  }
0x86: {  	v6, _, _ =	vpop (xrf0)  }
0x87: {  	v7, _, _ =	vpop (xrf0);
	v6 =	vbroadcast v6, $0xF  }
0x88: {  	v7 =	vbroadcast v7, $0xF;
	v8, _, _ =	vpop (xrf0)  }
.Ltmp10:
0x89: {  	v8 =	vbroadcast v8, $0xF;
	vm0 =	vlt.s32 v6, v0;
	(pc) =	sbr.rel @p1 .LBB2_17-.Ltmp10, $4  }
0x8a: {  	vm1 =	vlt.s32 v7, v0;
	v2 =	vsel vm0, v2, v5  }
0x8b: {  	vm15 =	vlt.s32 v8, v0;
	v2 =	vsel vm1, v2, v3  }
0x8c: {  	v6 =	vimm.s32 $0x0;
	v7 =	vimm.s32 $0x0;
	v2 =	vsel vm15, v2, v4  }
0x8d: {  	v5 =	vor.u32 $0x400000, v2;
	v3 =	vor.u32 $0x800000, v2;
	v4 =	vor.u32 $0xC00000, v2  }
0x8e: {  	s8 =	simm.s32 $0x10  }
0x8f: {  	v6 =	vld [tilespmem:s8+$0x0];
	_ =	sdelay $0x1  }
.Ltmp11:
0x90: {  	v12 =	vld [tilespmem:s8+$0xFFFFFFF0];
	(pc) =	sbr.rel @!p0 .LBB2_16-.Ltmp11, $4  }
0x91: {  	v1 =	vimm.s32 $0x0  }
0x92: {  	v11 =	vimm.s32 $0x0;
	v7 =	vimm.s32 $0x0;
	v8 =	vimm.s32 $0x0  }
0x93: {  	v9 =	vimm.s32 $0x0;
	v10 =	vimm.s32 $0x0;
	vm1 =	vge.f32 v6, v5  }
0x94: {  	s7 =	sadd.s32 $0xFFFFFFFF, s4;
	s8 =	simm.s32 $0x30;
	vm0 =	vge.f32 v6, v3;
	vm2 =	vge.f32 v6, v4;
	v6 =	vimm.s32 $0x0  }
.LBB2_15:
0x95: {  	v13 =	vld [tilespmem:s8+$0x0];
	p2 =	sne.s32 s7, $0x1;
	s7 =	sadd.s32 $0xFFFFFFFF, s7;
	vm3 =	vge.f32 v12, v5;
	vm4 =	vge.f32 v12, v3;
	v14 =	vsel vm2, $0x1, v1  }
.Ltmp12:
0x96: {  	vm2 =	vge.f32 v12, v4;
	v15 =	vsel vm3, $0x1, v1;
	v12 =	vld [tilespmem:s8+$0xFFFFFFF0];
	v11 =	vadd.s32 v14, v11;
	(pc) =	sbr.rel @p2 .LBB2_15-.Ltmp12, $4  }
0x97: {  	v17 =	vsel vm1, $0x1, v1;
	v14 =	vsel vm4, $0x1, v1;
	v16 =	vsel vm2, $0x1, v1  }
0x98: {  	v6 =	vadd.s32 v15, v6;
	v7 =	vadd.s32 v14, v7;
	v14 =	vsel vm0, $0x1, v1  }
0x99: {  	v9 =	vadd.s32 v17, v9;
	v8 =	vadd.s32 v16, v8;
	v10 =	vadd.s32 v14, v10  }
0x9a: {  	s8 =	sadd.s32 $0x20, s8;
	vm1 =	vge.f32 v13, v5;
	vm0 =	vge.f32 v13, v3;
	vm2 =	vge.f32 v13, v4  }
.LBB2_16:
0x9b: {  	vm3 =	vge.f32 v12, v5;
	vm4 =	vge.f32 v12, v3;
	v13 =	vsel vm2, $0x1, v1  }
0x9c: {  	vm15 =	vge.f32 v12, v4;
	v15 =	vsel vm1, $0x1, v1;
	v14 =	vsel vm3, $0x1, v1  }
0x9d: {  	v11 =	vadd.s32 v13, v11;
	v62 =	vsel vm4, $0x1, v1;
	v63 =	vsel vm15, $0x1, v1  }
0x9e: {  	v1 =	vsel vm0, $0x1, v1;
	v9 =	vadd.s32 v15, v9;
	v6 =	vadd.s32 v14, v6  }
0x9f: {  	v7 =	vadd.s32 v62, v7;
	v8 =	vadd.s32 v63, v8;
	v10 =	vadd.s32 v1, v10  }
0xa0: {  	v1 =	vadd.s32 v6, v9;
	v6 =	vadd.s32 v7, v10;
	v7 =	vadd.s32 v8, v11  }
.LBB2_17:
0xa1: {  	(xrf0) =	vadd.scan.msk.s32 $0xffff, v1  }
0xa2: {  	(xrf0) =	vadd.scan.msk.s32 $0xffff, v6  }
0xa3: {  	(xrf0) =	vadd.scan.msk.s32 $0xffff, v7;
	_ =	sdelay $0x3  }
0xa4: {  	v1, _, _ =	vpop (xrf0)  }
0xa5: {  	v6, _, _ =	vpop (xrf0);
	v1 =	vbroadcast v1, $0xF  }
0xa6: {  	v6 =	vbroadcast v6, $0xF;
	v7, _, _ =	vpop (xrf0)  }
.Ltmp13:
0xa7: {  	v7 =	vbroadcast v7, $0xF;
	vm0 =	vlt.s32 v1, v0;
	(pc) =	sbr.rel @p1 .LBB2_21-.Ltmp13, $4  }
0xa8: {  	v8 =	vimm.s32 $0x0;
	vm1 =	vlt.s32 v6, v0;
	v1 =	vsel vm0, v2, v5  }
0xa9: {  	v6 =	vimm.s32 $0x0;
	vm15 =	vlt.s32 v7, v0;
	v1 =	vsel vm1, v1, v3  }
0xaa: {  	v7 =	vimm.s32 $0x0;
	v2 =	vsel vm15, v1, v4;
	v1 =	vimm.s32 $0x0  }
0xab: {  	v5 =	vor.u32 $0x100000, v2;
	v3 =	vor.u32 $0x200000, v2;
	v4 =	vor.u32 $0x300000, v2  }
0xac: {  	s8 =	simm.s32 $0x10  }
0xad: {  	v7 =	vld [tilespmem:s8+$0x0];
	_ =	sdelay $0x1  }
.Ltmp14:
0xae: {  	v13 =	vld [tilespmem:s8+$0xFFFFFFF0];
	(pc) =	sbr.rel @!p0 .LBB2_20-.Ltmp14, $4  }
0xaf: {  	v6 =	vimm.s32 $0x0  }
0xb0: {  	v12 =	vimm.s32 $0x0;
	v8 =	vimm.s32 $0x0;
	v9 =	vimm.s32 $0x0  }
0xb1: {  	v10 =	vimm.s32 $0x0;
	v11 =	vimm.s32 $0x0;
	vm1 =	vge.f32 v7, v5  }
0xb2: {  	s7 =	sadd.s32 $0xFFFFFFFF, s4;
	s8 =	simm.s32 $0x30;
	vm0 =	vge.f32 v7, v3;
	vm2 =	vge.f32 v7, v4;
	v7 =	vimm.s32 $0x0  }
.LBB2_19:
0xb3: {  	v14 =	vld [tilespmem:s8+$0x0];
	p2 =	sne.s32 s7, $0x1;
	s7 =	sadd.s32 $0xFFFFFFFF, s7;
	vm3 =	vge.f32 v13, v5;
	vm4 =	vge.f32 v13, v3;
	v15 =	vsel vm2, $0x1, v6  }
.Ltmp15:
0xb4: {  	vm2 =	vge.f32 v13, v4;
	v16 =	vsel vm3, $0x1, v6;
	v13 =	vld [tilespmem:s8+$0xFFFFFFF0];
	v12 =	vadd.s32 v15, v12;
	(pc) =	sbr.rel @p2 .LBB2_19-.Ltmp15, $4  }
0xb5: {  	v18 =	vsel vm1, $0x1, v6;
	v15 =	vsel vm4, $0x1, v6;
	v17 =	vsel vm2, $0x1, v6  }
0xb6: {  	v7 =	vadd.s32 v16, v7;
	v8 =	vadd.s32 v15, v8;
	v15 =	vsel vm0, $0x1, v6  }
0xb7: {  	v10 =	vadd.s32 v18, v10;
	v9 =	vadd.s32 v17, v9;
	v11 =	vadd.s32 v15, v11  }
0xb8: {  	s8 =	sadd.s32 $0x20, s8;
	vm1 =	vge.f32 v14, v5;
	vm0 =	vge.f32 v14, v3;
	vm2 =	vge.f32 v14, v4  }
.LBB2_20:
0xb9: {  	vm3 =	vge.f32 v13, v5;
	vm4 =	vge.f32 v13, v3;
	v14 =	vsel vm2, $0x1, v6  }
0xba: {  	vm15 =	vge.f32 v13, v4;
	v16 =	vsel vm1, $0x1, v6;
	v15 =	vsel vm3, $0x1, v6  }
0xbb: {  	v12 =	vadd.s32 v14, v12;
	v62 =	vsel vm4, $0x1, v6;
	v63 =	vsel vm15, $0x1, v6  }
0xbc: {  	v6 =	vsel vm0, $0x1, v6;
	v10 =	vadd.s32 v16, v10;
	v7 =	vadd.s32 v15, v7  }
0xbd: {  	v8 =	vadd.s32 v62, v8;
	v9 =	vadd.s32 v63, v9;
	v11 =	vadd.s32 v6, v11  }
0xbe: {  	v6 =	vadd.s32 v7, v10;
	v7 =	vadd.s32 v8, v11;
	v8 =	vadd.s32 v9, v12  }
.LBB2_21:
0xbf: {  	(xrf0) =	vadd.scan.msk.s32 $0xffff, v6  }
0xc0: {  	(xrf0) =	vadd.scan.msk.s32 $0xffff, v7  }
0xc1: {  	(xrf0) =	vadd.scan.msk.s32 $0xffff, v8;
	_ =	sdelay $0x3  }
0xc2: {  	v6, _, _ =	vpop (xrf0)  }
0xc3: {  	v7, _, _ =	vpop (xrf0);
	v6 =	vbroadcast v6, $0xF  }
0xc4: {  	v7 =	vbroadcast v7, $0xF;
	v8, _, _ =	vpop (xrf0)  }
.Ltmp16:
0xc5: {  	v8 =	vbroadcast v8, $0xF;
	vm0 =	vlt.s32 v6, v0;
	(pc) =	sbr.rel @p1 .LBB2_25-.Ltmp16, $4  }
0xc6: {  	vm1 =	vlt.s32 v7, v0;
	v2 =	vsel vm0, v2, v5  }
0xc7: {  	vm15 =	vlt.s32 v8, v0;
	v2 =	vsel vm1, v2, v3  }
0xc8: {  	v6 =	vimm.s32 $0x0;
	v7 =	vimm.s32 $0x0;
	v2 =	vsel vm15, v2, v4  }
0xc9: {  	v5 =	vor.u32 $0x40000, v2;
	v3 =	vor.u32 $0x80000, v2;
	v4 =	vor.u32 $0xC0000, v2  }
0xca: {  	s8 =	simm.s32 $0x10  }
0xcb: {  	v6 =	vld [tilespmem:s8+$0x0];
	_ =	sdelay $0x1  }
.Ltmp17:
0xcc: {  	v12 =	vld [tilespmem:s8+$0xFFFFFFF0];
	(pc) =	sbr.rel @!p0 .LBB2_24-.Ltmp17, $4  }
0xcd: {  	v1 =	vimm.s32 $0x0  }
0xce: {  	v11 =	vimm.s32 $0x0;
	v7 =	vimm.s32 $0x0;
	v8 =	vimm.s32 $0x0  }
0xcf: {  	v9 =	vimm.s32 $0x0;
	v10 =	vimm.s32 $0x0;
	vm1 =	vge.f32 v6, v5  }
0xd0: {  	s7 =	sadd.s32 $0xFFFFFFFF, s4;
	s8 =	simm.s32 $0x30;
	vm0 =	vge.f32 v6, v3;
	vm2 =	vge.f32 v6, v4;
	v6 =	vimm.s32 $0x0  }
.LBB2_23:
0xd1: {  	v13 =	vld [tilespmem:s8+$0x0];
	p2 =	sne.s32 s7, $0x1;
	s7 =	sadd.s32 $0xFFFFFFFF, s7;
	vm3 =	vge.f32 v12, v5;
	vm4 =	vge.f32 v12, v3;
	v14 =	vsel vm2, $0x1, v1  }
.Ltmp18:
0xd2: {  	vm2 =	vge.f32 v12, v4;
	v15 =	vsel vm3, $0x1, v1;
	v12 =	vld [tilespmem:s8+$0xFFFFFFF0];
	v11 =	vadd.s32 v14, v11;
	(pc) =	sbr.rel @p2 .LBB2_23-.Ltmp18, $4  }
0xd3: {  	v17 =	vsel vm1, $0x1, v1;
	v14 =	vsel vm4, $0x1, v1;
	v16 =	vsel vm2, $0x1, v1  }
0xd4: {  	v6 =	vadd.s32 v15, v6;
	v7 =	vadd.s32 v14, v7;
	v14 =	vsel vm0, $0x1, v1  }
0xd5: {  	v9 =	vadd.s32 v17, v9;
	v8 =	vadd.s32 v16, v8;
	v10 =	vadd.s32 v14, v10  }
0xd6: {  	s8 =	sadd.s32 $0x20, s8;
	vm1 =	vge.f32 v13, v5;
	vm0 =	vge.f32 v13, v3;
	vm2 =	vge.f32 v13, v4  }
.LBB2_24:
0xd7: {  	vm3 =	vge.f32 v12, v5;
	vm4 =	vge.f32 v12, v3;
	v13 =	vsel vm2, $0x1, v1  }
0xd8: {  	vm15 =	vge.f32 v12, v4;
	v15 =	vsel vm1, $0x1, v1;
	v14 =	vsel vm3, $0x1, v1  }
0xd9: {  	v11 =	vadd.s32 v13, v11;
	v62 =	vsel vm4, $0x1, v1;
	v63 =	vsel vm15, $0x1, v1  }
0xda: {  	v1 =	vsel vm0, $0x1, v1;
	v9 =	vadd.s32 v15, v9;
	v6 =	vadd.s32 v14, v6  }
0xdb: {  	v7 =	vadd.s32 v62, v7;
	v8 =	vadd.s32 v63, v8;
	v10 =	vadd.s32 v1, v10  }
0xdc: {  	v1 =	vadd.s32 v6, v9;
	v6 =	vadd.s32 v7, v10;
	v7 =	vadd.s32 v8, v11  }
.LBB2_25:
0xdd: {  	(xrf0) =	vadd.scan.msk.s32 $0xffff, v1  }
0xde: {  	(xrf0) =	vadd.scan.msk.s32 $0xffff, v6  }
0xdf: {  	(xrf0) =	vadd.scan.msk.s32 $0xffff, v7;
	_ =	sdelay $0x3  }
0xe0: {  	v1, _, _ =	vpop (xrf0)  }
0xe1: {  	v6, _, _ =	vpop (xrf0);
	v1 =	vbroadcast v1, $0xF  }
0xe2: {  	v6 =	vbroadcast v6, $0xF;
	v7, _, _ =	vpop (xrf0)  }
.Ltmp19:
0xe3: {  	v7 =	vbroadcast v7, $0xF;
	vm0 =	vlt.s32 v1, v0;
	(pc) =	sbr.rel @p1 .LBB2_29-.Ltmp19, $4  }
0xe4: {  	v8 =	vimm.s32 $0x0;
	vm1 =	vlt.s32 v6, v0;
	v1 =	vsel vm0, v2, v5  }
0xe5: {  	v6 =	vimm.s32 $0x0;
	vm15 =	vlt.s32 v7, v0;
	v1 =	vsel vm1, v1, v3  }
0xe6: {  	v7 =	vimm.s32 $0x0;
	v2 =	vsel vm15, v1, v4;
	v1 =	vimm.s32 $0x0  }
0xe7: {  	v5 =	vor.u32 $0x10000, v2;
	v3 =	vor.u32 $0x20000, v2;
	v4 =	vor.u32 $0x30000, v2  }
0xe8: {  	s8 =	simm.s32 $0x10  }
0xe9: {  	v7 =	vld [tilespmem:s8+$0x0];
	_ =	sdelay $0x1  }
.Ltmp20:
0xea: {  	v13 =	vld [tilespmem:s8+$0xFFFFFFF0];
	(pc) =	sbr.rel @!p0 .LBB2_28-.Ltmp20, $4  }
0xeb: {  	v6 =	vimm.s32 $0x0  }
0xec: {  	v12 =	vimm.s32 $0x0;
	v8 =	vimm.s32 $0x0;
	v9 =	vimm.s32 $0x0  }
0xed: {  	v10 =	vimm.s32 $0x0;
	v11 =	vimm.s32 $0x0;
	vm1 =	vge.f32 v7, v5  }
0xee: {  	s7 =	sadd.s32 $0xFFFFFFFF, s4;
	s8 =	simm.s32 $0x30;
	vm0 =	vge.f32 v7, v3;
	vm2 =	vge.f32 v7, v4;
	v7 =	vimm.s32 $0x0  }
.LBB2_27:
0xef: {  	v14 =	vld [tilespmem:s8+$0x0];
	p2 =	sne.s32 s7, $0x1;
	s7 =	sadd.s32 $0xFFFFFFFF, s7;
	vm3 =	vge.f32 v13, v5;
	vm4 =	vge.f32 v13, v3;
	v15 =	vsel vm2, $0x1, v6  }
.Ltmp21:
0xf0: {  	vm2 =	vge.f32 v13, v4;
	v16 =	vsel vm3, $0x1, v6;
	v13 =	vld [tilespmem:s8+$0xFFFFFFF0];
	v12 =	vadd.s32 v15, v12;
	(pc) =	sbr.rel @p2 .LBB2_27-.Ltmp21, $4  }
0xf1: {  	v18 =	vsel vm1, $0x1, v6;
	v15 =	vsel vm4, $0x1, v6;
	v17 =	vsel vm2, $0x1, v6  }
0xf2: {  	v7 =	vadd.s32 v16, v7;
	v8 =	vadd.s32 v15, v8;
	v15 =	vsel vm0, $0x1, v6  }
0xf3: {  	v10 =	vadd.s32 v18, v10;
	v9 =	vadd.s32 v17, v9;
	v11 =	vadd.s32 v15, v11  }
0xf4: {  	s8 =	sadd.s32 $0x20, s8;
	vm1 =	vge.f32 v14, v5;
	vm0 =	vge.f32 v14, v3;
	vm2 =	vge.f32 v14, v4  }
.LBB2_28:
0xf5: {  	vm3 =	vge.f32 v13, v5;
	vm4 =	vge.f32 v13, v3;
	v14 =	vsel vm2, $0x1, v6  }
0xf6: {  	vm15 =	vge.f32 v13, v4;
	v16 =	vsel vm1, $0x1, v6;
	v15 =	vsel vm3, $0x1, v6  }
0xf7: {  	v12 =	vadd.s32 v14, v12;
	v62 =	vsel vm4, $0x1, v6;
	v63 =	vsel vm15, $0x1, v6  }
0xf8: {  	v6 =	vsel vm0, $0x1, v6;
	v10 =	vadd.s32 v16, v10;
	v7 =	vadd.s32 v15, v7  }
0xf9: {  	v8 =	vadd.s32 v62, v8;
	v9 =	vadd.s32 v63, v9;
	v11 =	vadd.s32 v6, v11  }
0xfa: {  	v6 =	vadd.s32 v7, v10;
	v7 =	vadd.s32 v8, v11;
	v8 =	vadd.s32 v9, v12  }
.LBB2_29:
0xfb: {  	(xrf0) =	vadd.scan.msk.s32 $0xffff, v6  }
0xfc: {  	(xrf0) =	vadd.scan.msk.s32 $0xffff, v7  }
0xfd: {  	(xrf0) =	vadd.scan.msk.s32 $0xffff, v8;
	_ =	sdelay $0x3  }
0xfe: {  	v6, _, _ =	vpop (xrf0)  }
0xff: {  	v7, _, _ =	vpop (xrf0);
	v6 =	vbroadcast v6, $0xF  }
0x100: {  	v7 =	vbroadcast v7, $0xF;
	v8, _, _ =	vpop (xrf0)  }
.Ltmp22:
0x101: {  	v8 =	vbroadcast v8, $0xF;
	vm0 =	vlt.s32 v6, v0;
	(pc) =	sbr.rel @p1 .LBB2_33-.Ltmp22, $4  }
0x102: {  	vm1 =	vlt.s32 v7, v0;
	v2 =	vsel vm0, v2, v5  }
0x103: {  	vm15 =	vlt.s32 v8, v0;
	v2 =	vsel vm1, v2, v3  }
0x104: {  	v6 =	vimm.s32 $0x0;
	v7 =	vimm.s32 $0x0;
	v2 =	vsel vm15, v2, v4  }
0x105: {  	v5 =	vor.u32 $0x4000, v2;
	v3 =	vor.u32 $0x8000, v2;
	v4 =	vor.u32 $0xC000, v2  }
0x106: {  	s8 =	simm.s32 $0x10  }
0x107: {  	v6 =	vld [tilespmem:s8+$0x0];
	_ =	sdelay $0x1  }
.Ltmp23:
0x108: {  	v12 =	vld [tilespmem:s8+$0xFFFFFFF0];
	(pc) =	sbr.rel @!p0 .LBB2_32-.Ltmp23, $4  }
0x109: {  	v1 =	vimm.s32 $0x0  }
0x10a: {  	v11 =	vimm.s32 $0x0;
	v7 =	vimm.s32 $0x0;
	v8 =	vimm.s32 $0x0  }
0x10b: {  	v9 =	vimm.s32 $0x0;
	v10 =	vimm.s32 $0x0;
	vm1 =	vge.f32 v6, v5  }
0x10c: {  	s7 =	sadd.s32 $0xFFFFFFFF, s4;
	s8 =	simm.s32 $0x30;
	vm0 =	vge.f32 v6, v3;
	vm2 =	vge.f32 v6, v4;
	v6 =	vimm.s32 $0x0  }
.LBB2_31:
0x10d: {  	v13 =	vld [tilespmem:s8+$0x0];
	p2 =	sne.s32 s7, $0x1;
	s7 =	sadd.s32 $0xFFFFFFFF, s7;
	vm3 =	vge.f32 v12, v5;
	vm4 =	vge.f32 v12, v3;
	v14 =	vsel vm2, $0x1, v1  }
.Ltmp24:
0x10e: {  	vm2 =	vge.f32 v12, v4;
	v15 =	vsel vm3, $0x1, v1;
	v12 =	vld [tilespmem:s8+$0xFFFFFFF0];
	v11 =	vadd.s32 v14, v11;
	(pc) =	sbr.rel @p2 .LBB2_31-.Ltmp24, $4  }
0x10f: {  	v17 =	vsel vm1, $0x1, v1;
	v14 =	vsel vm4, $0x1, v1;
	v16 =	vsel vm2, $0x1, v1  }
0x110: {  	v6 =	vadd.s32 v15, v6;
	v7 =	vadd.s32 v14, v7;
	v14 =	vsel vm0, $0x1, v1  }
0x111: {  	v9 =	vadd.s32 v17, v9;
	v8 =	vadd.s32 v16, v8;
	v10 =	vadd.s32 v14, v10  }
0x112: {  	s8 =	sadd.s32 $0x20, s8;
	vm1 =	vge.f32 v13, v5;
	vm0 =	vge.f32 v13, v3;
	vm2 =	vge.f32 v13, v4  }
.LBB2_32:
0x113: {  	vm3 =	vge.f32 v12, v5;
	vm4 =	vge.f32 v12, v3;
	v13 =	vsel vm2, $0x1, v1  }
0x114: {  	vm15 =	vge.f32 v12, v4;
	v15 =	vsel vm1, $0x1, v1;
	v14 =	vsel vm3, $0x1, v1  }
0x115: {  	v11 =	vadd.s32 v13, v11;
	v62 =	vsel vm4, $0x1, v1;
	v63 =	vsel vm15, $0x1, v1  }
0x116: {  	v1 =	vsel vm0, $0x1, v1;
	v9 =	vadd.s32 v15, v9;
	v6 =	vadd.s32 v14, v6  }
0x117: {  	v7 =	vadd.s32 v62, v7;
	v8 =	vadd.s32 v63, v8;
	v10 =	vadd.s32 v1, v10  }
0x118: {  	v1 =	vadd.s32 v6, v9;
	v6 =	vadd.s32 v7, v10;
	v7 =	vadd.s32 v8, v11  }
.LBB2_33:
0x119: {  	(xrf0) =	vadd.scan.msk.s32 $0xffff, v1  }
0x11a: {  	(xrf0) =	vadd.scan.msk.s32 $0xffff, v6  }
0x11b: {  	(xrf0) =	vadd.scan.msk.s32 $0xffff, v7;
	_ =	sdelay $0x3  }
0x11c: {  	v1, _, _ =	vpop (xrf0)  }
0x11d: {  	v6, _, _ =	vpop (xrf0);
	v1 =	vbroadcast v1, $0xF  }
0x11e: {  	v6 =	vbroadcast v6, $0xF;
	v7, _, _ =	vpop (xrf0)  }
.Ltmp25:
0x11f: {  	v7 =	vbroadcast v7, $0xF;
	vm0 =	vlt.s32 v1, v0;
	(pc) =	sbr.rel @p1 .LBB2_37-.Ltmp25, $4  }
0x120: {  	v8 =	vimm.s32 $0x0;
	vm1 =	vlt.s32 v6, v0;
	v1 =	vsel vm0, v2, v5  }
0x121: {  	v6 =	vimm.s32 $0x0;
	vm15 =	vlt.s32 v7, v0;
	v1 =	vsel vm1, v1, v3  }
0x122: {  	v7 =	vimm.s32 $0x0;
	v2 =	vsel vm15, v1, v4;
	v1 =	vimm.s32 $0x0  }
0x123: {  	v5 =	vor.u32 $0x1000, v2;
	v3 =	vor.u32 $0x2000, v2;
	v4 =	vor.u32 $0x3000, v2  }
0x124: {  	s8 =	simm.s32 $0x10  }
0x125: {  	v7 =	vld [tilespmem:s8+$0x0];
	_ =	sdelay $0x1  }
.Ltmp26:
0x126: {  	v13 =	vld [tilespmem:s8+$0xFFFFFFF0];
	(pc) =	sbr.rel @!p0 .LBB2_36-.Ltmp26, $4  }
0x127: {  	v6 =	vimm.s32 $0x0  }
0x128: {  	v12 =	vimm.s32 $0x0;
	v8 =	vimm.s32 $0x0;
	v9 =	vimm.s32 $0x0  }
0x129: {  	v10 =	vimm.s32 $0x0;
	v11 =	vimm.s32 $0x0;
	vm1 =	vge.f32 v7, v5  }
0x12a: {  	s7 =	sadd.s32 $0xFFFFFFFF, s4;
	s8 =	simm.s32 $0x30;
	vm0 =	vge.f32 v7, v3;
	vm2 =	vge.f32 v7, v4;
	v7 =	vimm.s32 $0x0  }
.LBB2_35:
0x12b: {  	v14 =	vld [tilespmem:s8+$0x0];
	p2 =	sne.s32 s7, $0x1;
	s7 =	sadd.s32 $0xFFFFFFFF, s7;
	vm3 =	vge.f32 v13, v5;
	vm4 =	vge.f32 v13, v3;
	v15 =	vsel vm2, $0x1, v6  }
.Ltmp27:
0x12c: {  	vm2 =	vge.f32 v13, v4;
	v16 =	vsel vm3, $0x1, v6;
	v13 =	vld [tilespmem:s8+$0xFFFFFFF0];
	v12 =	vadd.s32 v15, v12;
	(pc) =	sbr.rel @p2 .LBB2_35-.Ltmp27, $4  }
0x12d: {  	v18 =	vsel vm1, $0x1, v6;
	v15 =	vsel vm4, $0x1, v6;
	v17 =	vsel vm2, $0x1, v6  }
0x12e: {  	v7 =	vadd.s32 v16, v7;
	v8 =	vadd.s32 v15, v8;
	v15 =	vsel vm0, $0x1, v6  }
0x12f: {  	v10 =	vadd.s32 v18, v10;
	v9 =	vadd.s32 v17, v9;
	v11 =	vadd.s32 v15, v11  }
0x130: {  	s8 =	sadd.s32 $0x20, s8;
	vm1 =	vge.f32 v14, v5;
	vm0 =	vge.f32 v14, v3;
	vm2 =	vge.f32 v14, v4  }
.LBB2_36:
0x131: {  	vm3 =	vge.f32 v13, v5;
	vm4 =	vge.f32 v13, v3;
	v14 =	vsel vm2, $0x1, v6  }
0x132: {  	vm15 =	vge.f32 v13, v4;
	v16 =	vsel vm1, $0x1, v6;
	v15 =	vsel vm3, $0x1, v6  }
0x133: {  	v12 =	vadd.s32 v14, v12;
	v62 =	vsel vm4, $0x1, v6;
	v63 =	vsel vm15, $0x1, v6  }
0x134: {  	v6 =	vsel vm0, $0x1, v6;
	v10 =	vadd.s32 v16, v10;
	v7 =	vadd.s32 v15, v7  }
0x135: {  	v8 =	vadd.s32 v62, v8;
	v9 =	vadd.s32 v63, v9;
	v11 =	vadd.s32 v6, v11  }
0x136: {  	v6 =	vadd.s32 v7, v10;
	v7 =	vadd.s32 v8, v11;
	v8 =	vadd.s32 v9, v12  }
.LBB2_37:
0x137: {  	(xrf0) =	vadd.scan.msk.s32 $0xffff, v6  }
0x138: {  	(xrf0) =	vadd.scan.msk.s32 $0xffff, v7  }
0x139: {  	(xrf0) =	vadd.scan.msk.s32 $0xffff, v8;
	_ =	sdelay $0x3  }
0x13a: {  	v6, _, _ =	vpop (xrf0)  }
0x13b: {  	v7, _, _ =	vpop (xrf0);
	v6 =	vbroadcast v6, $0xF  }
0x13c: {  	v7 =	vbroadcast v7, $0xF;
	v8, _, _ =	vpop (xrf0)  }
.Ltmp28:
0x13d: {  	v8 =	vbroadcast v8, $0xF;
	vm0 =	vlt.s32 v6, v0;
	(pc) =	sbr.rel @p1 .LBB2_41-.Ltmp28, $4  }
0x13e: {  	vm1 =	vlt.s32 v7, v0;
	v2 =	vsel vm0, v2, v5  }
0x13f: {  	vm15 =	vlt.s32 v8, v0;
	v2 =	vsel vm1, v2, v3  }
0x140: {  	v6 =	vimm.s32 $0x0;
	v7 =	vimm.s32 $0x0;
	v2 =	vsel vm15, v2, v4  }
0x141: {  	v5 =	vor.u32 $0x400, v2;
	v3 =	vor.u32 $0x800, v2;
	v4 =	vor.u32 $0xC00, v2  }
0x142: {  	s8 =	simm.s32 $0x10  }
0x143: {  	v6 =	vld [tilespmem:s8+$0x0];
	_ =	sdelay $0x1  }
.Ltmp29:
0x144: {  	v12 =	vld [tilespmem:s8+$0xFFFFFFF0];
	(pc) =	sbr.rel @!p0 .LBB2_40-.Ltmp29, $4  }
0x145: {  	v1 =	vimm.s32 $0x0  }
0x146: {  	v11 =	vimm.s32 $0x0;
	v7 =	vimm.s32 $0x0;
	v8 =	vimm.s32 $0x0  }
0x147: {  	v9 =	vimm.s32 $0x0;
	v10 =	vimm.s32 $0x0;
	vm1 =	vge.f32 v6, v5  }
0x148: {  	s7 =	sadd.s32 $0xFFFFFFFF, s4;
	s8 =	simm.s32 $0x30;
	vm0 =	vge.f32 v6, v3;
	vm2 =	vge.f32 v6, v4;
	v6 =	vimm.s32 $0x0  }
.LBB2_39:
0x149: {  	v13 =	vld [tilespmem:s8+$0x0];
	p2 =	sne.s32 s7, $0x1;
	s7 =	sadd.s32 $0xFFFFFFFF, s7;
	vm3 =	vge.f32 v12, v5;
	vm4 =	vge.f32 v12, v3;
	v14 =	vsel vm2, $0x1, v1  }
.Ltmp30:
0x14a: {  	vm2 =	vge.f32 v12, v4;
	v15 =	vsel vm3, $0x1, v1;
	v12 =	vld [tilespmem:s8+$0xFFFFFFF0];
	v11 =	vadd.s32 v14, v11;
	(pc) =	sbr.rel @p2 .LBB2_39-.Ltmp30, $4  }
0x14b: {  	v17 =	vsel vm1, $0x1, v1;
	v14 =	vsel vm4, $0x1, v1;
	v16 =	vsel vm2, $0x1, v1  }
0x14c: {  	v6 =	vadd.s32 v15, v6;
	v7 =	vadd.s32 v14, v7;
	v14 =	vsel vm0, $0x1, v1  }
0x14d: {  	v9 =	vadd.s32 v17, v9;
	v8 =	vadd.s32 v16, v8;
	v10 =	vadd.s32 v14, v10  }
0x14e: {  	s8 =	sadd.s32 $0x20, s8;
	vm1 =	vge.f32 v13, v5;
	vm0 =	vge.f32 v13, v3;
	vm2 =	vge.f32 v13, v4  }
.LBB2_40:
0x14f: {  	vm3 =	vge.f32 v12, v5;
	vm4 =	vge.f32 v12, v3;
	v13 =	vsel vm2, $0x1, v1  }
0x150: {  	vm15 =	vge.f32 v12, v4;
	v15 =	vsel vm1, $0x1, v1;
	v14 =	vsel vm3, $0x1, v1  }
0x151: {  	v11 =	vadd.s32 v13, v11;
	v62 =	vsel vm4, $0x1, v1;
	v63 =	vsel vm15, $0x1, v1  }
0x152: {  	v1 =	vsel vm0, $0x1, v1;
	v9 =	vadd.s32 v15, v9;
	v6 =	vadd.s32 v14, v6  }
0x153: {  	v7 =	vadd.s32 v62, v7;
	v8 =	vadd.s32 v63, v8;
	v10 =	vadd.s32 v1, v10  }
0x154: {  	v1 =	vadd.s32 v6, v9;
	v6 =	vadd.s32 v7, v10;
	v7 =	vadd.s32 v8, v11  }
.LBB2_41:
0x155: {  	(xrf0) =	vadd.scan.msk.s32 $0xffff, v1  }
0x156: {  	(xrf0) =	vadd.scan.msk.s32 $0xffff, v6  }
0x157: {  	(xrf0) =	vadd.scan.msk.s32 $0xffff, v7;
	_ =	sdelay $0x3  }
0x158: {  	v1, _, _ =	vpop (xrf0)  }
0x159: {  	v6, _, _ =	vpop (xrf0);
	v1 =	vbroadcast v1, $0xF  }
0x15a: {  	v6 =	vbroadcast v6, $0xF;
	v7, _, _ =	vpop (xrf0)  }
.Ltmp31:
0x15b: {  	v7 =	vbroadcast v7, $0xF;
	vm0 =	vlt.s32 v1, v0;
	(pc) =	sbr.rel @p1 .LBB2_45-.Ltmp31, $4  }
0x15c: {  	v8 =	vimm.s32 $0x0;
	vm1 =	vlt.s32 v6, v0;
	v1 =	vsel vm0, v2, v5  }
0x15d: {  	v6 =	vimm.s32 $0x0;
	vm15 =	vlt.s32 v7, v0;
	v1 =	vsel vm1, v1, v3  }
0x15e: {  	v7 =	vimm.s32 $0x0;
	v2 =	vsel vm15, v1, v4;
	v1 =	vimm.s32 $0x0  }
0x15f: {  	v5 =	vor.u32 $0x100, v2;
	v3 =	vor.u32 $0x200, v2;
	v4 =	vor.u32 $0x300, v2  }
0x160: {  	s8 =	simm.s32 $0x10  }
0x161: {  	v7 =	vld [tilespmem:s8+$0x0];
	_ =	sdelay $0x1  }
.Ltmp32:
0x162: {  	v13 =	vld [tilespmem:s8+$0xFFFFFFF0];
	(pc) =	sbr.rel @!p0 .LBB2_44-.Ltmp32, $4  }
0x163: {  	v6 =	vimm.s32 $0x0  }
0x164: {  	v12 =	vimm.s32 $0x0;
	v8 =	vimm.s32 $0x0;
	v9 =	vimm.s32 $0x0  }
0x165: {  	v10 =	vimm.s32 $0x0;
	v11 =	vimm.s32 $0x0;
	vm1 =	vge.f32 v7, v5  }
0x166: {  	s7 =	sadd.s32 $0xFFFFFFFF, s4;
	s8 =	simm.s32 $0x30;
	vm0 =	vge.f32 v7, v3;
	vm2 =	vge.f32 v7, v4;
	v7 =	vimm.s32 $0x0  }
.LBB2_43:
0x167: {  	v14 =	vld [tilespmem:s8+$0x0];
	p2 =	sne.s32 s7, $0x1;
	s7 =	sadd.s32 $0xFFFFFFFF, s7;
	vm3 =	vge.f32 v13, v5;
	vm4 =	vge.f32 v13, v3;
	v15 =	vsel vm2, $0x1, v6  }
.Ltmp33:
0x168: {  	vm2 =	vge.f32 v13, v4;
	v16 =	vsel vm3, $0x1, v6;
	v13 =	vld [tilespmem:s8+$0xFFFFFFF0];
	v12 =	vadd.s32 v15, v12;
	(pc) =	sbr.rel @p2 .LBB2_43-.Ltmp33, $4  }
0x169: {  	v18 =	vsel vm1, $0x1, v6;
	v15 =	vsel vm4, $0x1, v6;
	v17 =	vsel vm2, $0x1, v6  }
0x16a: {  	v7 =	vadd.s32 v16, v7;
	v8 =	vadd.s32 v15, v8;
	v15 =	vsel vm0, $0x1, v6  }
0x16b: {  	v10 =	vadd.s32 v18, v10;
	v9 =	vadd.s32 v17, v9;
	v11 =	vadd.s32 v15, v11  }
0x16c: {  	s8 =	sadd.s32 $0x20, s8;
	vm1 =	vge.f32 v14, v5;
	vm0 =	vge.f32 v14, v3;
	vm2 =	vge.f32 v14, v4  }
.LBB2_44:
0x16d: {  	vm3 =	vge.f32 v13, v5;
	vm4 =	vge.f32 v13, v3;
	v14 =	vsel vm2, $0x1, v6  }
0x16e: {  	vm15 =	vge.f32 v13, v4;
	v16 =	vsel vm1, $0x1, v6;
	v15 =	vsel vm3, $0x1, v6  }
0x16f: {  	v12 =	vadd.s32 v14, v12;
	v62 =	vsel vm4, $0x1, v6;
	v63 =	vsel vm15, $0x1, v6  }
0x170: {  	v6 =	vsel vm0, $0x1, v6;
	v10 =	vadd.s32 v16, v10;
	v7 =	vadd.s32 v15, v7  }
0x171: {  	v8 =	vadd.s32 v62, v8;
	v9 =	vadd.s32 v63, v9;
	v11 =	vadd.s32 v6, v11  }
0x172: {  	v6 =	vadd.s32 v7, v10;
	v7 =	vadd.s32 v8, v11;
	v8 =	vadd.s32 v9, v12  }
.LBB2_45:
0x173: {  	(xrf0) =	vadd.scan.msk.s32 $0xffff, v6  }
0x174: {  	(xrf0) =	vadd.scan.msk.s32 $0xffff, v7  }
0x175: {  	(xrf0) =	vadd.scan.msk.s32 $0xffff, v8;
	_ =	sdelay $0x3  }
0x176: {  	v6, _, _ =	vpop (xrf0)  }
0x177: {  	v7, _, _ =	vpop (xrf0);
	v6 =	vbroadcast v6, $0xF  }
0x178: {  	v7 =	vbroadcast v7, $0xF;
	v8, _, _ =	vpop (xrf0)  }
.Ltmp34:
0x179: {  	v8 =	vbroadcast v8, $0xF;
	vm0 =	vlt.s32 v6, v0;
	(pc) =	sbr.rel @p1 .LBB2_49-.Ltmp34, $4  }
0x17a: {  	vm1 =	vlt.s32 v7, v0;
	v2 =	vsel vm0, v2, v5  }
0x17b: {  	vm15 =	vlt.s32 v8, v0;
	v2 =	vsel vm1, v2, v3  }
0x17c: {  	v6 =	vimm.s32 $0x0;
	v7 =	vimm.s32 $0x0;
	v2 =	vsel vm15, v2, v4  }
0x17d: {  	s6 =	sshll.u32 s6, $0xA;
	v4 =	vor.u32 $0x40, v2;
	v3 =	vor.u32 $0x80, v2;
	v5 =	vor.u32 $0xC0, v2  }
0x17e: {  	s8 =	simm.s32 $0x10  }
0x17f: {  	v6 =	vld [tilespmem:s8+$0x0];
	_ =	sdelay $0x1  }
.Ltmp35:
0x180: {  	v12 =	vld [tilespmem:s8+$0xFFFFFFF0];
	(pc) =	sbr.rel @!p0 .LBB2_48-.Ltmp35, $4  }
0x181: {  	v1 =	vimm.s32 $0x0  }
0x182: {  	v11 =	vimm.s32 $0x0;
	v7 =	vimm.s32 $0x0;
	v8 =	vimm.s32 $0x0  }
0x183: {  	v9 =	vimm.s32 $0x0;
	v10 =	vimm.s32 $0x0;
	vm1 =	vge.f32 v6, v4  }
0x184: {  	s7 =	sadd.s32 $0xFFFFFFFF, s4;
	s8 =	simm.s32 $0x30;
	vm0 =	vge.f32 v6, v3;
	vm2 =	vge.f32 v6, v5;
	v6 =	vimm.s32 $0x0  }
.LBB2_47:
0x185: {  	v13 =	vld [tilespmem:s8+$0x0];
	p2 =	sne.s32 s7, $0x1;
	s7 =	sadd.s32 $0xFFFFFFFF, s7;
	vm3 =	vge.f32 v12, v4;
	vm4 =	vge.f32 v12, v3;
	v14 =	vsel vm2, $0x1, v1  }
.Ltmp36:
0x186: {  	vm2 =	vge.f32 v12, v5;
	v15 =	vsel vm3, $0x1, v1;
	v12 =	vld [tilespmem:s8+$0xFFFFFFF0];
	v11 =	vadd.s32 v14, v11;
	(pc) =	sbr.rel @p2 .LBB2_47-.Ltmp36, $4  }
0x187: {  	v17 =	vsel vm1, $0x1, v1;
	v14 =	vsel vm4, $0x1, v1;
	v16 =	vsel vm2, $0x1, v1  }
0x188: {  	v6 =	vadd.s32 v15, v6;
	v7 =	vadd.s32 v14, v7;
	v14 =	vsel vm0, $0x1, v1  }
0x189: {  	v9 =	vadd.s32 v17, v9;
	v8 =	vadd.s32 v16, v8;
	v10 =	vadd.s32 v14, v10  }
0x18a: {  	s8 =	sadd.s32 $0x20, s8;
	vm1 =	vge.f32 v13, v4;
	vm0 =	vge.f32 v13, v3;
	vm2 =	vge.f32 v13, v5  }
.LBB2_48:
0x18b: {  	vm3 =	vge.f32 v12, v4;
	vm4 =	vge.f32 v12, v3;
	v13 =	vsel vm2, $0x1, v1  }
0x18c: {  	vm15 =	vge.f32 v12, v5;
	v15 =	vsel vm1, $0x1, v1;
	v14 =	vsel vm3, $0x1, v1  }
0x18d: {  	v11 =	vadd.s32 v13, v11;
	v62 =	vsel vm4, $0x1, v1;
	v63 =	vsel vm15, $0x1, v1  }
0x18e: {  	v1 =	vsel vm0, $0x1, v1;
	v9 =	vadd.s32 v15, v9;
	v6 =	vadd.s32 v14, v6  }
0x18f: {  	v7 =	vadd.s32 v62, v7;
	v8 =	vadd.s32 v63, v8;
	v10 =	vadd.s32 v1, v10  }
0x190: {  	v1 =	vadd.s32 v6, v9;
	v6 =	vadd.s32 v7, v10;
	v7 =	vadd.s32 v8, v11  }
.LBB2_49:
0x191: {  	(xrf0) =	vadd.scan.msk.s32 $0xffff, v1  }
0x192: {  	(xrf0) =	vadd.scan.msk.s32 $0xffff, v6  }
0x193: {  	(xrf0) =	vadd.scan.msk.s32 $0xffff, v7;
	_ =	sdelay $0x3  }
0x194: {  	v1, _, _ =	vpop (xrf0)  }
0x195: {  	v6, _, _ =	vpop (xrf0);
	v1 =	vbroadcast v1, $0xF  }
0x196: {  	v6 =	vbroadcast v6, $0xF;
	v7, _, _ =	vpop (xrf0)  }
.Ltmp37:
0x197: {  	v7 =	vbroadcast v7, $0xF;
	vm0 =	vlt.s32 v1, v0;
	(pc) =	sbr.rel @p1 .LBB2_53-.Ltmp37, $4  }
0x198: {  	v8 =	vimm.s32 $0x0;
	vm1 =	vlt.s32 v6, v0;
	v1 =	vsel vm0, v2, v4  }
0x199: {  	v6 =	vimm.s32 $0x0;
	vm15 =	vlt.s32 v7, v0;
	v1 =	vsel vm1, v1, v3  }
0x19a: {  	v7 =	vimm.s32 $0x0;
	v2 =	vsel vm15, v1, v5;
	v1 =	vimm.s32 $0x0  }
0x19b: {  	s5 =	sor.u32 s5, s6;
	v5 =	vor.u32 $0x10, v2;
	v3 =	vor.u32 $0x20, v2;
	v4 =	vor.u32 $0x30, v2  }
0x19c: {  	s7 =	simm.s32 $0x10  }
0x19d: {  	v7 =	vld [tilespmem:s7+$0x0];
	_ =	sdelay $0x1  }
.Ltmp38:
0x19e: {  	v13 =	vld [tilespmem:s7+$0xFFFFFFF0];
	(pc) =	sbr.rel @!p0 .LBB2_52-.Ltmp38, $4  }
0x19f: {  	v6 =	vimm.s32 $0x0  }
0x1a0: {  	v12 =	vimm.s32 $0x0;
	v8 =	vimm.s32 $0x0;
	v9 =	vimm.s32 $0x0  }
0x1a1: {  	v10 =	vimm.s32 $0x0;
	v11 =	vimm.s32 $0x0;
	vm1 =	vge.f32 v7, v5  }
0x1a2: {  	s6 =	sadd.s32 $0xFFFFFFFF, s4;
	s7 =	simm.s32 $0x30;
	vm0 =	vge.f32 v7, v3;
	vm2 =	vge.f32 v7, v4;
	v7 =	vimm.s32 $0x0  }
.LBB2_51:
0x1a3: {  	v14 =	vld [tilespmem:s7+$0x0];
	p2 =	sne.s32 s6, $0x1;
	s6 =	sadd.s32 $0xFFFFFFFF, s6;
	vm3 =	vge.f32 v13, v5;
	vm4 =	vge.f32 v13, v3;
	v15 =	vsel vm2, $0x1, v6  }
.Ltmp39:
0x1a4: {  	vm2 =	vge.f32 v13, v4;
	v16 =	vsel vm3, $0x1, v6;
	v13 =	vld [tilespmem:s7+$0xFFFFFFF0];
	v12 =	vadd.s32 v15, v12;
	(pc) =	sbr.rel @p2 .LBB2_51-.Ltmp39, $4  }
0x1a5: {  	v18 =	vsel vm1, $0x1, v6;
	v15 =	vsel vm4, $0x1, v6;
	v17 =	vsel vm2, $0x1, v6  }
0x1a6: {  	v7 =	vadd.s32 v16, v7;
	v8 =	vadd.s32 v15, v8;
	v15 =	vsel vm0, $0x1, v6  }
0x1a7: {  	v10 =	vadd.s32 v18, v10;
	v9 =	vadd.s32 v17, v9;
	v11 =	vadd.s32 v15, v11  }
0x1a8: {  	s7 =	sadd.s32 $0x20, s7;
	vm1 =	vge.f32 v14, v5;
	vm0 =	vge.f32 v14, v3;
	vm2 =	vge.f32 v14, v4  }
.LBB2_52:
0x1a9: {  	vm3 =	vge.f32 v13, v5;
	vm4 =	vge.f32 v13, v3;
	v14 =	vsel vm2, $0x1, v6  }
0x1aa: {  	vm15 =	vge.f32 v13, v4;
	v16 =	vsel vm1, $0x1, v6;
	v15 =	vsel vm3, $0x1, v6  }
0x1ab: {  	v12 =	vadd.s32 v14, v12;
	v62 =	vsel vm4, $0x1, v6;
	v63 =	vsel vm15, $0x1, v6  }
0x1ac: {  	v6 =	vsel vm0, $0x1, v6;
	v10 =	vadd.s32 v16, v10;
	v7 =	vadd.s32 v15, v7  }
0x1ad: {  	v8 =	vadd.s32 v62, v8;
	v9 =	vadd.s32 v63, v9;
	v11 =	vadd.s32 v6, v11  }
0x1ae: {  	v6 =	vadd.s32 v7, v10;
	v7 =	vadd.s32 v8, v11;
	v8 =	vadd.s32 v9, v12  }
.LBB2_53:
0x1af: {  	(xrf0) =	vadd.scan.msk.s32 $0xffff, v6  }
0x1b0: {  	(xrf0) =	vadd.scan.msk.s32 $0xffff, v7  }
0x1b1: {  	(xrf0) =	vadd.scan.msk.s32 $0xffff, v8;
	_ =	sdelay $0x3  }
0x1b2: {  	v6, _, _ =	vpop (xrf0)  }
0x1b3: {  	v7, _, _ =	vpop (xrf0);
	v6 =	vbroadcast v6, $0xF  }
0x1b4: {  	v7 =	vbroadcast v7, $0xF;
	v8, _, _ =	vpop (xrf0)  }
.Ltmp40:
0x1b5: {  	v8 =	vbroadcast v8, $0xF;
	vm0 =	vlt.s32 v6, v0;
	(pc) =	sbr.rel @p1 .LBB2_57-.Ltmp40, $4  }
0x1b6: {  	vm1 =	vlt.s32 v7, v0;
	v2 =	vsel vm0, v2, v5  }
0x1b7: {  	vm15 =	vlt.s32 v8, v0;
	v2 =	vsel vm1, v2, v3  }
0x1b8: {  	v6 =	vimm.s32 $0x0;
	v7 =	vimm.s32 $0x0;
	v2 =	vsel vm15, v2, v4  }
0x1b9: {  	s5 =	sshrl.u32 s5, $0x3;
	v4 =	vor.u32 $0x4, v2;
	v3 =	vor.u32 $0x8, v2;
	v5 =	vor.u32 $0xC, v2  }
0x1ba: {  	s7 =	simm.s32 $0x10  }
0x1bb: {  	v6 =	vld [tilespmem:s7+$0x0];
	_ =	sdelay $0x1  }
.Ltmp41:
0x1bc: {  	v12 =	vld [tilespmem:s7+$0xFFFFFFF0];
	(pc) =	sbr.rel @!p0 .LBB2_56-.Ltmp41, $4  }
0x1bd: {  	v1 =	vimm.s32 $0x0  }
0x1be: {  	v11 =	vimm.s32 $0x0;
	v7 =	vimm.s32 $0x0;
	v8 =	vimm.s32 $0x0  }
0x1bf: {  	v9 =	vimm.s32 $0x0;
	v10 =	vimm.s32 $0x0;
	vm1 =	vge.f32 v6, v4  }
0x1c0: {  	s6 =	sadd.s32 $0xFFFFFFFF, s4;
	s7 =	simm.s32 $0x30;
	vm0 =	vge.f32 v6, v3;
	vm2 =	vge.f32 v6, v5;
	v6 =	vimm.s32 $0x0  }
.LBB2_55:
0x1c1: {  	v13 =	vld [tilespmem:s7+$0x0];
	p2 =	sne.s32 s6, $0x1;
	s6 =	sadd.s32 $0xFFFFFFFF, s6;
	vm3 =	vge.f32 v12, v4;
	vm4 =	vge.f32 v12, v3;
	v14 =	vsel vm2, $0x1, v1  }
.Ltmp42:
0x1c2: {  	vm2 =	vge.f32 v12, v5;
	v15 =	vsel vm3, $0x1, v1;
	v12 =	vld [tilespmem:s7+$0xFFFFFFF0];
	v11 =	vadd.s32 v14, v11;
	(pc) =	sbr.rel @p2 .LBB2_55-.Ltmp42, $4  }
0x1c3: {  	v17 =	vsel vm1, $0x1, v1;
	v14 =	vsel vm4, $0x1, v1;
	v16 =	vsel vm2, $0x1, v1  }
0x1c4: {  	v6 =	vadd.s32 v15, v6;
	v7 =	vadd.s32 v14, v7;
	v14 =	vsel vm0, $0x1, v1  }
0x1c5: {  	v9 =	vadd.s32 v17, v9;
	v8 =	vadd.s32 v16, v8;
	v10 =	vadd.s32 v14, v10  }
0x1c6: {  	s7 =	sadd.s32 $0x20, s7;
	vm1 =	vge.f32 v13, v4;
	vm0 =	vge.f32 v13, v3;
	vm2 =	vge.f32 v13, v5  }
.LBB2_56:
0x1c7: {  	vm3 =	vge.f32 v12, v4;
	vm4 =	vge.f32 v12, v3;
	v13 =	vsel vm2, $0x1, v1  }
0x1c8: {  	vm15 =	vge.f32 v12, v5;
	v15 =	vsel vm1, $0x1, v1;
	v14 =	vsel vm3, $0x1, v1  }
0x1c9: {  	v11 =	vadd.s32 v13, v11;
	v62 =	vsel vm4, $0x1, v1;
	v63 =	vsel vm15, $0x1, v1  }
0x1ca: {  	v1 =	vsel vm0, $0x1, v1;
	v9 =	vadd.s32 v15, v9;
	v6 =	vadd.s32 v14, v6  }
0x1cb: {  	v7 =	vadd.s32 v62, v7;
	v8 =	vadd.s32 v63, v8;
	v10 =	vadd.s32 v1, v10  }
0x1cc: {  	v1 =	vadd.s32 v6, v9;
	v6 =	vadd.s32 v7, v10;
	v7 =	vadd.s32 v8, v11  }
.LBB2_57:
0x1cd: {  	(xrf0) =	vadd.scan.msk.s32 $0xffff, v1  }
0x1ce: {  	(xrf0) =	vadd.scan.msk.s32 $0xffff, v6  }
0x1cf: {  	(xrf0) =	vadd.scan.msk.s32 $0xffff, v7;
	_ =	sdelay $0x3  }
0x1d0: {  	v1, _, _ =	vpop (xrf0)  }
0x1d1: {  	v6, _, _ =	vpop (xrf0);
	v1 =	vbroadcast v1, $0xF  }
0x1d2: {  	v6 =	vbroadcast v6, $0xF;
	v7, _, _ =	vpop (xrf0)  }
.Ltmp43:
0x1d3: {  	v7 =	vbroadcast v7, $0xF;
	vm0 =	vlt.s32 v1, v0;
	(pc) =	sbr.rel @p1 .LBB2_58-.Ltmp43, $4  }
0x1d4: {  	vm1 =	vlt.s32 v6, v0;
	v1 =	vsel vm0, v2, v4  }
0x1d5: {  	vm15 =	vlt.s32 v7, v0;
	v1 =	vsel vm1, v1, v3  }
0x1d6: {  	v2 =	vsel vm15, v1, v5  }
0x1d7: {  	s3 =	sadd.s32 s5, s3;
	v4 =	vor.u32 $0x1, v2;
	v3 =	vor.u32 $0x2, v2;
	v1 =	vor.u32 $0x3, v2  }
0x1d8: {  	s5 =	simm.s32 $0x10  }
0x1d9: {  	v6 =	vld [tilespmem:s5+$0x0];
	_ =	sdelay $0x1  }
.Ltmp44:
0x1da: {  	v12 =	vld [tilespmem:s5+$0xFFFFFFF0];
	(pc) =	sbr.rel @!p0 .LBB2_61-.Ltmp44, $4  }
0x1db: {  	v5 =	vimm.s32 $0x0  }
0x1dc: {  	v11 =	vimm.s32 $0x0;
	v7 =	vimm.s32 $0x0;
	v8 =	vimm.s32 $0x0  }
0x1dd: {  	v9 =	vimm.s32 $0x0;
	v10 =	vimm.s32 $0x0;
	vm1 =	vge.f32 v6, v4  }
0x1de: {  	s4 =	sadd.s32 $0xFFFFFFFF, s4;
	s5 =	simm.s32 $0x30;
	vm0 =	vge.f32 v6, v3;
	vm2 =	vge.f32 v6, v1;
	v6 =	vimm.s32 $0x0  }
.LBB2_60:
0x1df: {  	v13 =	vld [tilespmem:s5+$0x0];
	p0 =	sne.s32 s4, $0x1;
	s4 =	sadd.s32 $0xFFFFFFFF, s4;
	vm3 =	vge.f32 v12, v4;
	vm4 =	vge.f32 v12, v3;
	v14 =	vsel vm2, $0x1, v5  }
.Ltmp45:
0x1e0: {  	vm2 =	vge.f32 v12, v1;
	v15 =	vsel vm3, $0x1, v5;
	v12 =	vld [tilespmem:s5+$0xFFFFFFF0];
	v11 =	vadd.s32 v14, v11;
	(pc) =	sbr.rel @p0 .LBB2_60-.Ltmp45, $4  }
0x1e1: {  	v17 =	vsel vm1, $0x1, v5;
	v14 =	vsel vm4, $0x1, v5;
	v16 =	vsel vm2, $0x1, v5  }
0x1e2: {  	v6 =	vadd.s32 v15, v6;
	v7 =	vadd.s32 v14, v7;
	v14 =	vsel vm0, $0x1, v5  }
0x1e3: {  	v9 =	vadd.s32 v17, v9;
	v8 =	vadd.s32 v16, v8;
	v10 =	vadd.s32 v14, v10  }
0x1e4: {  	s5 =	sadd.s32 $0x20, s5;
	vm1 =	vge.f32 v13, v4;
	vm0 =	vge.f32 v13, v3;
	vm2 =	vge.f32 v13, v1  }
.LBB2_61:
0x1e5: {  	vm3 =	vge.f32 v12, v4;
	vm4 =	vge.f32 v12, v3;
	v13 =	vsel vm2, $0x1, v5  }
.Ltmp46:
0x1e6: {  	vm15 =	vge.f32 v12, v1;
	v15 =	vsel vm1, $0x1, v5;
	v14 =	vsel vm3, $0x1, v5;
	(pc) =	sbr.rel .LBB2_62-.Ltmp46, $4  }
0x1e7: {  	v11 =	vadd.s32 v13, v11;
	v62 =	vsel vm4, $0x1, v5;
	v63 =	vsel vm15, $0x1, v5  }
0x1e8: {  	v5 =	vsel vm0, $0x1, v5;
	v9 =	vadd.s32 v15, v9;
	v6 =	vadd.s32 v14, v6  }
0x1e9: {  	v7 =	vadd.s32 v62, v7;
	v8 =	vadd.s32 v63, v8;
	v10 =	vadd.s32 v5, v10  }
0x1ea: {  	v5 =	vadd.s32 v6, v9;
	v6 =	vadd.s32 v7, v10;
	v7 =	vadd.s32 v8, v11  }
.LBB2_58:
0x1eb: {  	v5 =	vimm.s32 $0x0;
	v6 =	vimm.s32 $0x0;
	v7 =	vimm.s32 $0x0  }
.LBB2_62:
0x1ec: {  	(xrf0) =	vadd.scan.msk.s32 $0xffff, v5;
	s4 =	sadd.s32 $0x7, s2  }
0x1ed: {  	(xrf0) =	vadd.scan.msk.s32 $0xffff, v6;
	s5 =	sand.u32 $0x7, s4  }
0x1ee: {  	p0 =	slt.s32 s2, $0xFFFFFFFA;
	(xrf0) =	vadd.scan.msk.s32 $0xffff, v7;
	p1 =	sne.s32 s5, $0x0  }
0x1ef: {  	s31 =	sshrl.u32 s4, $0x1D;
	p0 =	por !p0, !p1  }
0x1f0: {  	s2 =	sadd.s32 s31, s4;
	s4 =	simm.s32 $0x1;
	p0 =	por !p0, !p0  }
0x1f1: {  	s2 =	sshra.s32 s2, $0x3;
	s4 =	simm.s32 @!p0 $0x0  }
0x1f2: {  	v5, _, _ =	vpop (xrf0);
	s4 =	ssub.s32 s2, s4  }
0x1f3: {  	v6, _, _ =	vpop (xrf0);
	v5 =	vbroadcast v5, $0xF;
	p0 =	slt.s32 s4, $0x1  }
.Ltmp47:
0x1f4: {  	v6 =	vbroadcast v6, $0xF;
	v7, _, _ =	vpop (xrf0);
	(pc) =	sbr.rel @p0 .LBB2_63-.Ltmp47, $4  }
0x1f5: {  	v7 =	vbroadcast v7, $0xF;
	vm0 =	vlt.s32 v5, v0  }
0x1f6: {  	vm1 =	vlt.s32 v6, v0;
	v2 =	vsel vm0, v2, v4  }
0x1f7: {  	vm15 =	vlt.s32 v7, v0;
	v2 =	vsel vm1, v2, v3  }
0x1f8: {  	s3 =	sadd.s32 $0x2800, s3;
	s2 =	simm.s32 $0x1;
	v1 =	vsel vm15, v2, v1  }
0x1f9: {  	s5 =	simm.s32 $0x40  }
0x1fa: {  	v3 =	vld [tilespmem:s5+$0xFFFFFFD0]  }
0x1fb: {  	v4 =	vld [tilespmem:s5+$0x20]  }
0x1fc: {  	v5 =	vld [tilespmem:s5+$0x30]  }
0x1fd: {  	v6 =	vld [tilespmem:s5+$0xFFFFFFE0]  }
0x1fe: {  	v9 =	vld [tilespmem:s5+$0xFFFFFFC0]  }
0x1ff: {  	v7 =	vsub.f32 v3, v1  }
0x200: {  	v2 =	vimm.f32 $0.0e+00;
	p0 =	sne.s32 s4, $0x1;
	v11 =	vimm.f32 $0.0e+00;
	v13 =	vld [tilespmem:s5+$0x10];
	vm0 =	vgt.f32 v3, v1  }
.Ltmp48:
0x201: {  	v12 =	vimm.f32 $0.0e+00;
	v10 =	vimm.f32 $0.0e+00;
	v3 =	vnsel vm0, $0x0, v7;
	v7 =	vld [tilespmem:s5+$0x0];
	(pc) =	sbr.rel @!p0 .LBB2_66-.Ltmp48, $4  }
0x202: {  	v16 =	vld [tilespmem:s5+$0xFFFFFFF0];
	vm2 =	vgt.f32 v4, v1;
	v8 =	vsub.f32 v5, v1;
	v4 =	vsub.f32 v4, v1  }
0x203: {  	vm1 =	vgt.f32 v6, v1;
	v17 =	vsub.f32 v9, v1;
	v14 =	vsub.f32 v6, v1  }
0x204: {  	v6 =	vimm.f32 $0.0e+00;
	vm0 =	vgt.f32 v5, v1;
	v15 =	vnsel vm2, $0x0, v4  }
0x205: {  	s4 =	sadd.s32 $0xFFFFFFFF, s4;
	v4 =	vimm.f32 $0.0e+00;
	s5 =	simm.s32 $0xC0;
	v5 =	vadd.f32 v3, v2;
	v3 =	vimm.f32 $0.0e+00  }
.LBB2_65:
0x206: {  	v18 =	vld [tilespmem:s5+$0xFFFFFFD0];
	p0 =	sne.s32 s4, $0x1;
	s4 =	sadd.s32 $0xFFFFFFFF, s4;
	vm2 =	vgt.f32 v7, v1;
	vm3 =	vgt.f32 v13, v1;
	v2 =	vadd.f32 v15, v2  }
0x207: {  	v19 =	vsub.f32 v7, v1;
	v8 =	vnsel vm0, $0x0, v8;
	v15 =	vld [tilespmem:s5+$0x20];
	vm4 =	vgt.f32 v16, v1  }
0x208: {  	vm0 =	vgt.f32 v9, v1;
	v13 =	vsub.f32 v13, v1;
	v9 =	vsub.f32 v16, v1;
	v20 =	vld [tilespmem:s5+$0x30]  }
0x209: {  	v16 =	vnsel vm0, $0x0, v17;
	v3 =	vadd.f32 v8, v3;
	v17 =	vnsel vm2, $0x0, v19;
	v7 =	vld [tilespmem:s5+$0x0]  }
0x20a: {  	v8 =	vnsel vm1, $0x0, v14;
	v14 =	vnsel vm4, $0x0, v9;
	v4 =	vadd.f32 v17, v4;
	v19 =	vld [tilespmem:s5+$0xFFFFFFE0]  }
0x20b: {  	v11 =	vadd.f32 v16, v11;
	v16 =	vnsel vm3, $0x0, v13;
	v9 =	vld [tilespmem:s5+$0xFFFFFFC0];
	v17 =	vsub.f32 v18, v1  }
.Ltmp49:
0x20c: {  	v12 =	vadd.f32 v8, v12;
	v6 =	vadd.f32 v16, v6;
	v13 =	vld [tilespmem:s5+$0x10];
	vm2 =	vgt.f32 v15, v1;
	(pc) =	sbr.rel @p0 .LBB2_65-.Ltmp49, $4  }
0x20d: {  	v10 =	vadd.f32 v14, v10;
	vm0 =	vgt.f32 v18, v1;
	v16 =	vld [tilespmem:s5+$0xFFFFFFF0];
	v8 =	vsub.f32 v20, v1  }
0x20e: {  	v15 =	vsub.f32 v15, v1;
	v14 =	vnsel vm0, $0x0, v17;
	vm0 =	vgt.f32 v20, v1  }
0x20f: {  	v5 =	vadd.f32 v14, v5;
	vm1 =	vgt.f32 v19, v1  }
0x210: {  	s5 =	sadd.s32 $0x80, s5;
	v15 =	vnsel vm2, $0x0, v15;
	v14 =	vsub.f32 v19, v1;
	v17 =	vsub.f32 v9, v1  }
.LBB2_66:
0x211: {  	vm2 =	vgt.f32 v9, v1  }
0x212: {  	v9 =	vnsel vm2, $0x0, v17  }
0x213: {  	v9 =	vadd.f32 v9, v11  }
0x214: {  	v58 =	vsub.f32 v16, v1;
	v14 =	vnsel vm1, $0x0, v14  }
0x215: {  	vm13 =	vgt.f32 v16, v1;
	v12 =	vadd.f32 v14, v12;
	v5 =	vadd.f32 v5, v9  }
0x216: {  	v59 =	vsub.f32 v7, v1;
	v11 =	vnsel vm13, $0x0, v58  }
0x217: {  	vm14 =	vgt.f32 v7, v1;
	v60 =	vadd.f32 v11, v10;
	v5 =	vadd.f32 v12, v5  }
0x218: {  	v61 =	vsub.f32 v13, v1;
	v9 =	vnsel vm14, $0x0, v59  }
0x219: {  	vm15 =	vgt.f32 v13, v1;
	v4 =	vadd.f32 v9, v4;
	v5 =	vadd.f32 v60, v5  }
0x21a: {  	v62 =	vnsel vm15, $0x0, v61  }
0x21b: {  	v6 =	vadd.f32 v62, v6;
	v4 =	vadd.f32 v4, v5;
	_ =	sdelay $0x1  }
.Ltmp50:
0x21c: {  	v2 =	vadd.f32 v15, v2;
	v4 =	vadd.f32 v6, v4;
	(pc) =	sbr.rel .LBB2_67-.Ltmp50, $3  }
0x21d: {  	v63 =	vnsel vm0, $0x0, v8  }
0x21e: {  	v3 =	vadd.f32 v63, v3;
	v2 =	vadd.f32 v2, v4;
	_ =	sdelay $0x1  }
0x21f: {  	v2 =	vadd.f32 v3, v2  }
.LBB2_63:
0x220: {  	v2 =	vimm.f32 $0.0e+00  }
.LBB2_67:
0x221: {  	_ = 	snop  }
0x222: {  	(xrf2) =	vadd.scan.msk.f32 $0xffff, v2;
	_ =	sdelay $0x2  }
0x223: {  	v0 =	vcvt.s32.f32 v0;
	_ =	sdelay $0x1  }
0x224: {  	(erf) = vrcp.f32 v0;
	_ =	sdelay $0x4  }
0x225: {  	v2, _, _ =	vpop (xrf2)  }
0x226: {  	v0 =	vmul.f32 v1, v0;
	v2 =	vbroadcast v2, $0xF;
	_ =	sdelay $0x1  }
0x227: {  	v0 =	vadd.f32 v2, v0  }
0x228: {  	v63 =	vpop (erf)  }
0x229: {  	v0 =	vmul.f32 v0, v63;
	_ =	sdelay $0x1  }
0x22a: {  	s4 =	simm.s32 $0x0;
	s5 =	simm.s32 $0x1100;
	[tilespmem:$0x1100] =	vst v0  }
0x22b: {  	[hbm4b:s3+s4] =	stream.linear.scatter [tilespmem:s5], [sflag:$0x1], $0x80, $0x38;
	[tilespmem:$0x1180] =	vst v63  }
0x22c: {  	_ =	swait.ge [sflag:s2], $0x80  }
0x22d: {  	[sflag:s2] =	ssyncset.done $0x0  }
0x22e: {  	[sflag:s2] =	ssyncadd.s32 $0xFFFFFF80  }
.LBB2_68:
0x22f: {  	_ =	sfence.sel $0x180000  }
0x230: {  	[bflag:$0x0] =	sbarrier.arrive $0xFFFF  }
0x231: {  	p0 =	sne.s32 s1, $0x0;
	_ =	strace $0x90000047  }
0x232: {  	s0 =	sadd.s32 @!p0 $0x100000, s0;
	[bflag:$0x2] =	sbarrier.arrive $0xFFFF  }
0x233: {  	[sflag:s0] =	ssyncadd.tile.s32 @!p0 $0x1;
	_ =	shalt  }
.Lfunc_end2:
_tile_overlayer_lowered:
.L_overlay_start_2:
0x234: {  	(tag) =	ssettag $0x2  }
0x235: {  	s0 =	rddreg [dreg:$0x0];
	s2 =	stileid.u32  }
0x236: {  	s1 =	rddreg [dreg:$0x1];
	p0 =	sne.s32 s2, $0x0  }
0x237: {  	s3 =	rddreg [dreg:$0x2];
	[bflag:$0x3] =	sbarrier.arrive $0xFFFF;
	s2 =	simm.s32 @!p0 $0x1C03  }
0x238: {  	[timem:s3], [sflag:s2] =	dma.local @!p0 [hbm:s0], s1  }
0x239: {  	s0 =	simm.s32 @!p0 $0x3  }
0x23a: {  	_ =	swait.ge @!p0 [sflag:s0], s1  }
0x23b: {  	s1 =	ssub.s32 @!p0 $0x0, s1;
	[sflag:s0] =	ssyncset.done @!p0 $0x0  }
0x23c: {  	[sflag:s0] =	ssyncadd.s32 @!p0 s1  }
0x23d: {  	[bflag:$0x3] =	sbarrier.arrive $0xFFFF  }
0x23e: {  	_ =	shalt  }

</sc_bundles>
